<compile_context>
chip_gen: v7x
topology: tpu7x:2x2x1
jax: 0.10.2.dev20260603
libtpu: 0.0.44.dev20260713+nightly
codegen_flags: <defaults>
</compile_context>

<pallas_src>
import functools

import jax
import jax.numpy as jnp
from jax import lax
from jax.experimental import pallas as pl
from jax.experimental.pallas import tpu as pltpu
from jax.experimental.pallas import tpu_sc as plsc

N = 10000
E = 320000
D_IN = 128
H = 256
HH = 128
EPS = 1e-5

NSUB = 16
NCORE = 2
B = 128
NBLK = 160
E_PAD = NSUB * NBLK * B
DUMP = N
NROWS_SH = 10112
ZROWS = 632
WB = 624
WB_TAIL = N - NSUB * WB
SBLK = 40

R = 1000
NROWBLK = N // R



_MESH = plsc.VectorSubcoreMesh(
    core_axis_name="c", subcore_axis_name="s", num_cores=NCORE,
    num_subcores=NSUB)


def _hist_body(dst3_hbm, ones_hbm, zeros16_hbm, deg_hbm,
               dstv, onesv, shared16, sem):
    c = lax.axis_index("c")
    s = lax.axis_index("s")
    del sem

    @pl.when(c == 0)
    def _():
        pltpu.sync_copy(zeros16_hbm, shared16.at[pl.ds(s * ZROWS, ZROWS)])
        pltpu.sync_copy(ones_hbm, onesv)
        pltpu.sync_copy(dst3_hbm.at[s], dstv)
        plsc.subcore_barrier()

        def body(j, carry):
            pltpu.sync_copy(onesv, shared16.at[dstv.at[j]], add=True)
            return carry

        lax.fori_loop(0, NBLK, body, 0)
        plsc.subcore_barrier()
        pltpu.sync_copy(shared16.at[pl.ds(s * WB, WB)],
                        deg_hbm.at[pl.ds(s * WB, WB)])

        @pl.when(s == NSUB - 1)
        def _():
            pltpu.sync_copy(shared16.at[pl.ds(NSUB * WB, WB_TAIL)],
                            deg_hbm.at[pl.ds(NSUB * WB, WB_TAIL)])


def _sc_hist(dst3, ones, zeros):
    return pl.kernel(
        _hist_body,
        out_type=jax.ShapeDtypeStruct((N, HH), jnp.float32),
        mesh=_MESH,
        scratch_types=[
            pltpu.VMEM((NBLK, B), jnp.int32),
            pltpu.VMEM((B, HH), jnp.float32),
            pltpu.VMEM_SHARED((NROWS_SH, HH), jnp.float32),
            pltpu.SemaphoreType.DMA,
        ],
    )(dst3, ones, zeros)


def _agg_body(src3_hbm, dst3_hbm, hp_lo_hbm, hp_hi_hbm, zeros_hbm,
              agg_lo_hbm, agg_hi_hbm,
              srcv, dstv, rows0, rows1, shared, sem0, sem1):
    c = lax.axis_index("c")
    s = lax.axis_index("s")
    pltpu.sync_copy(zeros_hbm, shared.at[pl.ds(s * ZROWS, ZROWS)])
    plsc.subcore_barrier()

    def run_half(hp_hbm, agg_hbm):
        def outer(g, carry):
            pltpu.sync_copy(src3_hbm.at[s, pl.ds(g * SBLK, SBLK)], srcv)
            pltpu.sync_copy(dst3_hbm.at[s, pl.ds(g * SBLK, SBLK)], dstv)
            pltpu.async_copy(hp_hbm.at[srcv.at[0]], rows0, sem0)
            pltpu.async_copy(hp_hbm.at[srcv.at[1]], rows1, sem1)

            def body(i, c2):
                j0 = 2 * i
                j1 = j0 + 1
                pltpu.make_async_copy(hp_hbm.at[srcv.at[j0]], rows0,
                                      sem0).wait()
                pltpu.sync_copy(rows0, shared.at[dstv.at[j0]], add=True)

                @pl.when(j0 + 2 < SBLK)
                def _():
                    pltpu.async_copy(hp_hbm.at[srcv.at[j0 + 2]], rows0, sem0)

                pltpu.make_async_copy(hp_hbm.at[srcv.at[j1]], rows1,
                                      sem1).wait()
                pltpu.sync_copy(rows1, shared.at[dstv.at[j1]], add=True)

                @pl.when(j1 + 2 < SBLK)
                def _():
                    pltpu.async_copy(hp_hbm.at[srcv.at[j1 + 2]], rows1, sem1)

                return c2

            lax.fori_loop(0, SBLK // 2, body, carry)
            return carry

        lax.fori_loop(0, NBLK // SBLK, outer, 0)
        plsc.subcore_barrier()
        pltpu.sync_copy(shared.at[pl.ds(s * WB, WB)],
                        agg_hbm.at[pl.ds(s * WB, WB)])

        @pl.when(s == NSUB - 1)
        def _():
            pltpu.sync_copy(shared.at[pl.ds(NSUB * WB, WB_TAIL)],
                            agg_hbm.at[pl.ds(NSUB * WB, WB_TAIL)])

    @pl.when(c == 0)
    def _():
        run_half(hp_lo_hbm, agg_lo_hbm)

    @pl.when(c == 1)
    def _():
        run_half(hp_hi_hbm, agg_hi_hbm)


def _sc_agg(src3, dst3, hp_lo, hp_hi, zeros):
    return pl.kernel(
        _agg_body,
        out_type=(jax.ShapeDtypeStruct((N, HH), jnp.float32),
                  jax.ShapeDtypeStruct((N, HH), jnp.float32)),
        mesh=_MESH,
        scratch_types=[
            pltpu.VMEM((SBLK, B), jnp.int32),
            pltpu.VMEM((SBLK, B), jnp.int32),
            pltpu.VMEM((B, HH), jnp.float32),
            pltpu.VMEM((B, HH), jnp.float32),
            pltpu.VMEM_SHARED((NROWS_SH, HH), jnp.float32),
            pltpu.SemaphoreType.DMA,
            pltpu.SemaphoreType.DMA,
        ],
    )(src3, dst3, hp_lo, hp_hi, zeros)



def _dinv_of(deg_blk):
    return lax.rsqrt(deg_blk[:, 0:1] + 1.0)


def _k1_body(x_ref, w1_ref, deg_ref, hplo_ref, hphi_ref):
    h = jnp.dot(x_ref[...], w1_ref[...], preferred_element_type=jnp.float32)
    hp = h * _dinv_of(deg_ref[...])
    hplo_ref[...] = hp[:, :HH]
    hphi_ref[...] = hp[:, HH:]


def _tc_layer1(x, W1, deg):
    return pl.pallas_call(
        _k1_body,
        grid=(NROWBLK,),
        in_specs=[
            pl.BlockSpec((R, D_IN), lambda i: (i, 0)),
            pl.BlockSpec((D_IN, H), lambda i: (0, 0)),
            pl.BlockSpec((R, HH), lambda i: (i, 0)),
        ],
        out_specs=(pl.BlockSpec((R, HH), lambda i: (i, 0)),
                   pl.BlockSpec((R, HH), lambda i: (i, 0))),
        out_shape=(jax.ShapeDtypeStruct((N, HH), jnp.float32),
                   jax.ShapeDtypeStruct((N, HH), jnp.float32)),
    )(x, W1, deg)


def _mid_body(with_res, agglo_ref, agghi_ref, hplo_ref, hphi_ref, deg_ref,
              b_ref, w_ref, *rest):
    if with_res:
        res_ref, act_ref, nlo_ref, nhi_ref = rest
    else:
        act_ref, nlo_ref, nhi_ref = rest
    dinv = _dinv_of(deg_ref[...])
    agg = jnp.concatenate([agglo_ref[...], agghi_ref[...]], axis=1)
    hp = jnp.concatenate([hplo_ref[...], hphi_ref[...]], axis=1)
    act = jnp.maximum(dinv * (agg + hp) + b_ref[...], 0.0)
    if with_res:
        act = act + res_ref[...]
    h = jnp.dot(act, w_ref[...], preferred_element_type=jnp.float32)
    hp2 = h * dinv
    act_ref[...] = act
    nlo_ref[...] = hp2[:, :HH]
    nhi_ref[...] = hp2[:, HH:]


def _tc_mid(agglo, agghi, hplo, hphi, deg, b, W, res=None):
    with_res = res is not None
    in_specs = [
        pl.BlockSpec((R, HH), lambda i: (i, 0)),
        pl.BlockSpec((R, HH), lambda i: (i, 0)),
        pl.BlockSpec((R, HH), lambda i: (i, 0)),
        pl.BlockSpec((R, HH), lambda i: (i, 0)),
        pl.BlockSpec((R, HH), lambda i: (i, 0)),
        pl.BlockSpec((1, H), lambda i: (0, 0)),
        pl.BlockSpec((H, H), lambda i: (0, 0)),
    ]
    args = [agglo, agghi, hplo, hphi, deg, b, W]
    if with_res:
        in_specs.append(pl.BlockSpec((R, H), lambda i: (i, 0)))
        args.append(res)
    return pl.pallas_call(
        functools.partial(_mid_body, with_res),
        grid=(NROWBLK,),
        in_specs=in_specs,
        out_specs=(pl.BlockSpec((R, H), lambda i: (i, 0)),
                   pl.BlockSpec((R, HH), lambda i: (i, 0)),
                   pl.BlockSpec((R, HH), lambda i: (i, 0))),
        out_shape=(jax.ShapeDtypeStruct((N, H), jnp.float32),
                   jax.ShapeDtypeStruct((N, HH), jnp.float32),
                   jax.ShapeDtypeStruct((N, HH), jnp.float32)),
    )(*args)


def _fin_body(agglo_ref, agghi_ref, hplo_ref, hphi_ref, deg_ref, b_ref,
              res_ref, pw1_ref, pb1_ref, pw2_ref, pb2_ref, lng_ref, lnb_ref,
              out_ref, acc_ref):
    i = pl.program_id(0)
    dinv = _dinv_of(deg_ref[...])
    agg = jnp.concatenate([agglo_ref[...], agghi_ref[...]], axis=1)
    hp = jnp.concatenate([hplo_ref[...], hphi_ref[...]], axis=1)
    h3 = jnp.maximum(dinv * (agg + hp) + b_ref[...], 0.0) + res_ref[...]
    part = jnp.sum(h3, axis=0, keepdims=True)

    @pl.when(i == 0)
    def _():
        acc_ref[...] = part

    @pl.when(i > 0)
    def _():
        acc_ref[...] = acc_ref[...] + part

    @pl.when(i == NROWBLK - 1)
    def _():
        g = acc_ref[...] * (1.0 / N)
        g = jnp.maximum(
            jnp.dot(g, pw1_ref[...], preferred_element_type=jnp.float32)
            + pb1_ref[...], 0.0)
        g = (jnp.dot(g, pw2_ref[...], preferred_element_type=jnp.float32)
             + pb2_ref[...])
        mu = jnp.mean(g, axis=-1, keepdims=True)
        var = jnp.mean((g - mu) ** 2, axis=-1, keepdims=True)
        out_ref[...] = (g - mu) * lax.rsqrt(var + EPS) * lng_ref[...] \
            + lnb_ref[...]


def _tc_final(agglo, agghi, hplo, hphi, deg, b, res, PW1, Pb1, PW2, Pb2,
              ln_g, ln_b):
    vec = lambda i: (0, 0)
    return pl.pallas_call(
        _fin_body,
        grid=(NROWBLK,),
        in_specs=[
            pl.BlockSpec((R, HH), lambda i: (i, 0)),
            pl.BlockSpec((R, HH), lambda i: (i, 0)),
            pl.BlockSpec((R, HH), lambda i: (i, 0)),
            pl.BlockSpec((R, HH), lambda i: (i, 0)),
            pl.BlockSpec((R, HH), lambda i: (i, 0)),
            pl.BlockSpec((1, H), vec),
            pl.BlockSpec((R, H), lambda i: (i, 0)),
            pl.BlockSpec((H, H), vec),
            pl.BlockSpec((1, H), vec),
            pl.BlockSpec((H, H), vec),
            pl.BlockSpec((1, H), vec),
            pl.BlockSpec((1, H), vec),
            pl.BlockSpec((1, H), vec),
        ],
        out_specs=pl.BlockSpec((1, H), vec),
        out_shape=jax.ShapeDtypeStruct((1, H), jnp.float32),
        scratch_shapes=[pltpu.VMEM((1, H), jnp.float32)],
    )(agglo, agghi, hplo, hphi, deg, b, res, PW1, Pb1, PW2, Pb2, ln_g, ln_b)



def kernel(x, edge_index, W1, b1, W2, b2, W3, b3, PW1, Pb1, PW2, Pb2,
           ln_g, ln_b):
    src = edge_index[0]
    dst = edge_index[1]
    pad = E_PAD - E
    srcp = jnp.concatenate([src, jnp.zeros((pad,), jnp.int32)])
    dstp = jnp.concatenate([dst, jnp.full((pad,), DUMP, jnp.int32)])
    src3 = srcp.reshape(NSUB, NBLK, B)
    dst3 = dstp.reshape(NSUB, NBLK, B)

    zeros = jnp.zeros((ZROWS, HH), jnp.float32)
    ones = jnp.zeros((B, HH), jnp.float32).at[:, 0].set(1.0)

    b1r, b2r, b3r = (v.reshape(1, H) for v in (b1, b2, b3))
    pb1r, pb2r = Pb1.reshape(1, H), Pb2.reshape(1, H)
    lngr, lnbr = ln_g.reshape(1, H), ln_b.reshape(1, H)

    deg = _sc_hist(dst3, ones, zeros)

    hplo1, hphi1 = _tc_layer1(x, W1, deg)
    agglo1, agghi1 = _sc_agg(src3, dst3, hplo1, hphi1, zeros)

    act1, hplo2, hphi2 = _tc_mid(agglo1, agghi1, hplo1, hphi1, deg, b1r, W2)
    agglo2, agghi2 = _sc_agg(src3, dst3, hplo2, hphi2, zeros)

    act2, hplo3, hphi3 = _tc_mid(agglo2, agghi2, hplo2, hphi2, deg, b2r, W3,
                                 res=act1)
    agglo3, agghi3 = _sc_agg(src3, dst3, hplo3, hphi3, zeros)

    return _tc_final(agglo3, agghi3, hplo3, hphi3, deg, b3r, act2,
                     PW1, pb1r, PW2, pb2r, lngr, lnbr)

# --- scband reference (transcript-rebuilt; emitter-appended) ---
"""Pipeline reference for scband-graph-encoder-57664230916996 (READ-ONLY COPY).

The authoritative reference and input builder live on the scoring server;
editing this copy changes nothing except your own understanding.
"""

import jax, jax.numpy as jnp
import numpy as np

N = 10000
E = 320000
D_IN = 128
H = 256
D_OUT = 256
EPS = 1e-5


def _init_linear(key, fan_in, fan_out):
    k1, k2 = jax.random.split(key)
    bound = 1.0 / np.sqrt(fan_in)
    W = jax.random.uniform(k1, (fan_in, fan_out), minval=-bound, maxval=bound, dtype=jnp.float32)
    b = jax.random.uniform(k2, (fan_out,), minval=-bound, maxval=bound, dtype=jnp.float32)
    return W, b


def setup_inputs(seed: int = 0):
    key = jax.random.key(seed)
    ks = jax.random.split(key, 10)
    x = jax.random.normal(ks[0], (N, D_IN), dtype=jnp.float32)
    edge_index = jax.random.randint(ks[1], (2, E), 0, N, dtype=jnp.int32)
    W1, b1 = _init_linear(ks[2], D_IN, H)
    W2, b2 = _init_linear(ks[3], H, H)
    W3, b3 = _init_linear(ks[4], H, H)
    PW1, Pb1 = _init_linear(ks[5], H, H)
    PW2, Pb2 = _init_linear(ks[6], H, D_OUT)
    ln_g = jnp.ones((D_OUT,), dtype=jnp.float32)
    ln_b = jnp.zeros((D_OUT,), dtype=jnp.float32)
    return {
        'x': x, 'edge_index': edge_index,
        'W1': W1, 'b1': b1, 'W2': W2, 'b2': b2, 'W3': W3, 'b3': b3,
        'PW1': PW1, 'Pb1': Pb1, 'PW2': PW2, 'Pb2': Pb2,
        'ln_g': ln_g, 'ln_b': ln_b,
    }


def gcn_conv(x, src, dst, norm, W, b):
    # x already includes all nodes; src/dst include self-loops; norm precomputed D^-1/2 A D^-1/2
    h = x @ W
    msg = jnp.take(h, src, axis=0) * norm[:, None]
    out = jnp.zeros((x.shape[0], h.shape[1]), dtype=h.dtype).at[dst].add(msg)
    return out + b


def _build_graph(edge_index, n):
    loop = jnp.arange(n, dtype=edge_index.dtype)
    src = jnp.concatenate([edge_index[0], loop])
    dst = jnp.concatenate([edge_index[1], loop])
    deg = jnp.zeros((n,), dtype=jnp.float32).at[dst].add(1.0)
    dinv = jnp.where(deg > 0, 1.0 / jnp.sqrt(deg), 0.0)
    norm = dinv[src] * dinv[dst]
    return src, dst, norm


def reference(x, edge_index, W1, b1, W2, b2, W3, b3, PW1, Pb1, PW2, Pb2, ln_g, ln_b):
    n = x.shape[0]
    src, dst, norm = _build_graph(edge_index, n)
    h1 = jax.nn.relu(gcn_conv(x, src, dst, norm, W1, b1))
    h2 = jax.nn.relu(gcn_conv(h1, src, dst, norm, W2, b2)) + h1
    h3 = jax.nn.relu(gcn_conv(h2, src, dst, norm, W3, b3)) + h2
    # batch is None -> single graph: global mean pool over all nodes
    g = jnp.mean(h3, axis=0, keepdims=True)  # [1, H]
    g = jax.nn.relu(g @ PW1 + Pb1)
    # dropout is identity in eval mode
    g = g @ PW2 + Pb2
    mu = jnp.mean(g, axis=-1, keepdims=True)
    var = jnp.var(g, axis=-1, keepdims=True)
    g = (g - mu) / jnp.sqrt(var + EPS) * ln_g + ln_b
    return g

if __name__ == "__main__":
    import jax
    _d = setup_inputs()
    print(jax.jit(kernel)(*tuple(_d.values())))

</pallas_src>

<mosaic_0001>
#map = affine_map<(d0, d1) -> (0, 0, 0)>
#map1 = affine_map<(d0, d1) -> (0, 0)>
module attributes {stable_mosaic.version = 14 : i64} {
  func.func @_agg_body(%arg0: i32, %arg1: i32, %arg2: memref<16x160x128xi32, #tpu.memory_space<hbm>>, %arg3: memref<16x160x128xi32, #tpu.memory_space<hbm>>, %arg4: memref<10000x128xf32, #tpu.memory_space<hbm>>, %arg5: memref<10000x128xf32, #tpu.memory_space<hbm>>, %arg6: memref<632x128xf32, #tpu.memory_space<hbm>>, %arg7: memref<10000x128xf32, #tpu.memory_space<hbm>>, %arg8: memref<10000x128xf32, #tpu.memory_space<hbm>>, %arg9: memref<40x128xi32, #tpu.memory_space<vmem>>, %arg10: memref<40x128xi32, #tpu.memory_space<vmem>>, %arg11: memref<128x128xf32, #tpu.memory_space<vmem>>, %arg12: memref<128x128xf32, #tpu.memory_space<vmem>>, %arg13: memref<10112x128xf32, #tpu.memory_space<vmem_shared>>, %arg14: memref<!tpu.dma_semaphore, #tpu.memory_space<semaphore_mem>>, %arg15: memref<!tpu.dma_semaphore, #tpu.memory_space<semaphore_mem>>) attributes {dimension_semantics = [#tpu.dimension_semantics<core_parallel>, #tpu.dimension_semantics<subcore_parallel>], iteration_bounds = array<i64: 2, 16>, scalar_prefetch = 0 : i64, scratch_operands = 7 : i64, tpu.core_type = #tpu.core_type<sc_vector_subcore>, window_params = [{transform_indices = #map}, {transform_indices = #map}, {transform_indices = #map1}, {transform_indices = #map1}, {transform_indices = #map1}, {transform_indices = #map1}, {transform_indices = #map1}]} {
    %mul3A = arith.constant 632 : i32
    %mul3A_0 = arith.muli %arg1, %mul3A : i32
    "tpu.region"() ({
      %run_scoped3A = tpu.sem_alloc : memref<!tpu.dma_semaphore, #tpu.memory_space<semaphore_mem>>
      %dma_start3A = arith.constant 0 : i32
      %dma_start3A_8 = tpu.memref_slice %arg13[%mul3A_0, %dma_start3A] : memref<10112x128xf32, #tpu.memory_space<vmem_shared>> -> memref<632x128xf32, #tpu.memory_space<vmem_shared>>
      tpu.enqueue_dma source(%arg6 : memref<632x128xf32, #tpu.memory_space<hbm>>) target(%dma_start3A_8 : memref<632x128xf32, #tpu.memory_space<vmem_shared>>) target_semaphore(%run_scoped3A : memref<!tpu.dma_semaphore, #tpu.memory_space<semaphore_mem>>)
      %dma_wait3A = arith.constant 0 : i32
      %dma_wait3A_9 = tpu.memref_slice %arg13[%mul3A_0, %dma_wait3A] : memref<10112x128xf32, #tpu.memory_space<vmem_shared>> -> memref<632x128xf32, #tpu.memory_space<vmem_shared>>
      tpu.wait_dma2 semaphore(%run_scoped3A : memref<!tpu.dma_semaphore, #tpu.memory_space<semaphore_mem>>) src(%arg6 : memref<632x128xf32, #tpu.memory_space<hbm>>) dst(%dma_wait3A_9 : memref<632x128xf32, #tpu.memory_space<vmem_shared>>)
      tpu.yield
    }) : () -> ()
    %barrier3A = arith.constant 0 : index
    tpu.barrier barrier_id(%barrier3A)
    %eq3A = arith.constant 0 : i32
    %eq3A_1 = arith.cmpi eq, %arg0, %eq3A : i32
    %convert_element_type3A = arith.extui %eq3A_1 : i1 to i32
    %cond3A = arith.constant 0 : i32
    %cond3A_2 = arith.cmpi ne, %convert_element_type3A, %cond3A : i32
    scf.if %cond3A_2 {
      %scan3A = arith.constant 0 : i32
      %scan3A_8 = arith.constant 0 : i32
      %scan3A_9 = arith.constant 4 : i32
      %scan3A_10 = arith.addi %scan3A_8, %scan3A_9 : i32
      %scan3A_11 = arith.constant 1 : i32
      scf.for %scan3A_23 = %scan3A_8 to %scan3A_10 step %scan3A_11  : i32 {
        %mul3A_24 = arith.constant 40 : i32
        %mul3A_25 = arith.muli %scan3A_23, %mul3A_24 : i32
        "tpu.region"() ({
          %run_scoped3A = tpu.sem_alloc : memref<!tpu.dma_semaphore, #tpu.memory_space<semaphore_mem>>
          %dma_start3A_46 = arith.constant 0 : i32
          %dma_start3A_47 = tpu.memref_slice %arg2[%arg1, %mul3A_25, %dma_start3A_46] : memref<16x160x128xi32, #tpu.memory_space<hbm>> -> memref<1x40x128xi32, #tpu.memory_space<hbm>>
          %dma_start3A_48 = tpu.memref_squeeze %dma_start3A_47 : memref<1x40x128xi32, #tpu.memory_space<hbm>> -> memref<40x128xi32, #tpu.memory_space<hbm>>
          %dma_start3A_49 = arith.constant 0 : i32
          %dma_start3A_50 = tpu.memref_slice %arg2[%arg1, %mul3A_25, %dma_start3A_49] : memref<16x160x128xi32, #tpu.memory_space<hbm>> -> memref<1x40x128xi32, #tpu.memory_space<hbm>>
          %dma_start3A_51 = tpu.memref_squeeze %dma_start3A_50 : memref<1x40x128xi32, #tpu.memory_space<hbm>> -> memref<40x128xi32, #tpu.memory_space<hbm>>
          tpu.enqueue_dma source(%dma_start3A_51 : memref<40x128xi32, #tpu.memory_space<hbm>>) target(%arg9 : memref<40x128xi32, #tpu.memory_space<vmem>>) target_semaphore(%run_scoped3A : memref<!tpu.dma_semaphore, #tpu.memory_space<semaphore_mem>>)
          %dma_wait3A = arith.constant 0 : i32
          %dma_wait3A_52 = tpu.memref_slice %arg2[%arg1, %mul3A_25, %dma_wait3A] : memref<16x160x128xi32, #tpu.memory_space<hbm>> -> memref<1x40x128xi32, #tpu.memory_space<hbm>>
          %dma_wait3A_53 = tpu.memref_squeeze %dma_wait3A_52 : memref<1x40x128xi32, #tpu.memory_space<hbm>> -> memref<40x128xi32, #tpu.memory_space<hbm>>
          %dma_wait3A_54 = arith.constant 0 : i32
          %dma_wait3A_55 = tpu.memref_slice %arg2[%arg1, %mul3A_25, %dma_wait3A_54] : memref<16x160x128xi32, #tpu.memory_space<hbm>> -> memref<1x40x128xi32, #tpu.memory_space<hbm>>
          %dma_wait3A_56 = tpu.memref_squeeze %dma_wait3A_55 : memref<1x40x128xi32, #tpu.memory_space<hbm>> -> memref<40x128xi32, #tpu.memory_space<hbm>>
          tpu.wait_dma2 semaphore(%run_scoped3A : memref<!tpu.dma_semaphore, #tpu.memory_space<semaphore_mem>>) src(%dma_wait3A_56 : memref<40x128xi32, #tpu.memory_space<hbm>>) dst(%arg9 : memref<40x128xi32, #tpu.memory_space<vmem>>)
          tpu.yield
        }) : () -> ()
        %mul3A_26 = arith.constant 40 : i32
        %mul3A_27 = arith.muli %scan3A_23, %mul3A_26 : i32
        "tpu.region"() ({
          %run_scoped3A = tpu.sem_alloc : memref<!tpu.dma_semaphore, #tpu.memory_space<semaphore_mem>>
          %dma_start3A_46 = arith.constant 0 : i32
          %dma_start3A_47 = tpu.memref_slice %arg3[%arg1, %mul3A_27, %dma_start3A_46] : memref<16x160x128xi32, #tpu.memory_space<hbm>> -> memref<1x40x128xi32, #tpu.memory_space<hbm>>
          %dma_start3A_48 = tpu.memref_squeeze %dma_start3A_47 : memref<1x40x128xi32, #tpu.memory_space<hbm>> -> memref<40x128xi32, #tpu.memory_space<hbm>>
          %dma_start3A_49 = arith.constant 0 : i32
          %dma_start3A_50 = tpu.memref_slice %arg3[%arg1, %mul3A_27, %dma_start3A_49] : memref<16x160x128xi32, #tpu.memory_space<hbm>> -> memref<1x40x128xi32, #tpu.memory_space<hbm>>
          %dma_start3A_51 = tpu.memref_squeeze %dma_start3A_50 : memref<1x40x128xi32, #tpu.memory_space<hbm>> -> memref<40x128xi32, #tpu.memory_space<hbm>>
          tpu.enqueue_dma source(%dma_start3A_51 : memref<40x128xi32, #tpu.memory_space<hbm>>) target(%arg10 : memref<40x128xi32, #tpu.memory_space<vmem>>) target_semaphore(%run_scoped3A : memref<!tpu.dma_semaphore, #tpu.memory_space<semaphore_mem>>)
          %dma_wait3A = arith.constant 0 : i32
          %dma_wait3A_52 = tpu.memref_slice %arg3[%arg1, %mul3A_27, %dma_wait3A] : memref<16x160x128xi32, #tpu.memory_space<hbm>> -> memref<1x40x128xi32, #tpu.memory_space<hbm>>
          %dma_wait3A_53 = tpu.memref_squeeze %dma_wait3A_52 : memref<1x40x128xi32, #tpu.memory_space<hbm>> -> memref<40x128xi32, #tpu.memory_space<hbm>>
          %dma_wait3A_54 = arith.constant 0 : i32
          %dma_wait3A_55 = tpu.memref_slice %arg3[%arg1, %mul3A_27, %dma_wait3A_54] : memref<16x160x128xi32, #tpu.memory_space<hbm>> -> memref<1x40x128xi32, #tpu.memory_space<hbm>>
          %dma_wait3A_56 = tpu.memref_squeeze %dma_wait3A_55 : memref<1x40x128xi32, #tpu.memory_space<hbm>> -> memref<40x128xi32, #tpu.memory_space<hbm>>
          tpu.wait_dma2 semaphore(%run_scoped3A : memref<!tpu.dma_semaphore, #tpu.memory_space<semaphore_mem>>) src(%dma_wait3A_56 : memref<40x128xi32, #tpu.memory_space<hbm>>) dst(%arg10 : memref<40x128xi32, #tpu.memory_space<vmem>>)
          tpu.yield
        }) : () -> ()
        %dma_start3A = arith.constant 0 : i32
        %dma_start3A_28 = arith.constant 0 : i32
        %dma_start3A_29 = tpu.memref_slice %arg9[%dma_start3A, %dma_start3A_28] : memref<40x128xi32, #tpu.memory_space<vmem>> -> memref<1x128xi32, #tpu.memory_space<vmem>>
        %dma_start3A_30 = tpu.memref_squeeze %dma_start3A_29 : memref<1x128xi32, #tpu.memory_space<vmem>> -> memref<128xi32, #tpu.memory_space<vmem>>
        %dma_start3A_31 = arith.constant 0 : i32
        %dma_start3A_32 = arith.constant 0 : i32
        %dma_start3A_33 = tpu.memref_slice %arg4[%dma_start3A_31, %dma_start3A_32] : memref<10000x128xf32, #tpu.memory_space<hbm>> -> memref<10000x128xf32, #tpu.memory_space<hbm>>
        tpu.enqueue_indirect_dma source(%dma_start3A_33 : memref<10000x128xf32, #tpu.memory_space<hbm>>) target(%arg11 : memref<128x128xf32, #tpu.memory_space<vmem>>) offsets(%dma_start3A_30 : memref<128xi32, #tpu.memory_space<vmem>>) semaphore(%arg14 : memref<!tpu.dma_semaphore, #tpu.memory_space<semaphore_mem>>)
        %dma_start3A_34 = arith.constant 1 : i32
        %dma_start3A_35 = arith.constant 0 : i32
        %dma_start3A_36 = tpu.memref_slice %arg9[%dma_start3A_34, %dma_start3A_35] : memref<40x128xi32, #tpu.memory_space<vmem>> -> memref<1x128xi32, #tpu.memory_space<vmem>>
        %dma_start3A_37 = tpu.memref_squeeze %dma_start3A_36 : memref<1x128xi32, #tpu.memory_space<vmem>> -> memref<128xi32, #tpu.memory_space<vmem>>
        %dma_start3A_38 = arith.constant 0 : i32
        %dma_start3A_39 = arith.constant 0 : i32
        %dma_start3A_40 = tpu.memref_slice %arg4[%dma_start3A_38, %dma_start3A_39] : memref<10000x128xf32, #tpu.memory_space<hbm>> -> memref<10000x128xf32, #tpu.memory_space<hbm>>
        tpu.enqueue_indirect_dma source(%dma_start3A_40 : memref<10000x128xf32, #tpu.memory_space<hbm>>) target(%arg12 : memref<128x128xf32, #tpu.memory_space<vmem>>) offsets(%dma_start3A_37 : memref<128xi32, #tpu.memory_space<vmem>>) semaphore(%arg15 : memref<!tpu.dma_semaphore, #tpu.memory_space<semaphore_mem>>)
        %scan3A_41 = arith.constant 0 : i32
        %scan3A_42 = arith.constant 20 : i32
        %scan3A_43 = arith.addi %scan3A_41, %scan3A_42 : i32
        %scan3A_44 = arith.constant 1 : i32
        scf.for %scan3A_46 = %scan3A_41 to %scan3A_43 step %scan3A_44  : i32 {
          %mul3A_47 = arith.constant 2 : i32
          %mul3A_48 = arith.muli %mul3A_47, %scan3A_46 : i32
          %add3A = arith.constant 1 : i32
          %add3A_49 = arith.addi %mul3A_48, %add3A : i32
          %dma_wait3A = arith.constant 0 : i32
          %dma_wait3A_50 = tpu.memref_slice %arg9[%mul3A_48, %dma_wait3A] : memref<40x128xi32, #tpu.memory_space<vmem>> -> memref<1x128xi32, #tpu.memory_space<vmem>>
          %dma_wait3A_51 = tpu.memref_squeeze %dma_wait3A_50 : memref<1x128xi32, #tpu.memory_space<vmem>> -> memref<128xi32, #tpu.memory_space<vmem>>
          %dma_wait3A_52 = arith.constant 0 : i32
          %dma_wait3A_53 = arith.constant 0 : i32
          %dma_wait3A_54 = tpu.memref_slice %arg4[%dma_wait3A_52, %dma_wait3A_53] : memref<10000x128xf32, #tpu.memory_space<hbm>> -> memref<10000x128xf32, #tpu.memory_space<hbm>>
          tpu.wait_indirect_dma semaphore(%arg14 : memref<!tpu.dma_semaphore, #tpu.memory_space<semaphore_mem>>) src(%dma_wait3A_54 : memref<10000x128xf32, #tpu.memory_space<hbm>>) dst(%arg11 : memref<128x128xf32, #tpu.memory_space<vmem>>)
          "tpu.region"() ({
            %run_scoped3A = tpu.sem_alloc : memref<!tpu.dma_semaphore, #tpu.memory_space<semaphore_mem>>
            %dma_start3A_74 = arith.constant 0 : i32
            %dma_start3A_75 = tpu.memref_slice %arg10[%mul3A_48, %dma_start3A_74] : memref<40x128xi32, #tpu.memory_space<vmem>> -> memref<1x128xi32, #tpu.memory_space<vmem>>
            %dma_start3A_76 = tpu.memref_squeeze %dma_start3A_75 : memref<1x128xi32, #tpu.memory_space<vmem>> -> memref<128xi32, #tpu.memory_space<vmem>>
            %dma_start3A_77 = arith.constant 0 : i32
            %dma_start3A_78 = arith.constant 0 : i32
            %dma_start3A_79 = tpu.memref_slice %arg13[%dma_start3A_77, %dma_start3A_78] : memref<10112x128xf32, #tpu.memory_space<vmem_shared>> -> memref<10112x128xf32, #tpu.memory_space<vmem_shared>>
            tpu.enqueue_indirect_dma source(%arg11 : memref<128x128xf32, #tpu.memory_space<vmem>>) target(%dma_start3A_79 : memref<10112x128xf32, #tpu.memory_space<vmem_shared>>) offsets(%dma_start3A_76 : memref<128xi32, #tpu.memory_space<vmem>>) semaphore(%run_scoped3A : memref<!tpu.dma_semaphore, #tpu.memory_space<semaphore_mem>>) {add = true}
            %dma_wait3A_80 = arith.constant 0 : i32
            %dma_wait3A_81 = tpu.memref_slice %arg10[%mul3A_48, %dma_wait3A_80] : memref<40x128xi32, #tpu.memory_space<vmem>> -> memref<1x128xi32, #tpu.memory_space<vmem>>
            %dma_wait3A_82 = tpu.memref_squeeze %dma_wait3A_81 : memref<1x128xi32, #tpu.memory_space<vmem>> -> memref<128xi32, #tpu.memory_space<vmem>>
            %dma_wait3A_83 = arith.constant 0 : i32
            %dma_wait3A_84 = arith.constant 0 : i32
            %dma_wait3A_85 = tpu.memref_slice %arg13[%dma_wait3A_83, %dma_wait3A_84] : memref<10112x128xf32, #tpu.memory_space<vmem_shared>> -> memref<10112x128xf32, #tpu.memory_space<vmem_shared>>
            tpu.wait_indirect_dma semaphore(%run_scoped3A : memref<!tpu.dma_semaphore, #tpu.memory_space<semaphore_mem>>) src(%arg11 : memref<128x128xf32, #tpu.memory_space<vmem>>) dst(%dma_wait3A_85 : memref<10112x128xf32, #tpu.memory_space<vmem_shared>>)
            tpu.yield
          }) : () -> ()
          %add3A_55 = arith.constant 2 : i32
          %add3A_56 = arith.addi %mul3A_48, %add3A_55 : i32
          %lt3A = arith.constant 40 : i32
          %lt3A_57 = arith.cmpi slt, %add3A_56, %lt3A : i32
          %convert_element_type3A_58 = arith.extui %lt3A_57 : i1 to i32
          %cond3A_59 = arith.constant 0 : i32
          %cond3A_60 = arith.cmpi ne, %convert_element_type3A_58, %cond3A_59 : i32
          scf.if %cond3A_60 {
            %add3A_74 = arith.constant 2 : i32
            %add3A_75 = arith.addi %mul3A_48, %add3A_74 : i32
            %dma_start3A_76 = arith.constant 0 : i32
            %dma_start3A_77 = tpu.memref_slice %arg9[%add3A_75, %dma_start3A_76] : memref<40x128xi32, #tpu.memory_space<vmem>> -> memref<1x128xi32, #tpu.memory_space<vmem>>
            %dma_start3A_78 = tpu.memref_squeeze %dma_start3A_77 : memref<1x128xi32, #tpu.memory_space<vmem>> -> memref<128xi32, #tpu.memory_space<vmem>>
            %dma_start3A_79 = arith.constant 0 : i32
            %dma_start3A_80 = arith.constant 0 : i32
            %dma_start3A_81 = tpu.memref_slice %arg4[%dma_start3A_79, %dma_start3A_80] : memref<10000x128xf32, #tpu.memory_space<hbm>> -> memref<10000x128xf32, #tpu.memory_space<hbm>>
            tpu.enqueue_indirect_dma source(%dma_start3A_81 : memref<10000x128xf32, #tpu.memory_space<hbm>>) target(%arg11 : memref<128x128xf32, #tpu.memory_space<vmem>>) offsets(%dma_start3A_78 : memref<128xi32, #tpu.memory_space<vmem>>) semaphore(%arg14 : memref<!tpu.dma_semaphore, #tpu.memory_space<semaphore_mem>>)
          } else {
          }
          %dma_wait3A_61 = arith.constant 0 : i32
          %dma_wait3A_62 = tpu.memref_slice %arg9[%add3A_49, %dma_wait3A_61] : memref<40x128xi32, #tpu.memory_space<vmem>> -> memref<1x128xi32, #tpu.memory_space<vmem>>
          %dma_wait3A_63 = tpu.memref_squeeze %dma_wait3A_62 : memref<1x128xi32, #tpu.memory_space<vmem>> -> memref<128xi32, #tpu.memory_space<vmem>>
          %dma_wait3A_64 = arith.constant 0 : i32
          %dma_wait3A_65 = arith.constant 0 : i32
          %dma_wait3A_66 = tpu.memref_slice %arg4[%dma_wait3A_64, %dma_wait3A_65] : memref<10000x128xf32, #tpu.memory_space<hbm>> -> memref<10000x128xf32, #tpu.memory_space<hbm>>
          tpu.wait_indirect_dma semaphore(%arg15 : memref<!tpu.dma_semaphore, #tpu.memory_space<semaphore_mem>>) src(%dma_wait3A_66 : memref<10000x128xf32, #tpu.memory_space<hbm>>) dst(%arg12 : memref<128x128xf32, #tpu.memory_space<vmem>>)
          "tpu.region"() ({
            %run_scoped3A = tpu.sem_alloc : memref<!tpu.dma_semaphore, #tpu.memory_space<semaphore_mem>>
            %dma_start3A_74 = arith.constant 0 : i32
            %dma_start3A_75 = tpu.memref_slice %arg10[%add3A_49, %dma_start3A_74] : memref<40x128xi32, #tpu.memory_space<vmem>> -> memref<1x128xi32, #tpu.memory_space<vmem>>
            %dma_start3A_76 = tpu.memref_squeeze %dma_start3A_75 : memref<1x128xi32, #tpu.memory_space<vmem>> -> memref<128xi32, #tpu.memory_space<vmem>>
            %dma_start3A_77 = arith.constant 0 : i32
            %dma_start3A_78 = arith.constant 0 : i32
            %dma_start3A_79 = tpu.memref_slice %arg13[%dma_start3A_77, %dma_start3A_78] : memref<10112x128xf32, #tpu.memory_space<vmem_shared>> -> memref<10112x128xf32, #tpu.memory_space<vmem_shared>>
            tpu.enqueue_indirect_dma source(%arg12 : memref<128x128xf32, #tpu.memory_space<vmem>>) target(%dma_start3A_79 : memref<10112x128xf32, #tpu.memory_space<vmem_shared>>) offsets(%dma_start3A_76 : memref<128xi32, #tpu.memory_space<vmem>>) semaphore(%run_scoped3A : memref<!tpu.dma_semaphore, #tpu.memory_space<semaphore_mem>>) {add = true}
            %dma_wait3A_80 = arith.constant 0 : i32
            %dma_wait3A_81 = tpu.memref_slice %arg10[%add3A_49, %dma_wait3A_80] : memref<40x128xi32, #tpu.memory_space<vmem>> -> memref<1x128xi32, #tpu.memory_space<vmem>>
            %dma_wait3A_82 = tpu.memref_squeeze %dma_wait3A_81 : memref<1x128xi32, #tpu.memory_space<vmem>> -> memref<128xi32, #tpu.memory_space<vmem>>
            %dma_wait3A_83 = arith.constant 0 : i32
            %dma_wait3A_84 = arith.constant 0 : i32
            %dma_wait3A_85 = tpu.memref_slice %arg13[%dma_wait3A_83, %dma_wait3A_84] : memref<10112x128xf32, #tpu.memory_space<vmem_shared>> -> memref<10112x128xf32, #tpu.memory_space<vmem_shared>>
            tpu.wait_indirect_dma semaphore(%run_scoped3A : memref<!tpu.dma_semaphore, #tpu.memory_space<semaphore_mem>>) src(%arg12 : memref<128x128xf32, #tpu.memory_space<vmem>>) dst(%dma_wait3A_85 : memref<10112x128xf32, #tpu.memory_space<vmem_shared>>)
            tpu.yield
          }) : () -> ()
          %add3A_67 = arith.constant 2 : i32
          %add3A_68 = arith.addi %add3A_49, %add3A_67 : i32
          %lt3A_69 = arith.constant 40 : i32
          %lt3A_70 = arith.cmpi slt, %add3A_68, %lt3A_69 : i32
          %convert_element_type3A_71 = arith.extui %lt3A_70 : i1 to i32
          %cond3A_72 = arith.constant 0 : i32
          %cond3A_73 = arith.cmpi ne, %convert_element_type3A_71, %cond3A_72 : i32
          scf.if %cond3A_73 {
            %add3A_74 = arith.constant 2 : i32
            %add3A_75 = arith.addi %add3A_49, %add3A_74 : i32
            %dma_start3A_76 = arith.constant 0 : i32
            %dma_start3A_77 = tpu.memref_slice %arg9[%add3A_75, %dma_start3A_76] : memref<40x128xi32, #tpu.memory_space<vmem>> -> memref<1x128xi32, #tpu.memory_space<vmem>>
            %dma_start3A_78 = tpu.memref_squeeze %dma_start3A_77 : memref<1x128xi32, #tpu.memory_space<vmem>> -> memref<128xi32, #tpu.memory_space<vmem>>
            %dma_start3A_79 = arith.constant 0 : i32
            %dma_start3A_80 = arith.constant 0 : i32
            %dma_start3A_81 = tpu.memref_slice %arg4[%dma_start3A_79, %dma_start3A_80] : memref<10000x128xf32, #tpu.memory_space<hbm>> -> memref<10000x128xf32, #tpu.memory_space<hbm>>
            tpu.enqueue_indirect_dma source(%dma_start3A_81 : memref<10000x128xf32, #tpu.memory_space<hbm>>) target(%arg12 : memref<128x128xf32, #tpu.memory_space<vmem>>) offsets(%dma_start3A_78 : memref<128xi32, #tpu.memory_space<vmem>>) semaphore(%arg15 : memref<!tpu.dma_semaphore, #tpu.memory_space<semaphore_mem>>)
          } else {
          }
        }
        %scan3A_45 = arith.constant 20 : i32
      }
      %scan3A_12 = arith.constant 4 : i32
      %barrier3A_13 = arith.constant 0 : index
      tpu.barrier barrier_id(%barrier3A_13)
      %mul3A_14 = arith.constant 624 : i32
      %mul3A_15 = arith.muli %arg1, %mul3A_14 : i32
      %mul3A_16 = arith.constant 624 : i32
      %mul3A_17 = arith.muli %arg1, %mul3A_16 : i32
      "tpu.region"() ({
        %run_scoped3A = tpu.sem_alloc : memref<!tpu.dma_semaphore, #tpu.memory_space<semaphore_mem>>
        %dma_start3A = arith.constant 0 : i32
        %dma_start3A_23 = tpu.memref_slice %arg7[%mul3A_17, %dma_start3A] : memref<10000x128xf32, #tpu.memory_space<hbm>> -> memref<624x128xf32, #tpu.memory_space<hbm>>
        %dma_start3A_24 = arith.constant 0 : i32
        %dma_start3A_25 = tpu.memref_slice %arg13[%mul3A_15, %dma_start3A_24] : memref<10112x128xf32, #tpu.memory_space<vmem_shared>> -> memref<624x128xf32, #tpu.memory_space<vmem_shared>>
        tpu.enqueue_dma source(%dma_start3A_25 : memref<624x128xf32, #tpu.memory_space<vmem_shared>>) target(%dma_start3A_23 : memref<624x128xf32, #tpu.memory_space<hbm>>) target_semaphore(%run_scoped3A : memref<!tpu.dma_semaphore, #tpu.memory_space<semaphore_mem>>)
        %dma_wait3A = arith.constant 0 : i32
        %dma_wait3A_26 = tpu.memref_slice %arg7[%mul3A_17, %dma_wait3A] : memref<10000x128xf32, #tpu.memory_space<hbm>> -> memref<624x128xf32, #tpu.memory_space<hbm>>
        %dma_wait3A_27 = arith.constant 0 : i32
        %dma_wait3A_28 = tpu.memref_slice %arg13[%mul3A_15, %dma_wait3A_27] : memref<10112x128xf32, #tpu.memory_space<vmem_shared>> -> memref<624x128xf32, #tpu.memory_space<vmem_shared>>
        tpu.wait_dma2 semaphore(%run_scoped3A : memref<!tpu.dma_semaphore, #tpu.memory_space<semaphore_mem>>) src(%dma_wait3A_28 : memref<624x128xf32, #tpu.memory_space<vmem_shared>>) dst(%dma_wait3A_26 : memref<624x128xf32, #tpu.memory_space<hbm>>)
        tpu.yield
      }) : () -> ()
      %eq3A_18 = arith.constant 15 : i32
      %eq3A_19 = arith.cmpi eq, %arg1, %eq3A_18 : i32
      %convert_element_type3A_20 = arith.extui %eq3A_19 : i1 to i32
      %cond3A_21 = arith.constant 0 : i32
      %cond3A_22 = arith.cmpi ne, %convert_element_type3A_20, %cond3A_21 : i32
      scf.if %cond3A_22 {
        "tpu.region"() ({
          %run_scoped3A = tpu.sem_alloc : memref<!tpu.dma_semaphore, #tpu.memory_space<semaphore_mem>>
          %dma_start3A = arith.constant 9984 : i32
          %dma_start3A_23 = arith.constant 0 : i32
          %dma_start3A_24 = tpu.memref_slice %arg7[%dma_start3A, %dma_start3A_23] : memref<10000x128xf32, #tpu.memory_space<hbm>> -> memref<16x128xf32, #tpu.memory_space<hbm>>
          %dma_start3A_25 = arith.constant 9984 : i32
          %dma_start3A_26 = arith.constant 0 : i32
          %dma_start3A_27 = tpu.memref_slice %arg13[%dma_start3A_25, %dma_start3A_26] : memref<10112x128xf32, #tpu.memory_space<vmem_shared>> -> memref<16x128xf32, #tpu.memory_space<vmem_shared>>
          tpu.enqueue_dma source(%dma_start3A_27 : memref<16x128xf32, #tpu.memory_space<vmem_shared>>) target(%dma_start3A_24 : memref<16x128xf32, #tpu.memory_space<hbm>>) target_semaphore(%run_scoped3A : memref<!tpu.dma_semaphore, #tpu.memory_space<semaphore_mem>>)
          %dma_wait3A = arith.constant 9984 : i32
          %dma_wait3A_28 = arith.constant 0 : i32
          %dma_wait3A_29 = tpu.memref_slice %arg7[%dma_wait3A, %dma_wait3A_28] : memref<10000x128xf32, #tpu.memory_space<hbm>> -> memref<16x128xf32, #tpu.memory_space<hbm>>
          %dma_wait3A_30 = arith.constant 9984 : i32
          %dma_wait3A_31 = arith.constant 0 : i32
          %dma_wait3A_32 = tpu.memref_slice %arg13[%dma_wait3A_30, %dma_wait3A_31] : memref<10112x128xf32, #tpu.memory_space<vmem_shared>> -> memref<16x128xf32, #tpu.memory_space<vmem_shared>>
          tpu.wait_dma2 semaphore(%run_scoped3A : memref<!tpu.dma_semaphore, #tpu.memory_space<semaphore_mem>>) src(%dma_wait3A_32 : memref<16x128xf32, #tpu.memory_space<vmem_shared>>) dst(%dma_wait3A_29 : memref<16x128xf32, #tpu.memory_space<hbm>>)
          tpu.yield
        }) : () -> ()
      } else {
      }
    } else {
    }
    %eq3A_3 = arith.constant 1 : i32
    %eq3A_4 = arith.cmpi eq, %arg0, %eq3A_3 : i32
    %convert_element_type3A_5 = arith.extui %eq3A_4 : i1 to i32
    %cond3A_6 = arith.constant 0 : i32
    %cond3A_7 = arith.cmpi ne, %convert_element_type3A_5, %cond3A_6 : i32
    scf.if %cond3A_7 {
      %scan3A = arith.constant 0 : i32
      %scan3A_8 = arith.constant 0 : i32
      %scan3A_9 = arith.constant 4 : i32
      %scan3A_10 = arith.addi %scan3A_8, %scan3A_9 : i32
      %scan3A_11 = arith.constant 1 : i32
      scf.for %scan3A_23 = %scan3A_8 to %scan3A_10 step %scan3A_11  : i32 {
        %mul3A_24 = arith.constant 40 : i32
        %mul3A_25 = arith.muli %scan3A_23, %mul3A_24 : i32
        "tpu.region"() ({
          %run_scoped3A = tpu.sem_alloc : memref<!tpu.dma_semaphore, #tpu.memory_space<semaphore_mem>>
          %dma_start3A_46 = arith.constant 0 : i32
          %dma_start3A_47 = tpu.memref_slice %arg2[%arg1, %mul3A_25, %dma_start3A_46] : memref<16x160x128xi32, #tpu.memory_space<hbm>> -> memref<1x40x128xi32, #tpu.memory_space<hbm>>
          %dma_start3A_48 = tpu.memref_squeeze %dma_start3A_47 : memref<1x40x128xi32, #tpu.memory_space<hbm>> -> memref<40x128xi32, #tpu.memory_space<hbm>>
          %dma_start3A_49 = arith.constant 0 : i32
          %dma_start3A_50 = tpu.memref_slice %arg2[%arg1, %mul3A_25, %dma_start3A_49] : memref<16x160x128xi32, #tpu.memory_space<hbm>> -> memref<1x40x128xi32, #tpu.memory_space<hbm>>
          %dma_start3A_51 = tpu.memref_squeeze %dma_start3A_50 : memref<1x40x128xi32, #tpu.memory_space<hbm>> -> memref<40x128xi32, #tpu.memory_space<hbm>>
          tpu.enqueue_dma source(%dma_start3A_51 : memref<40x128xi32, #tpu.memory_space<hbm>>) target(%arg9 : memref<40x128xi32, #tpu.memory_space<vmem>>) target_semaphore(%run_scoped3A : memref<!tpu.dma_semaphore, #tpu.memory_space<semaphore_mem>>)
          %dma_wait3A = arith.constant 0 : i32
          %dma_wait3A_52 = tpu.memref_slice %arg2[%arg1, %mul3A_25, %dma_wait3A] : memref<16x160x128xi32, #tpu.memory_space<hbm>> -> memref<1x40x128xi32, #tpu.memory_space<hbm>>
          %dma_wait3A_53 = tpu.memref_squeeze %dma_wait3A_52 : memref<1x40x128xi32, #tpu.memory_space<hbm>> -> memref<40x128xi32, #tpu.memory_space<hbm>>
          %dma_wait3A_54 = arith.constant 0 : i32
          %dma_wait3A_55 = tpu.memref_slice %arg2[%arg1, %mul3A_25, %dma_wait3A_54] : memref<16x160x128xi32, #tpu.memory_space<hbm>> -> memref<1x40x128xi32, #tpu.memory_space<hbm>>
          %dma_wait3A_56 = tpu.memref_squeeze %dma_wait3A_55 : memref<1x40x128xi32, #tpu.memory_space<hbm>> -> memref<40x128xi32, #tpu.memory_space<hbm>>
          tpu.wait_dma2 semaphore(%run_scoped3A : memref<!tpu.dma_semaphore, #tpu.memory_space<semaphore_mem>>) src(%dma_wait3A_56 : memref<40x128xi32, #tpu.memory_space<hbm>>) dst(%arg9 : memref<40x128xi32, #tpu.memory_space<vmem>>)
          tpu.yield
        }) : () -> ()
        %mul3A_26 = arith.constant 40 : i32
        %mul3A_27 = arith.muli %scan3A_23, %mul3A_26 : i32
        "tpu.region"() ({
          %run_scoped3A = tpu.sem_alloc : memref<!tpu.dma_semaphore, #tpu.memory_space<semaphore_mem>>
          %dma_start3A_46 = arith.constant 0 : i32
          %dma_start3A_47 = tpu.memref_slice %arg3[%arg1, %mul3A_27, %dma_start3A_46] : memref<16x160x128xi32, #tpu.memory_space<hbm>> -> memref<1x40x128xi32, #tpu.memory_space<hbm>>
          %dma_start3A_48 = tpu.memref_squeeze %dma_start3A_47 : memref<1x40x128xi32, #tpu.memory_space<hbm>> -> memref<40x128xi32, #tpu.memory_space<hbm>>
          %dma_start3A_49 = arith.constant 0 : i32
          %dma_start3A_50 = tpu.memref_slice %arg3[%arg1, %mul3A_27, %dma_start3A_49] : memref<16x160x128xi32, #tpu.memory_space<hbm>> -> memref<1x40x128xi32, #tpu.memory_space<hbm>>
          %dma_start3A_51 = tpu.memref_squeeze %dma_start3A_50 : memref<1x40x128xi32, #tpu.memory_space<hbm>> -> memref<40x128xi32, #tpu.memory_space<hbm>>
          tpu.enqueue_dma source(%dma_start3A_51 : memref<40x128xi32, #tpu.memory_space<hbm>>) target(%arg10 : memref<40x128xi32, #tpu.memory_space<vmem>>) target_semaphore(%run_scoped3A : memref<!tpu.dma_semaphore, #tpu.memory_space<semaphore_mem>>)
          %dma_wait3A = arith.constant 0 : i32
          %dma_wait3A_52 = tpu.memref_slice %arg3[%arg1, %mul3A_27, %dma_wait3A] : memref<16x160x128xi32, #tpu.memory_space<hbm>> -> memref<1x40x128xi32, #tpu.memory_space<hbm>>
          %dma_wait3A_53 = tpu.memref_squeeze %dma_wait3A_52 : memref<1x40x128xi32, #tpu.memory_space<hbm>> -> memref<40x128xi32, #tpu.memory_space<hbm>>
          %dma_wait3A_54 = arith.constant 0 : i32
          %dma_wait3A_55 = tpu.memref_slice %arg3[%arg1, %mul3A_27, %dma_wait3A_54] : memref<16x160x128xi32, #tpu.memory_space<hbm>> -> memref<1x40x128xi32, #tpu.memory_space<hbm>>
          %dma_wait3A_56 = tpu.memref_squeeze %dma_wait3A_55 : memref<1x40x128xi32, #tpu.memory_space<hbm>> -> memref<40x128xi32, #tpu.memory_space<hbm>>
          tpu.wait_dma2 semaphore(%run_scoped3A : memref<!tpu.dma_semaphore, #tpu.memory_space<semaphore_mem>>) src(%dma_wait3A_56 : memref<40x128xi32, #tpu.memory_space<hbm>>) dst(%arg10 : memref<40x128xi32, #tpu.memory_space<vmem>>)
          tpu.yield
        }) : () -> ()
        %dma_start3A = arith.constant 0 : i32
        %dma_start3A_28 = arith.constant 0 : i32
        %dma_start3A_29 = tpu.memref_slice %arg9[%dma_start3A, %dma_start3A_28] : memref<40x128xi32, #tpu.memory_space<vmem>> -> memref<1x128xi32, #tpu.memory_space<vmem>>
        %dma_start3A_30 = tpu.memref_squeeze %dma_start3A_29 : memref<1x128xi32, #tpu.memory_space<vmem>> -> memref<128xi32, #tpu.memory_space<vmem>>
        %dma_start3A_31 = arith.constant 0 : i32
        %dma_start3A_32 = arith.constant 0 : i32
        %dma_start3A_33 = tpu.memref_slice %arg5[%dma_start3A_31, %dma_start3A_32] : memref<10000x128xf32, #tpu.memory_space<hbm>> -> memref<10000x128xf32, #tpu.memory_space<hbm>>
        tpu.enqueue_indirect_dma source(%dma_start3A_33 : memref<10000x128xf32, #tpu.memory_space<hbm>>) target(%arg11 : memref<128x128xf32, #tpu.memory_space<vmem>>) offsets(%dma_start3A_30 : memref<128xi32, #tpu.memory_space<vmem>>) semaphore(%arg14 : memref<!tpu.dma_semaphore, #tpu.memory_space<semaphore_mem>>)
        %dma_start3A_34 = arith.constant 1 : i32
        %dma_start3A_35 = arith.constant 0 : i32
        %dma_start3A_36 = tpu.memref_slice %arg9[%dma_start3A_34, %dma_start3A_35] : memref<40x128xi32, #tpu.memory_space<vmem>> -> memref<1x128xi32, #tpu.memory_space<vmem>>
        %dma_start3A_37 = tpu.memref_squeeze %dma_start3A_36 : memref<1x128xi32, #tpu.memory_space<vmem>> -> memref<128xi32, #tpu.memory_space<vmem>>
        %dma_start3A_38 = arith.constant 0 : i32
        %dma_start3A_39 = arith.constant 0 : i32
        %dma_start3A_40 = tpu.memref_slice %arg5[%dma_start3A_38, %dma_start3A_39] : memref<10000x128xf32, #tpu.memory_space<hbm>> -> memref<10000x128xf32, #tpu.memory_space<hbm>>
        tpu.enqueue_indirect_dma source(%dma_start3A_40 : memref<10000x128xf32, #tpu.memory_space<hbm>>) target(%arg12 : memref<128x128xf32, #tpu.memory_space<vmem>>) offsets(%dma_start3A_37 : memref<128xi32, #tpu.memory_space<vmem>>) semaphore(%arg15 : memref<!tpu.dma_semaphore, #tpu.memory_space<semaphore_mem>>)
        %scan3A_41 = arith.constant 0 : i32
        %scan3A_42 = arith.constant 20 : i32
        %scan3A_43 = arith.addi %scan3A_41, %scan3A_42 : i32
        %scan3A_44 = arith.constant 1 : i32
        scf.for %scan3A_46 = %scan3A_41 to %scan3A_43 step %scan3A_44  : i32 {
          %mul3A_47 = arith.constant 2 : i32
          %mul3A_48 = arith.muli %mul3A_47, %scan3A_46 : i32
          %add3A = arith.constant 1 : i32
          %add3A_49 = arith.addi %mul3A_48, %add3A : i32
          %dma_wait3A = arith.constant 0 : i32
          %dma_wait3A_50 = tpu.memref_slice %arg9[%mul3A_48, %dma_wait3A] : memref<40x128xi32, #tpu.memory_space<vmem>> -> memref<1x128xi32, #tpu.memory_space<vmem>>
          %dma_wait3A_51 = tpu.memref_squeeze %dma_wait3A_50 : memref<1x128xi32, #tpu.memory_space<vmem>> -> memref<128xi32, #tpu.memory_space<vmem>>
          %dma_wait3A_52 = arith.constant 0 : i32
          %dma_wait3A_53 = arith.constant 0 : i32
          %dma_wait3A_54 = tpu.memref_slice %arg5[%dma_wait3A_52, %dma_wait3A_53] : memref<10000x128xf32, #tpu.memory_space<hbm>> -> memref<10000x128xf32, #tpu.memory_space<hbm>>
          tpu.wait_indirect_dma semaphore(%arg14 : memref<!tpu.dma_semaphore, #tpu.memory_space<semaphore_mem>>) src(%dma_wait3A_54 : memref<10000x128xf32, #tpu.memory_space<hbm>>) dst(%arg11 : memref<128x128xf32, #tpu.memory_space<vmem>>)
          "tpu.region"() ({
            %run_scoped3A = tpu.sem_alloc : memref<!tpu.dma_semaphore, #tpu.memory_space<semaphore_mem>>
            %dma_start3A_74 = arith.constant 0 : i32
            %dma_start3A_75 = tpu.memref_slice %arg10[%mul3A_48, %dma_start3A_74] : memref<40x128xi32, #tpu.memory_space<vmem>> -> memref<1x128xi32, #tpu.memory_space<vmem>>
            %dma_start3A_76 = tpu.memref_squeeze %dma_start3A_75 : memref<1x128xi32, #tpu.memory_space<vmem>> -> memref<128xi32, #tpu.memory_space<vmem>>
            %dma_start3A_77 = arith.constant 0 : i32
            %dma_start3A_78 = arith.constant 0 : i32
            %dma_start3A_79 = tpu.memref_slice %arg13[%dma_start3A_77, %dma_start3A_78] : memref<10112x128xf32, #tpu.memory_space<vmem_shared>> -> memref<10112x128xf32, #tpu.memory_space<vmem_shared>>
            tpu.enqueue_indirect_dma source(%arg11 : memref<128x128xf32, #tpu.memory_space<vmem>>) target(%dma_start3A_79 : memref<10112x128xf32, #tpu.memory_space<vmem_shared>>) offsets(%dma_start3A_76 : memref<128xi32, #tpu.memory_space<vmem>>) semaphore(%run_scoped3A : memref<!tpu.dma_semaphore, #tpu.memory_space<semaphore_mem>>) {add = true}
            %dma_wait3A_80 = arith.constant 0 : i32
            %dma_wait3A_81 = tpu.memref_slice %arg10[%mul3A_48, %dma_wait3A_80] : memref<40x128xi32, #tpu.memory_space<vmem>> -> memref<1x128xi32, #tpu.memory_space<vmem>>
            %dma_wait3A_82 = tpu.memref_squeeze %dma_wait3A_81 : memref<1x128xi32, #tpu.memory_space<vmem>> -> memref<128xi32, #tpu.memory_space<vmem>>
            %dma_wait3A_83 = arith.constant 0 : i32
            %dma_wait3A_84 = arith.constant 0 : i32
            %dma_wait3A_85 = tpu.memref_slice %arg13[%dma_wait3A_83, %dma_wait3A_84] : memref<10112x128xf32, #tpu.memory_space<vmem_shared>> -> memref<10112x128xf32, #tpu.memory_space<vmem_shared>>
            tpu.wait_indirect_dma semaphore(%run_scoped3A : memref<!tpu.dma_semaphore, #tpu.memory_space<semaphore_mem>>) src(%arg11 : memref<128x128xf32, #tpu.memory_space<vmem>>) dst(%dma_wait3A_85 : memref<10112x128xf32, #tpu.memory_space<vmem_shared>>)
            tpu.yield
          }) : () -> ()
          %add3A_55 = arith.constant 2 : i32
          %add3A_56 = arith.addi %mul3A_48, %add3A_55 : i32
          %lt3A = arith.constant 40 : i32
          %lt3A_57 = arith.cmpi slt, %add3A_56, %lt3A : i32
          %convert_element_type3A_58 = arith.extui %lt3A_57 : i1 to i32
          %cond3A_59 = arith.constant 0 : i32
          %cond3A_60 = arith.cmpi ne, %convert_element_type3A_58, %cond3A_59 : i32
          scf.if %cond3A_60 {
            %add3A_74 = arith.constant 2 : i32
            %add3A_75 = arith.addi %mul3A_48, %add3A_74 : i32
            %dma_start3A_76 = arith.constant 0 : i32
            %dma_start3A_77 = tpu.memref_slice %arg9[%add3A_75, %dma_start3A_76] : memref<40x128xi32, #tpu.memory_space<vmem>> -> memref<1x128xi32, #tpu.memory_space<vmem>>
            %dma_start3A_78 = tpu.memref_squeeze %dma_start3A_77 : memref<1x128xi32, #tpu.memory_space<vmem>> -> memref<128xi32, #tpu.memory_space<vmem>>
            %dma_start3A_79 = arith.constant 0 : i32
            %dma_start3A_80 = arith.constant 0 : i32
            %dma_start3A_81 = tpu.memref_slice %arg5[%dma_start3A_79, %dma_start3A_80] : memref<10000x128xf32, #tpu.memory_space<hbm>> -> memref<10000x128xf32, #tpu.memory_space<hbm>>
            tpu.enqueue_indirect_dma source(%dma_start3A_81 : memref<10000x128xf32, #tpu.memory_space<hbm>>) target(%arg11 : memref<128x128xf32, #tpu.memory_space<vmem>>) offsets(%dma_start3A_78 : memref<128xi32, #tpu.memory_space<vmem>>) semaphore(%arg14 : memref<!tpu.dma_semaphore, #tpu.memory_space<semaphore_mem>>)
          } else {
          }
          %dma_wait3A_61 = arith.constant 0 : i32
          %dma_wait3A_62 = tpu.memref_slice %arg9[%add3A_49, %dma_wait3A_61] : memref<40x128xi32, #tpu.memory_space<vmem>> -> memref<1x128xi32, #tpu.memory_space<vmem>>
          %dma_wait3A_63 = tpu.memref_squeeze %dma_wait3A_62 : memref<1x128xi32, #tpu.memory_space<vmem>> -> memref<128xi32, #tpu.memory_space<vmem>>
          %dma_wait3A_64 = arith.constant 0 : i32
          %dma_wait3A_65 = arith.constant 0 : i32
          %dma_wait3A_66 = tpu.memref_slice %arg5[%dma_wait3A_64, %dma_wait3A_65] : memref<10000x128xf32, #tpu.memory_space<hbm>> -> memref<10000x128xf32, #tpu.memory_space<hbm>>
          tpu.wait_indirect_dma semaphore(%arg15 : memref<!tpu.dma_semaphore, #tpu.memory_space<semaphore_mem>>) src(%dma_wait3A_66 : memref<10000x128xf32, #tpu.memory_space<hbm>>) dst(%arg12 : memref<128x128xf32, #tpu.memory_space<vmem>>)
          "tpu.region"() ({
            %run_scoped3A = tpu.sem_alloc : memref<!tpu.dma_semaphore, #tpu.memory_space<semaphore_mem>>
            %dma_start3A_74 = arith.constant 0 : i32
            %dma_start3A_75 = tpu.memref_slice %arg10[%add3A_49, %dma_start3A_74] : memref<40x128xi32, #tpu.memory_space<vmem>> -> memref<1x128xi32, #tpu.memory_space<vmem>>
            %dma_start3A_76 = tpu.memref_squeeze %dma_start3A_75 : memref<1x128xi32, #tpu.memory_space<vmem>> -> memref<128xi32, #tpu.memory_space<vmem>>
            %dma_start3A_77 = arith.constant 0 : i32
            %dma_start3A_78 = arith.constant 0 : i32
            %dma_start3A_79 = tpu.memref_slice %arg13[%dma_start3A_77, %dma_start3A_78] : memref<10112x128xf32, #tpu.memory_space<vmem_shared>> -> memref<10112x128xf32, #tpu.memory_space<vmem_shared>>
            tpu.enqueue_indirect_dma source(%arg12 : memref<128x128xf32, #tpu.memory_space<vmem>>) target(%dma_start3A_79 : memref<10112x128xf32, #tpu.memory_space<vmem_shared>>) offsets(%dma_start3A_76 : memref<128xi32, #tpu.memory_space<vmem>>) semaphore(%run_scoped3A : memref<!tpu.dma_semaphore, #tpu.memory_space<semaphore_mem>>) {add = true}
            %dma_wait3A_80 = arith.constant 0 : i32
            %dma_wait3A_81 = tpu.memref_slice %arg10[%add3A_49, %dma_wait3A_80] : memref<40x128xi32, #tpu.memory_space<vmem>> -> memref<1x128xi32, #tpu.memory_space<vmem>>
            %dma_wait3A_82 = tpu.memref_squeeze %dma_wait3A_81 : memref<1x128xi32, #tpu.memory_space<vmem>> -> memref<128xi32, #tpu.memory_space<vmem>>
            %dma_wait3A_83 = arith.constant 0 : i32
            %dma_wait3A_84 = arith.constant 0 : i32
            %dma_wait3A_85 = tpu.memref_slice %arg13[%dma_wait3A_83, %dma_wait3A_84] : memref<10112x128xf32, #tpu.memory_space<vmem_shared>> -> memref<10112x128xf32, #tpu.memory_space<vmem_shared>>
            tpu.wait_indirect_dma semaphore(%run_scoped3A : memref<!tpu.dma_semaphore, #tpu.memory_space<semaphore_mem>>) src(%arg12 : memref<128x128xf32, #tpu.memory_space<vmem>>) dst(%dma_wait3A_85 : memref<10112x128xf32, #tpu.memory_space<vmem_shared>>)
            tpu.yield
          }) : () -> ()
          %add3A_67 = arith.constant 2 : i32
          %add3A_68 = arith.addi %add3A_49, %add3A_67 : i32
          %lt3A_69 = arith.constant 40 : i32
          %lt3A_70 = arith.cmpi slt, %add3A_68, %lt3A_69 : i32
          %convert_element_type3A_71 = arith.extui %lt3A_70 : i1 to i32
          %cond3A_72 = arith.constant 0 : i32
          %cond3A_73 = arith.cmpi ne, %convert_element_type3A_71, %cond3A_72 : i32
          scf.if %cond3A_73 {
            %add3A_74 = arith.constant 2 : i32
            %add3A_75 = arith.addi %add3A_49, %add3A_74 : i32
            %dma_start3A_76 = arith.constant 0 : i32
            %dma_start3A_77 = tpu.memref_slice %arg9[%add3A_75, %dma_start3A_76] : memref<40x128xi32, #tpu.memory_space<vmem>> -> memref<1x128xi32, #tpu.memory_space<vmem>>
            %dma_start3A_78 = tpu.memref_squeeze %dma_start3A_77 : memref<1x128xi32, #tpu.memory_space<vmem>> -> memref<128xi32, #tpu.memory_space<vmem>>
            %dma_start3A_79 = arith.constant 0 : i32
            %dma_start3A_80 = arith.constant 0 : i32
            %dma_start3A_81 = tpu.memref_slice %arg5[%dma_start3A_79, %dma_start3A_80] : memref<10000x128xf32, #tpu.memory_space<hbm>> -> memref<10000x128xf32, #tpu.memory_space<hbm>>
            tpu.enqueue_indirect_dma source(%dma_start3A_81 : memref<10000x128xf32, #tpu.memory_space<hbm>>) target(%arg12 : memref<128x128xf32, #tpu.memory_space<vmem>>) offsets(%dma_start3A_78 : memref<128xi32, #tpu.memory_space<vmem>>) semaphore(%arg15 : memref<!tpu.dma_semaphore, #tpu.memory_space<semaphore_mem>>)
          } else {
          }
        }
        %scan3A_45 = arith.constant 20 : i32
      }
      %scan3A_12 = arith.constant 4 : i32
      %barrier3A_13 = arith.constant 0 : index
      tpu.barrier barrier_id(%barrier3A_13)
      %mul3A_14 = arith.constant 624 : i32
      %mul3A_15 = arith.muli %arg1, %mul3A_14 : i32
      %mul3A_16 = arith.constant 624 : i32
      %mul3A_17 = arith.muli %arg1, %mul3A_16 : i32
      "tpu.region"() ({
        %run_scoped3A = tpu.sem_alloc : memref<!tpu.dma_semaphore, #tpu.memory_space<semaphore_mem>>
        %dma_start3A = arith.constant 0 : i32
        %dma_start3A_23 = tpu.memref_slice %arg8[%mul3A_17, %dma_start3A] : memref<10000x128xf32, #tpu.memory_space<hbm>> -> memref<624x128xf32, #tpu.memory_space<hbm>>
        %dma_start3A_24 = arith.constant 0 : i32
        %dma_start3A_25 = tpu.memref_slice %arg13[%mul3A_15, %dma_start3A_24] : memref<10112x128xf32, #tpu.memory_space<vmem_shared>> -> memref<624x128xf32, #tpu.memory_space<vmem_shared>>
        tpu.enqueue_dma source(%dma_start3A_25 : memref<624x128xf32, #tpu.memory_space<vmem_shared>>) target(%dma_start3A_23 : memref<624x128xf32, #tpu.memory_space<hbm>>) target_semaphore(%run_scoped3A : memref<!tpu.dma_semaphore, #tpu.memory_space<semaphore_mem>>)
        %dma_wait3A = arith.constant 0 : i32
        %dma_wait3A_26 = tpu.memref_slice %arg8[%mul3A_17, %dma_wait3A] : memref<10000x128xf32, #tpu.memory_space<hbm>> -> memref<624x128xf32, #tpu.memory_space<hbm>>
        %dma_wait3A_27 = arith.constant 0 : i32
        %dma_wait3A_28 = tpu.memref_slice %arg13[%mul3A_15, %dma_wait3A_27] : memref<10112x128xf32, #tpu.memory_space<vmem_shared>> -> memref<624x128xf32, #tpu.memory_space<vmem_shared>>
        tpu.wait_dma2 semaphore(%run_scoped3A : memref<!tpu.dma_semaphore, #tpu.memory_space<semaphore_mem>>) src(%dma_wait3A_28 : memref<624x128xf32, #tpu.memory_space<vmem_shared>>) dst(%dma_wait3A_26 : memref<624x128xf32, #tpu.memory_space<hbm>>)
        tpu.yield
      }) : () -> ()
      %eq3A_18 = arith.constant 15 : i32
      %eq3A_19 = arith.cmpi eq, %arg1, %eq3A_18 : i32
      %convert_element_type3A_20 = arith.extui %eq3A_19 : i1 to i32
      %cond3A_21 = arith.constant 0 : i32
      %cond3A_22 = arith.cmpi ne, %convert_element_type3A_20, %cond3A_21 : i32
      scf.if %cond3A_22 {
        "tpu.region"() ({
          %run_scoped3A = tpu.sem_alloc : memref<!tpu.dma_semaphore, #tpu.memory_space<semaphore_mem>>
          %dma_start3A = arith.constant 9984 : i32
          %dma_start3A_23 = arith.constant 0 : i32
          %dma_start3A_24 = tpu.memref_slice %arg8[%dma_start3A, %dma_start3A_23] : memref<10000x128xf32, #tpu.memory_space<hbm>> -> memref<16x128xf32, #tpu.memory_space<hbm>>
          %dma_start3A_25 = arith.constant 9984 : i32
          %dma_start3A_26 = arith.constant 0 : i32
          %dma_start3A_27 = tpu.memref_slice %arg13[%dma_start3A_25, %dma_start3A_26] : memref<10112x128xf32, #tpu.memory_space<vmem_shared>> -> memref<16x128xf32, #tpu.memory_space<vmem_shared>>
          tpu.enqueue_dma source(%dma_start3A_27 : memref<16x128xf32, #tpu.memory_space<vmem_shared>>) target(%dma_start3A_24 : memref<16x128xf32, #tpu.memory_space<hbm>>) target_semaphore(%run_scoped3A : memref<!tpu.dma_semaphore, #tpu.memory_space<semaphore_mem>>)
          %dma_wait3A = arith.constant 9984 : i32
          %dma_wait3A_28 = arith.constant 0 : i32
          %dma_wait3A_29 = tpu.memref_slice %arg8[%dma_wait3A, %dma_wait3A_28] : memref<10000x128xf32, #tpu.memory_space<hbm>> -> memref<16x128xf32, #tpu.memory_space<hbm>>
          %dma_wait3A_30 = arith.constant 9984 : i32
          %dma_wait3A_31 = arith.constant 0 : i32
          %dma_wait3A_32 = tpu.memref_slice %arg13[%dma_wait3A_30, %dma_wait3A_31] : memref<10112x128xf32, #tpu.memory_space<vmem_shared>> -> memref<16x128xf32, #tpu.memory_space<vmem_shared>>
          tpu.wait_dma2 semaphore(%run_scoped3A : memref<!tpu.dma_semaphore, #tpu.memory_space<semaphore_mem>>) src(%dma_wait3A_32 : memref<16x128xf32, #tpu.memory_space<vmem_shared>>) dst(%dma_wait3A_29 : memref<16x128xf32, #tpu.memory_space<hbm>>)
          tpu.yield
        }) : () -> ()
      } else {
      }
    } else {
    }
    return
  }
}

#map = affine_map<(d0, d1) -> (0, 0, 0)>
#map1 = affine_map<(d0, d1) -> (0, 0)>
module attributes {stable_mosaic.version = 14 : i64} {
  func.func @_agg_body(%arg0: i32, %arg1: i32, %arg2: memref<16x160x128xi32, #tpu.memory_space<hbm>>, %arg3: memref<16x160x128xi32, #tpu.memory_space<hbm>>, %arg4: memref<10000x128xf32, #tpu.memory_space<hbm>>, %arg5: memref<10000x128xf32, #tpu.memory_space<hbm>>, %arg6: memref<632x128xf32, #tpu.memory_space<hbm>>, %arg7: memref<10000x128xf32, #tpu.memory_space<hbm>>, %arg8: memref<10000x128xf32, #tpu.memory_space<hbm>>, %arg9: memref<40x128xi32, #tpu.memory_space<vmem>>, %arg10: memref<40x128xi32, #tpu.memory_space<vmem>>, %arg11: memref<128x128xf32, #tpu.memory_space<vmem>>, %arg12: memref<128x128xf32, #tpu.memory_space<vmem>>, %arg13: memref<10112x128xf32, #tpu.memory_space<vmem_shared>>, %arg14: memref<!tpu.dma_semaphore, #tpu.memory_space<semaphore_mem>>, %arg15: memref<!tpu.dma_semaphore, #tpu.memory_space<semaphore_mem>>) attributes {dimension_semantics = [#tpu.dimension_semantics<core_parallel>, #tpu.dimension_semantics<subcore_parallel>], iteration_bounds = array<i64: 2, 16>, scalar_prefetch = 0 : i64, scratch_operands = 7 : i64, tpu.core_type = #tpu.core_type<sc_vector_subcore>, window_params = [{transform_indices = #map}, {transform_indices = #map}, {transform_indices = #map1}, {transform_indices = #map1}, {transform_indices = #map1}, {transform_indices = #map1}, {transform_indices = #map1}]} {
    %mul3A = arith.constant 632 : i32
    %mul3A_0 = arith.muli %arg1, %mul3A : i32
    "tpu.region"() ({
      %run_scoped3A = tpu.sem_alloc : memref<!tpu.dma_semaphore, #tpu.memory_space<semaphore_mem>>
      %dma_start3A = arith.constant 0 : i32
      %dma_start3A_8 = tpu.memref_slice %arg13[%mul3A_0, %dma_start3A] : memref<10112x128xf32, #tpu.memory_space<vmem_shared>> -> memref<632x128xf32, #tpu.memory_space<vmem_shared>>
      tpu.enqueue_dma source(%arg6 : memref<632x128xf32, #tpu.memory_space<hbm>>) target(%dma_start3A_8 : memref<632x128xf32, #tpu.memory_space<vmem_shared>>) target_semaphore(%run_scoped3A : memref<!tpu.dma_semaphore, #tpu.memory_space<semaphore_mem>>)
      %dma_wait3A = arith.constant 0 : i32
      %dma_wait3A_9 = tpu.memref_slice %arg13[%mul3A_0, %dma_wait3A] : memref<10112x128xf32, #tpu.memory_space<vmem_shared>> -> memref<632x128xf32, #tpu.memory_space<vmem_shared>>
      tpu.wait_dma2 semaphore(%run_scoped3A : memref<!tpu.dma_semaphore, #tpu.memory_space<semaphore_mem>>) src(%arg6 : memref<632x128xf32, #tpu.memory_space<hbm>>) dst(%dma_wait3A_9 : memref<632x128xf32, #tpu.memory_space<vmem_shared>>)
      tpu.yield
    }) : () -> ()
    %barrier3A = arith.constant 0 : index
    tpu.barrier barrier_id(%barrier3A)
    %eq3A = arith.constant 0 : i32
    %eq3A_1 = arith.cmpi eq, %arg0, %eq3A : i32
    %convert_element_type3A = arith.extui %eq3A_1 : i1 to i32
    %cond3A = arith.constant 0 : i32
    %cond3A_2 = arith.cmpi ne, %convert_element_type3A, %cond3A : i32
    scf.if %cond3A_2 {
      %scan3A = arith.constant 0 : i32
      %scan3A_8 = arith.constant 0 : i32
      %scan3A_9 = arith.constant 4 : i32
      %scan3A_10 = arith.addi %scan3A_8, %scan3A_9 : i32
      %scan3A_11 = arith.constant 1 : i32
      scf.for %scan3A_23 = %scan3A_8 to %scan3A_10 step %scan3A_11  : i32 {
        %mul3A_24 = arith.constant 40 : i32
        %mul3A_25 = arith.muli %scan3A_23, %mul3A_24 : i32
        "tpu.region"() ({
          %run_scoped3A = tpu.sem_alloc : memref<!tpu.dma_semaphore, #tpu.memory_space<semaphore_mem>>
          %dma_start3A_46 = arith.constant 0 : i32
          %dma_start3A_47 = tpu.memref_slice %arg2[%arg1, %mul3A_25, %dma_start3A_46] : memref<16x160x128xi32, #tpu.memory_space<hbm>> -> memref<1x40x128xi32, #tpu.memory_space<hbm>>
          %dma_start3A_48 = tpu.memref_squeeze %dma_start3A_47 : memref<1x40x128xi32, #tpu.memory_space<hbm>> -> memref<40x128xi32, #tpu.memory_space<hbm>>
          %dma_start3A_49 = arith.constant 0 : i32
          %dma_start3A_50 = tpu.memref_slice %arg2[%arg1, %mul3A_25, %dma_start3A_49] : memref<16x160x128xi32, #tpu.memory_space<hbm>> -> memref<1x40x128xi32, #tpu.memory_space<hbm>>
          %dma_start3A_51 = tpu.memref_squeeze %dma_start3A_50 : memref<1x40x128xi32, #tpu.memory_space<hbm>> -> memref<40x128xi32, #tpu.memory_space<hbm>>
          tpu.enqueue_dma source(%dma_start3A_51 : memref<40x128xi32, #tpu.memory_space<hbm>>) target(%arg9 : memref<40x128xi32, #tpu.memory_space<vmem>>) target_semaphore(%run_scoped3A : memref<!tpu.dma_semaphore, #tpu.memory_space<semaphore_mem>>)
          %dma_wait3A = arith.constant 0 : i32
          %dma_wait3A_52 = tpu.memref_slice %arg2[%arg1, %mul3A_25, %dma_wait3A] : memref<16x160x128xi32, #tpu.memory_space<hbm>> -> memref<1x40x128xi32, #tpu.memory_space<hbm>>
          %dma_wait3A_53 = tpu.memref_squeeze %dma_wait3A_52 : memref<1x40x128xi32, #tpu.memory_space<hbm>> -> memref<40x128xi32, #tpu.memory_space<hbm>>
          %dma_wait3A_54 = arith.constant 0 : i32
          %dma_wait3A_55 = tpu.memref_slice %arg2[%arg1, %mul3A_25, %dma_wait3A_54] : memref<16x160x128xi32, #tpu.memory_space<hbm>> -> memref<1x40x128xi32, #tpu.memory_space<hbm>>
          %dma_wait3A_56 = tpu.memref_squeeze %dma_wait3A_55 : memref<1x40x128xi32, #tpu.memory_space<hbm>> -> memref<40x128xi32, #tpu.memory_space<hbm>>
          tpu.wait_dma2 semaphore(%run_scoped3A : memref<!tpu.dma_semaphore, #tpu.memory_space<semaphore_mem>>) src(%dma_wait3A_56 : memref<40x128xi32, #tpu.memory_space<hbm>>) dst(%arg9 : memref<40x128xi32, #tpu.memory_space<vmem>>)
          tpu.yield
        }) : () -> ()
        %mul3A_26 = arith.constant 40 : i32
        %mul3A_27 = arith.muli %scan3A_23, %mul3A_26 : i32
        "tpu.region"() ({
          %run_scoped3A = tpu.sem_alloc : memref<!tpu.dma_semaphore, #tpu.memory_space<semaphore_mem>>
          %dma_start3A_46 = arith.constant 0 : i32
          %dma_start3A_47 = tpu.memref_slice %arg3[%arg1, %mul3A_27, %dma_start3A_46] : memref<16x160x128xi32, #tpu.memory_space<hbm>> -> memref<1x40x128xi32, #tpu.memory_space<hbm>>
          %dma_start3A_48 = tpu.memref_squeeze %dma_start3A_47 : memref<1x40x128xi32, #tpu.memory_space<hbm>> -> memref<40x128xi32, #tpu.memory_space<hbm>>
          %dma_start3A_49 = arith.constant 0 : i32
          %dma_start3A_50 = tpu.memref_slice %arg3[%arg1, %mul3A_27, %dma_start3A_49] : memref<16x160x128xi32, #tpu.memory_space<hbm>> -> memref<1x40x128xi32, #tpu.memory_space<hbm>>
          %dma_start3A_51 = tpu.memref_squeeze %dma_start3A_50 : memref<1x40x128xi32, #tpu.memory_space<hbm>> -> memref<40x128xi32, #tpu.memory_space<hbm>>
          tpu.enqueue_dma source(%dma_start3A_51 : memref<40x128xi32, #tpu.memory_space<hbm>>) target(%arg10 : memref<40x128xi32, #tpu.memory_space<vmem>>) target_semaphore(%run_scoped3A : memref<!tpu.dma_semaphore, #tpu.memory_space<semaphore_mem>>)
          %dma_wait3A = arith.constant 0 : i32
          %dma_wait3A_52 = tpu.memref_slice %arg3[%arg1, %mul3A_27, %dma_wait3A] : memref<16x160x128xi32, #tpu.memory_space<hbm>> -> memref<1x40x128xi32, #tpu.memory_space<hbm>>
          %dma_wait3A_53 = tpu.memref_squeeze %dma_wait3A_52 : memref<1x40x128xi32, #tpu.memory_space<hbm>> -> memref<40x128xi32, #tpu.memory_space<hbm>>
          %dma_wait3A_54 = arith.constant 0 : i32
          %dma_wait3A_55 = tpu.memref_slice %arg3[%arg1, %mul3A_27, %dma_wait3A_54] : memref<16x160x128xi32, #tpu.memory_space<hbm>> -> memref<1x40x128xi32, #tpu.memory_space<hbm>>
          %dma_wait3A_56 = tpu.memref_squeeze %dma_wait3A_55 : memref<1x40x128xi32, #tpu.memory_space<hbm>> -> memref<40x128xi32, #tpu.memory_space<hbm>>
          tpu.wait_dma2 semaphore(%run_scoped3A : memref<!tpu.dma_semaphore, #tpu.memory_space<semaphore_mem>>) src(%dma_wait3A_56 : memref<40x128xi32, #tpu.memory_space<hbm>>) dst(%arg10 : memref<40x128xi32, #tpu.memory_space<vmem>>)
          tpu.yield
        }) : () -> ()
        %dma_start3A = arith.constant 0 : i32
        %dma_start3A_28 = arith.constant 0 : i32
        %dma_start3A_29 = tpu.memref_slice %arg9[%dma_start3A, %dma_start3A_28] : memref<40x128xi32, #tpu.memory_space<vmem>> -> memref<1x128xi32, #tpu.memory_space<vmem>>
        %dma_start3A_30 = tpu.memref_squeeze %dma_start3A_29 : memref<1x128xi32, #tpu.memory_space<vmem>> -> memref<128xi32, #tpu.memory_space<vmem>>
        %dma_start3A_31 = arith.constant 0 : i32
        %dma_start3A_32 = arith.constant 0 : i32
        %dma_start3A_33 = tpu.memref_slice %arg4[%dma_start3A_31, %dma_start3A_32] : memref<10000x128xf32, #tpu.memory_space<hbm>> -> memref<10000x128xf32, #tpu.memory_space<hbm>>
        tpu.enqueue_indirect_dma source(%dma_start3A_33 : memref<10000x128xf32, #tpu.memory_space<hbm>>) target(%arg11 : memref<128x128xf32, #tpu.memory_space<vmem>>) offsets(%dma_start3A_30 : memref<128xi32, #tpu.memory_space<vmem>>) semaphore(%arg14 : memref<!tpu.dma_semaphore, #tpu.memory_space<semaphore_mem>>)
        %dma_start3A_34 = arith.constant 1 : i32
        %dma_start3A_35 = arith.constant 0 : i32
        %dma_start3A_36 = tpu.memref_slice %arg9[%dma_start3A_34, %dma_start3A_35] : memref<40x128xi32, #tpu.memory_space<vmem>> -> memref<1x128xi32, #tpu.memory_space<vmem>>
        %dma_start3A_37 = tpu.memref_squeeze %dma_start3A_36 : memref<1x128xi32, #tpu.memory_space<vmem>> -> memref<128xi32, #tpu.memory_space<vmem>>
        %dma_start3A_38 = arith.constant 0 : i32
        %dma_start3A_39 = arith.constant 0 : i32
        %dma_start3A_40 = tpu.memref_slice %arg4[%dma_start3A_38, %dma_start3A_39] : memref<10000x128xf32, #tpu.memory_space<hbm>> -> memref<10000x128xf32, #tpu.memory_space<hbm>>
        tpu.enqueue_indirect_dma source(%dma_start3A_40 : memref<10000x128xf32, #tpu.memory_space<hbm>>) target(%arg12 : memref<128x128xf32, #tpu.memory_space<vmem>>) offsets(%dma_start3A_37 : memref<128xi32, #tpu.memory_space<vmem>>) semaphore(%arg15 : memref<!tpu.dma_semaphore, #tpu.memory_space<semaphore_mem>>)
        %scan3A_41 = arith.constant 0 : i32
        %scan3A_42 = arith.constant 20 : i32
        %scan3A_43 = arith.addi %scan3A_41, %scan3A_42 : i32
        %scan3A_44 = arith.constant 1 : i32
        scf.for %scan3A_46 = %scan3A_41 to %scan3A_43 step %scan3A_44  : i32 {
          %mul3A_47 = arith.constant 2 : i32
          %mul3A_48 = arith.muli %mul3A_47, %scan3A_46 : i32
          %add3A = arith.constant 1 : i32
          %add3A_49 = arith.addi %mul3A_48, %add3A : i32
          %dma_wait3A = arith.constant 0 : i32
          %dma_wait3A_50 = tpu.memref_slice %arg9[%mul3A_48, %dma_wait3A] : memref<40x128xi32, #tpu.memory_space<vmem>> -> memref<1x128xi32, #tpu.memory_space<vmem>>
          %dma_wait3A_51 = tpu.memref_squeeze %dma_wait3A_50 : memref<1x128xi32, #tpu.memory_space<vmem>> -> memref<128xi32, #tpu.memory_space<vmem>>
          %dma_wait3A_52 = arith.constant 0 : i32
          %dma_wait3A_53 = arith.constant 0 : i32
          %dma_wait3A_54 = tpu.memref_slice %arg4[%dma_wait3A_52, %dma_wait3A_53] : memref<10000x128xf32, #tpu.memory_space<hbm>> -> memref<10000x128xf32, #tpu.memory_space<hbm>>
          tpu.wait_indirect_dma semaphore(%arg14 : memref<!tpu.dma_semaphore, #tpu.memory_space<semaphore_mem>>) src(%dma_wait3A_54 : memref<10000x128xf32, #tpu.memory_space<hbm>>) dst(%arg11 : memref<128x128xf32, #tpu.memory_space<vmem>>)
          "tpu.region"() ({
            %run_scoped3A = tpu.sem_alloc : memref<!tpu.dma_semaphore, #tpu.memory_space<semaphore_mem>>
            %dma_start3A_74 = arith.constant 0 : i32
            %dma_start3A_75 = tpu.memref_slice %arg10[%mul3A_48, %dma_start3A_74] : memref<40x128xi32, #tpu.memory_space<vmem>> -> memref<1x128xi32, #tpu.memory_space<vmem>>
            %dma_start3A_76 = tpu.memref_squeeze %dma_start3A_75 : memref<1x128xi32, #tpu.memory_space<vmem>> -> memref<128xi32, #tpu.memory_space<vmem>>
            %dma_start3A_77 = arith.constant 0 : i32
            %dma_start3A_78 = arith.constant 0 : i32
            %dma_start3A_79 = tpu.memref_slice %arg13[%dma_start3A_77, %dma_start3A_78] : memref<10112x128xf32, #tpu.memory_space<vmem_shared>> -> memref<10112x128xf32, #tpu.memory_space<vmem_shared>>
            tpu.enqueue_indirect_dma source(%arg11 : memref<128x128xf32, #tpu.memory_space<vmem>>) target(%dma_start3A_79 : memref<10112x128xf32, #tpu.memory_space<vmem_shared>>) offsets(%dma_start3A_76 : memref<128xi32, #tpu.memory_space<vmem>>) semaphore(%run_scoped3A : memref<!tpu.dma_semaphore, #tpu.memory_space<semaphore_mem>>) {add = true}
            %dma_wait3A_80 = arith.constant 0 : i32
            %dma_wait3A_81 = tpu.memref_slice %arg10[%mul3A_48, %dma_wait3A_80] : memref<40x128xi32, #tpu.memory_space<vmem>> -> memref<1x128xi32, #tpu.memory_space<vmem>>
            %dma_wait3A_82 = tpu.memref_squeeze %dma_wait3A_81 : memref<1x128xi32, #tpu.memory_space<vmem>> -> memref<128xi32, #tpu.memory_space<vmem>>
            %dma_wait3A_83 = arith.constant 0 : i32
            %dma_wait3A_84 = arith.constant 0 : i32
            %dma_wait3A_85 = tpu.memref_slice %arg13[%dma_wait3A_83, %dma_wait3A_84] : memref<10112x128xf32, #tpu.memory_space<vmem_shared>> -> memref<10112x128xf32, #tpu.memory_space<vmem_shared>>
            tpu.wait_indirect_dma semaphore(%run_scoped3A : memref<!tpu.dma_semaphore, #tpu.memory_space<semaphore_mem>>) src(%arg11 : memref<128x128xf32, #tpu.memory_space<vmem>>) dst(%dma_wait3A_85 : memref<10112x128xf32, #tpu.memory_space<vmem_shared>>)
            tpu.yield
          }) : () -> ()
          %add3A_55 = arith.constant 2 : i32
          %add3A_56 = arith.addi %mul3A_48, %add3A_55 : i32
          %lt3A = arith.constant 40 : i32
          %lt3A_57 = arith.cmpi slt, %add3A_56, %lt3A : i32
          %convert_element_type3A_58 = arith.extui %lt3A_57 : i1 to i32
          %cond3A_59 = arith.constant 0 : i32
          %cond3A_60 = arith.cmpi ne, %convert_element_type3A_58, %cond3A_59 : i32
          scf.if %cond3A_60 {
            %add3A_74 = arith.constant 2 : i32
            %add3A_75 = arith.addi %mul3A_48, %add3A_74 : i32
            %dma_start3A_76 = arith.constant 0 : i32
            %dma_start3A_77 = tpu.memref_slice %arg9[%add3A_75, %dma_start3A_76] : memref<40x128xi32, #tpu.memory_space<vmem>> -> memref<1x128xi32, #tpu.memory_space<vmem>>
            %dma_start3A_78 = tpu.memref_squeeze %dma_start3A_77 : memref<1x128xi32, #tpu.memory_space<vmem>> -> memref<128xi32, #tpu.memory_space<vmem>>
            %dma_start3A_79 = arith.constant 0 : i32
            %dma_start3A_80 = arith.constant 0 : i32
            %dma_start3A_81 = tpu.memref_slice %arg4[%dma_start3A_79, %dma_start3A_80] : memref<10000x128xf32, #tpu.memory_space<hbm>> -> memref<10000x128xf32, #tpu.memory_space<hbm>>
            tpu.enqueue_indirect_dma source(%dma_start3A_81 : memref<10000x128xf32, #tpu.memory_space<hbm>>) target(%arg11 : memref<128x128xf32, #tpu.memory_space<vmem>>) offsets(%dma_start3A_78 : memref<128xi32, #tpu.memory_space<vmem>>) semaphore(%arg14 : memref<!tpu.dma_semaphore, #tpu.memory_space<semaphore_mem>>)
          } else {
          }
          %dma_wait3A_61 = arith.constant 0 : i32
          %dma_wait3A_62 = tpu.memref_slice %arg9[%add3A_49, %dma_wait3A_61] : memref<40x128xi32, #tpu.memory_space<vmem>> -> memref<1x128xi32, #tpu.memory_space<vmem>>
          %dma_wait3A_63 = tpu.memref_squeeze %dma_wait3A_62 : memref<1x128xi32, #tpu.memory_space<vmem>> -> memref<128xi32, #tpu.memory_space<vmem>>
          %dma_wait3A_64 = arith.constant 0 : i32
          %dma_wait3A_65 = arith.constant 0 : i32
          %dma_wait3A_66 = tpu.memref_slice %arg4[%dma_wait3A_64, %dma_wait3A_65] : memref<10000x128xf32, #tpu.memory_space<hbm>> -> memref<10000x128xf32, #tpu.memory_space<hbm>>
          tpu.wait_indirect_dma semaphore(%arg15 : memref<!tpu.dma_semaphore, #tpu.memory_space<semaphore_mem>>) src(%dma_wait3A_66 : memref<10000x128xf32, #tpu.memory_space<hbm>>) dst(%arg12 : memref<128x128xf32, #tpu.memory_space<vmem>>)
          "tpu.region"() ({
            %run_scoped3A = tpu.sem_alloc : memref<!tpu.dma_semaphore, #tpu.memory_space<semaphore_mem>>
            %dma_start3A_74 = arith.constant 0 : i32
            %dma_start3A_75 = tpu.memref_slice %arg10[%add3A_49, %dma_start3A_74] : memref<40x128xi32, #tpu.memory_space<vmem>> -> memref<1x128xi32, #tpu.memory_space<vmem>>
            %dma_start3A_76 = tpu.memref_squeeze %dma_start3A_75 : memref<1x128xi32, #tpu.memory_space<vmem>> -> memref<128xi32, #tpu.memory_space<vmem>>
            %dma_start3A_77 = arith.constant 0 : i32
            %dma_start3A_78 = arith.constant 0 : i32
            %dma_start3A_79 = tpu.memref_slice %arg13[%dma_start3A_77, %dma_start3A_78] : memref<10112x128xf32, #tpu.memory_space<vmem_shared>> -> memref<10112x128xf32, #tpu.memory_space<vmem_shared>>
            tpu.enqueue_indirect_dma source(%arg12 : memref<128x128xf32, #tpu.memory_space<vmem>>) target(%dma_start3A_79 : memref<10112x128xf32, #tpu.memory_space<vmem_shared>>) offsets(%dma_start3A_76 : memref<128xi32, #tpu.memory_space<vmem>>) semaphore(%run_scoped3A : memref<!tpu.dma_semaphore, #tpu.memory_space<semaphore_mem>>) {add = true}
            %dma_wait3A_80 = arith.constant 0 : i32
            %dma_wait3A_81 = tpu.memref_slice %arg10[%add3A_49, %dma_wait3A_80] : memref<40x128xi32, #tpu.memory_space<vmem>> -> memref<1x128xi32, #tpu.memory_space<vmem>>
            %dma_wait3A_82 = tpu.memref_squeeze %dma_wait3A_81 : memref<1x128xi32, #tpu.memory_space<vmem>> -> memref<128xi32, #tpu.memory_space<vmem>>
            %dma_wait3A_83 = arith.constant 0 : i32
            %dma_wait3A_84 = arith.constant 0 : i32
            %dma_wait3A_85 = tpu.memref_slice %arg13[%dma_wait3A_83, %dma_wait3A_84] : memref<10112x128xf32, #tpu.memory_space<vmem_shared>> -> memref<10112x128xf32, #tpu.memory_space<vmem_shared>>
            tpu.wait_indirect_dma semaphore(%run_scoped3A : memref<!tpu.dma_semaphore, #tpu.memory_space<semaphore_mem>>) src(%arg12 : memref<128x128xf32, #tpu.memory_space<vmem>>) dst(%dma_wait3A_85 : memref<10112x128xf32, #tpu.memory_space<vmem_shared>>)
            tpu.yield
          }) : () -> ()
          %add3A_67 = arith.constant 2 : i32
          %add3A_68 = arith.addi %add3A_49, %add3A_67 : i32
          %lt3A_69 = arith.constant 40 : i32
          %lt3A_70 = arith.cmpi slt, %add3A_68, %lt3A_69 : i32
          %convert_element_type3A_71 = arith.extui %lt3A_70 : i1 to i32
          %cond3A_72 = arith.constant 0 : i32
          %cond3A_73 = arith.cmpi ne, %convert_element_type3A_71, %cond3A_72 : i32
          scf.if %cond3A_73 {
            %add3A_74 = arith.constant 2 : i32
            %add3A_75 = arith.addi %add3A_49, %add3A_74 : i32
            %dma_start3A_76 = arith.constant 0 : i32
            %dma_start3A_77 = tpu.memref_slice %arg9[%add3A_75, %dma_start3A_76] : memref<40x128xi32, #tpu.memory_space<vmem>> -> memref<1x128xi32, #tpu.memory_space<vmem>>
            %dma_start3A_78 = tpu.memref_squeeze %dma_start3A_77 : memref<1x128xi32, #tpu.memory_space<vmem>> -> memref<128xi32, #tpu.memory_space<vmem>>
            %dma_start3A_79 = arith.constant 0 : i32
            %dma_start3A_80 = arith.constant 0 : i32
            %dma_start3A_81 = tpu.memref_slice %arg4[%dma_start3A_79, %dma_start3A_80] : memref<10000x128xf32, #tpu.memory_space<hbm>> -> memref<10000x128xf32, #tpu.memory_space<hbm>>
            tpu.enqueue_indirect_dma source(%dma_start3A_81 : memref<10000x128xf32, #tpu.memory_space<hbm>>) target(%arg12 : memref<128x128xf32, #tpu.memory_space<vmem>>) offsets(%dma_start3A_78 : memref<128xi32, #tpu.memory_space<vmem>>) semaphore(%arg15 : memref<!tpu.dma_semaphore, #tpu.memory_space<semaphore_mem>>)
          } else {
          }
        }
        %scan3A_45 = arith.constant 20 : i32
      }
      %scan3A_12 = arith.constant 4 : i32
      %barrier3A_13 = arith.constant 0 : index
      tpu.barrier barrier_id(%barrier3A_13)
      %mul3A_14 = arith.constant 624 : i32
      %mul3A_15 = arith.muli %arg1, %mul3A_14 : i32
      %mul3A_16 = arith.constant 624 : i32
      %mul3A_17 = arith.muli %arg1, %mul3A_16 : i32
      "tpu.region"() ({
        %run_scoped3A = tpu.sem_alloc : memref<!tpu.dma_semaphore, #tpu.memory_space<semaphore_mem>>
        %dma_start3A = arith.constant 0 : i32
        %dma_start3A_23 = tpu.memref_slice %arg7[%mul3A_17, %dma_start3A] : memref<10000x128xf32, #tpu.memory_space<hbm>> -> memref<624x128xf32, #tpu.memory_space<hbm>>
        %dma_start3A_24 = arith.constant 0 : i32
        %dma_start3A_25 = tpu.memref_slice %arg13[%mul3A_15, %dma_start3A_24] : memref<10112x128xf32, #tpu.memory_space<vmem_shared>> -> memref<624x128xf32, #tpu.memory_space<vmem_shared>>
        tpu.enqueue_dma source(%dma_start3A_25 : memref<624x128xf32, #tpu.memory_space<vmem_shared>>) target(%dma_start3A_23 : memref<624x128xf32, #tpu.memory_space<hbm>>) target_semaphore(%run_scoped3A : memref<!tpu.dma_semaphore, #tpu.memory_space<semaphore_mem>>)
        %dma_wait3A = arith.constant 0 : i32
        %dma_wait3A_26 = tpu.memref_slice %arg7[%mul3A_17, %dma_wait3A] : memref<10000x128xf32, #tpu.memory_space<hbm>> -> memref<624x128xf32, #tpu.memory_space<hbm>>
        %dma_wait3A_27 = arith.constant 0 : i32
        %dma_wait3A_28 = tpu.memref_slice %arg13[%mul3A_15, %dma_wait3A_27] : memref<10112x128xf32, #tpu.memory_space<vmem_shared>> -> memref<624x128xf32, #tpu.memory_space<vmem_shared>>
        tpu.wait_dma2 semaphore(%run_scoped3A : memref<!tpu.dma_semaphore, #tpu.memory_space<semaphore_mem>>) src(%dma_wait3A_28 : memref<624x128xf32, #tpu.memory_space<vmem_shared>>) dst(%dma_wait3A_26 : memref<624x128xf32, #tpu.memory_space<hbm>>)
        tpu.yield
      }) : () -> ()
      %eq3A_18 = arith.constant 15 : i32
      %eq3A_19 = arith.cmpi eq, %arg1, %eq3A_18 : i32
      %convert_element_type3A_20 = arith.extui %eq3A_19 : i1 to i32
      %cond3A_21 = arith.constant 0 : i32
      %cond3A_22 = arith.cmpi ne, %convert_element_type3A_20, %cond3A_21 : i32
      scf.if %cond3A_22 {
        "tpu.region"() ({
          %run_scoped3A = tpu.sem_alloc : memref<!tpu.dma_semaphore, #tpu.memory_space<semaphore_mem>>
          %dma_start3A = arith.constant 9984 : i32
          %dma_start3A_23 = arith.constant 0 : i32
          %dma_start3A_24 = tpu.memref_slice %arg7[%dma_start3A, %dma_start3A_23] : memref<10000x128xf32, #tpu.memory_space<hbm>> -> memref<16x128xf32, #tpu.memory_space<hbm>>
          %dma_start3A_25 = arith.constant 9984 : i32
          %dma_start3A_26 = arith.constant 0 : i32
          %dma_start3A_27 = tpu.memref_slice %arg13[%dma_start3A_25, %dma_start3A_26] : memref<10112x128xf32, #tpu.memory_space<vmem_shared>> -> memref<16x128xf32, #tpu.memory_space<vmem_shared>>
          tpu.enqueue_dma source(%dma_start3A_27 : memref<16x128xf32, #tpu.memory_space<vmem_shared>>) target(%dma_start3A_24 : memref<16x128xf32, #tpu.memory_space<hbm>>) target_semaphore(%run_scoped3A : memref<!tpu.dma_semaphore, #tpu.memory_space<semaphore_mem>>)
          %dma_wait3A = arith.constant 9984 : i32
          %dma_wait3A_28 = arith.constant 0 : i32
          %dma_wait3A_29 = tpu.memref_slice %arg7[%dma_wait3A, %dma_wait3A_28] : memref<10000x128xf32, #tpu.memory_space<hbm>> -> memref<16x128xf32, #tpu.memory_space<hbm>>
          %dma_wait3A_30 = arith.constant 9984 : i32
          %dma_wait3A_31 = arith.constant 0 : i32
          %dma_wait3A_32 = tpu.memref_slice %arg13[%dma_wait3A_30, %dma_wait3A_31] : memref<10112x128xf32, #tpu.memory_space<vmem_shared>> -> memref<16x128xf32, #tpu.memory_space<vmem_shared>>
          tpu.wait_dma2 semaphore(%run_scoped3A : memref<!tpu.dma_semaphore, #tpu.memory_space<semaphore_mem>>) src(%dma_wait3A_32 : memref<16x128xf32, #tpu.memory_space<vmem_shared>>) dst(%dma_wait3A_29 : memref<16x128xf32, #tpu.memory_space<hbm>>)
          tpu.yield
        }) : () -> ()
      } else {
      }
    } else {
    }
    %eq3A_3 = arith.constant 1 : i32
    %eq3A_4 = arith.cmpi eq, %arg0, %eq3A_3 : i32
    %convert_element_type3A_5 = arith.extui %eq3A_4 : i1 to i32
    %cond3A_6 = arith.constant 0 : i32
    %cond3A_7 = arith.cmpi ne, %convert_element_type3A_5, %cond3A_6 : i32
    scf.if %cond3A_7 {
      %scan3A = arith.constant 0 : i32
      %scan3A_8 = arith.constant 0 : i32
      %scan3A_9 = arith.constant 4 : i32
      %scan3A_10 = arith.addi %scan3A_8, %scan3A_9 : i32
      %scan3A_11 = arith.constant 1 : i32
      scf.for %scan3A_23 = %scan3A_8 to %scan3A_10 step %scan3A_11  : i32 {
        %mul3A_24 = arith.constant 40 : i32
        %mul3A_25 = arith.muli %scan3A_23, %mul3A_24 : i32
        "tpu.region"() ({
          %run_scoped3A = tpu.sem_alloc : memref<!tpu.dma_semaphore, #tpu.memory_space<semaphore_mem>>
          %dma_start3A_46 = arith.constant 0 : i32
          %dma_start3A_47 = tpu.memref_slice %arg2[%arg1, %mul3A_25, %dma_start3A_46] : memref<16x160x128xi32, #tpu.memory_space<hbm>> -> memref<1x40x128xi32, #tpu.memory_space<hbm>>
          %dma_start3A_48 = tpu.memref_squeeze %dma_start3A_47 : memref<1x40x128xi32, #tpu.memory_space<hbm>> -> memref<40x128xi32, #tpu.memory_space<hbm>>
          %dma_start3A_49 = arith.constant 0 : i32
          %dma_start3A_50 = tpu.memref_slice %arg2[%arg1, %mul3A_25, %dma_start3A_49] : memref<16x160x128xi32, #tpu.memory_space<hbm>> -> memref<1x40x128xi32, #tpu.memory_space<hbm>>
          %dma_start3A_51 = tpu.memref_squeeze %dma_start3A_50 : memref<1x40x128xi32, #tpu.memory_space<hbm>> -> memref<40x128xi32, #tpu.memory_space<hbm>>
          tpu.enqueue_dma source(%dma_start3A_51 : memref<40x128xi32, #tpu.memory_space<hbm>>) target(%arg9 : memref<40x128xi32, #tpu.memory_space<vmem>>) target_semaphore(%run_scoped3A : memref<!tpu.dma_semaphore, #tpu.memory_space<semaphore_mem>>)
          %dma_wait3A = arith.constant 0 : i32
          %dma_wait3A_52 = tpu.memref_slice %arg2[%arg1, %mul3A_25, %dma_wait3A] : memref<16x160x128xi32, #tpu.memory_space<hbm>> -> memref<1x40x128xi32, #tpu.memory_space<hbm>>
          %dma_wait3A_53 = tpu.memref_squeeze %dma_wait3A_52 : memref<1x40x128xi32, #tpu.memory_space<hbm>> -> memref<40x128xi32, #tpu.memory_space<hbm>>
          %dma_wait3A_54 = arith.constant 0 : i32
          %dma_wait3A_55 = tpu.memref_slice %arg2[%arg1, %mul3A_25, %dma_wait3A_54] : memref<16x160x128xi32, #tpu.memory_space<hbm>> -> memref<1x40x128xi32, #tpu.memory_space<hbm>>
          %dma_wait3A_56 = tpu.memref_squeeze %dma_wait3A_55 : memref<1x40x128xi32, #tpu.memory_space<hbm>> -> memref<40x128xi32, #tpu.memory_space<hbm>>
          tpu.wait_dma2 semaphore(%run_scoped3A : memref<!tpu.dma_semaphore, #tpu.memory_space<semaphore_mem>>) src(%dma_wait3A_56 : memref<40x128xi32, #tpu.memory_space<hbm>>) dst(%arg9 : memref<40x128xi32, #tpu.memory_space<vmem>>)
          tpu.yield
        }) : () -> ()
        %mul3A_26 = arith.constant 40 : i32
        %mul3A_27 = arith.muli %scan3A_23, %mul3A_26 : i32
        "tpu.region"() ({
          %run_scoped3A = tpu.sem_alloc : memref<!tpu.dma_semaphore, #tpu.memory_space<semaphore_mem>>
          %dma_start3A_46 = arith.constant 0 : i32
          %dma_start3A_47 = tpu.memref_slice %arg3[%arg1, %mul3A_27, %dma_start3A_46] : memref<16x160x128xi32, #tpu.memory_space<hbm>> -> memref<1x40x128xi32, #tpu.memory_space<hbm>>
          %dma_start3A_48 = tpu.memref_squeeze %dma_start3A_47 : memref<1x40x128xi32, #tpu.memory_space<hbm>> -> memref<40x128xi32, #tpu.memory_space<hbm>>
          %dma_start3A_49 = arith.constant 0 : i32
          %dma_start3A_50 = tpu.memref_slice %arg3[%arg1, %mul3A_27, %dma_start3A_49] : memref<16x160x128xi32, #tpu.memory_space<hbm>> -> memref<1x40x128xi32, #tpu.memory_space<hbm>>
          %dma_start3A_51 = tpu.memref_squeeze %dma_start3A_50 : memref<1x40x128xi32, #tpu.memory_space<hbm>> -> memref<40x128xi32, #tpu.memory_space<hbm>>
          tpu.enqueue_dma source(%dma_start3A_51 : memref<40x128xi32, #tpu.memory_space<hbm>>) target(%arg10 : memref<40x128xi32, #tpu.memory_space<vmem>>) target_semaphore(%run_scoped3A : memref<!tpu.dma_semaphore, #tpu.memory_space<semaphore_mem>>)
          %dma_wait3A = arith.constant 0 : i32
          %dma_wait3A_52 = tpu.memref_slice %arg3[%arg1, %mul3A_27, %dma_wait3A] : memref<16x160x128xi32, #tpu.memory_space<hbm>> -> memref<1x40x128xi32, #tpu.memory_space<hbm>>
          %dma_wait3A_53 = tpu.memref_squeeze %dma_wait3A_52 : memref<1x40x128xi32, #tpu.memory_space<hbm>> -> memref<40x128xi32, #tpu.memory_space<hbm>>
          %dma_wait3A_54 = arith.constant 0 : i32
          %dma_wait3A_55 = tpu.memref_slice %arg3[%arg1, %mul3A_27, %dma_wait3A_54] : memref<16x160x128xi32, #tpu.memory_space<hbm>> -> memref<1x40x128xi32, #tpu.memory_space<hbm>>
          %dma_wait3A_56 = tpu.memref_squeeze %dma_wait3A_55 : memref<1x40x128xi32, #tpu.memory_space<hbm>> -> memref<40x128xi32, #tpu.memory_space<hbm>>
          tpu.wait_dma2 semaphore(%run_scoped3A : memref<!tpu.dma_semaphore, #tpu.memory_space<semaphore_mem>>) src(%dma_wait3A_56 : memref<40x128xi32, #tpu.memory_space<hbm>>) dst(%arg10 : memref<40x128xi32, #tpu.memory_space<vmem>>)
          tpu.yield
        }) : () -> ()
        %dma_start3A = arith.constant 0 : i32
        %dma_start3A_28 = arith.constant 0 : i32
        %dma_start3A_29 = tpu.memref_slice %arg9[%dma_start3A, %dma_start3A_28] : memref<40x128xi32, #tpu.memory_space<vmem>> -> memref<1x128xi32, #tpu.memory_space<vmem>>
        %dma_start3A_30 = tpu.memref_squeeze %dma_start3A_29 : memref<1x128xi32, #tpu.memory_space<vmem>> -> memref<128xi32, #tpu.memory_space<vmem>>
        %dma_start3A_31 = arith.constant 0 : i32
        %dma_start3A_32 = arith.constant 0 : i32
        %dma_start3A_33 = tpu.memref_slice %arg5[%dma_start3A_31, %dma_start3A_32] : memref<10000x128xf32, #tpu.memory_space<hbm>> -> memref<10000x128xf32, #tpu.memory_space<hbm>>
        tpu.enqueue_indirect_dma source(%dma_start3A_33 : memref<10000x128xf32, #tpu.memory_space<hbm>>) target(%arg11 : memref<128x128xf32, #tpu.memory_space<vmem>>) offsets(%dma_start3A_30 : memref<128xi32, #tpu.memory_space<vmem>>) semaphore(%arg14 : memref<!tpu.dma_semaphore, #tpu.memory_space<semaphore_mem>>)
        %dma_start3A_34 = arith.constant 1 : i32
        %dma_start3A_35 = arith.constant 0 : i32
        %dma_start3A_36 = tpu.memref_slice %arg9[%dma_start3A_34, %dma_start3A_35] : memref<40x128xi32, #tpu.memory_space<vmem>> -> memref<1x128xi32, #tpu.memory_space<vmem>>
        %dma_start3A_37 = tpu.memref_squeeze %dma_start3A_36 : memref<1x128xi32, #tpu.memory_space<vmem>> -> memref<128xi32, #tpu.memory_space<vmem>>
        %dma_start3A_38 = arith.constant 0 : i32
        %dma_start3A_39 = arith.constant 0 : i32
        %dma_start3A_40 = tpu.memref_slice %arg5[%dma_start3A_38, %dma_start3A_39] : memref<10000x128xf32, #tpu.memory_space<hbm>> -> memref<10000x128xf32, #tpu.memory_space<hbm>>
        tpu.enqueue_indirect_dma source(%dma_start3A_40 : memref<10000x128xf32, #tpu.memory_space<hbm>>) target(%arg12 : memref<128x128xf32, #tpu.memory_space<vmem>>) offsets(%dma_start3A_37 : memref<128xi32, #tpu.memory_space<vmem>>) semaphore(%arg15 : memref<!tpu.dma_semaphore, #tpu.memory_space<semaphore_mem>>)
        %scan3A_41 = arith.constant 0 : i32
        %scan3A_42 = arith.constant 20 : i32
        %scan3A_43 = arith.addi %scan3A_41, %scan3A_42 : i32
        %scan3A_44 = arith.constant 1 : i32
        scf.for %scan3A_46 = %scan3A_41 to %scan3A_43 step %scan3A_44  : i32 {
          %mul3A_47 = arith.constant 2 : i32
          %mul3A_48 = arith.muli %mul3A_47, %scan3A_46 : i32
          %add3A = arith.constant 1 : i32
          %add3A_49 = arith.addi %mul3A_48, %add3A : i32
          %dma_wait3A = arith.constant 0 : i32
          %dma_wait3A_50 = tpu.memref_slice %arg9[%mul3A_48, %dma_wait3A] : memref<40x128xi32, #tpu.memory_space<vmem>> -> memref<1x128xi32, #tpu.memory_space<vmem>>
          %dma_wait3A_51 = tpu.memref_squeeze %dma_wait3A_50 : memref<1x128xi32, #tpu.memory_space<vmem>> -> memref<128xi32, #tpu.memory_space<vmem>>
          %dma_wait3A_52 = arith.constant 0 : i32
          %dma_wait3A_53 = arith.constant 0 : i32
          %dma_wait3A_54 = tpu.memref_slice %arg5[%dma_wait3A_52, %dma_wait3A_53] : memref<10000x128xf32, #tpu.memory_space<hbm>> -> memref<10000x128xf32, #tpu.memory_space<hbm>>
          tpu.wait_indirect_dma semaphore(%arg14 : memref<!tpu.dma_semaphore, #tpu.memory_space<semaphore_mem>>) src(%dma_wait3A_54 : memref<10000x128xf32, #tpu.memory_space<hbm>>) dst(%arg11 : memref<128x128xf32, #tpu.memory_space<vmem>>)
          "tpu.region"() ({
            %run_scoped3A = tpu.sem_alloc : memref<!tpu.dma_semaphore, #tpu.memory_space<semaphore_mem>>
            %dma_start3A_74 = arith.constant 0 : i32
            %dma_start3A_75 = tpu.memref_slice %arg10[%mul3A_48, %dma_start3A_74] : memref<40x128xi32, #tpu.memory_space<vmem>> -> memref<1x128xi32, #tpu.memory_space<vmem>>
            %dma_start3A_76 = tpu.memref_squeeze %dma_start3A_75 : memref<1x128xi32, #tpu.memory_space<vmem>> -> memref<128xi32, #tpu.memory_space<vmem>>
            %dma_start3A_77 = arith.constant 0 : i32
            %dma_start3A_78 = arith.constant 0 : i32
            %dma_start3A_79 = tpu.memref_slice %arg13[%dma_start3A_77, %dma_start3A_78] : memref<10112x128xf32, #tpu.memory_space<vmem_shared>> -> memref<10112x128xf32, #tpu.memory_space<vmem_shared>>
            tpu.enqueue_indirect_dma source(%arg11 : memref<128x128xf32, #tpu.memory_space<vmem>>) target(%dma_start3A_79 : memref<10112x128xf32, #tpu.memory_space<vmem_shared>>) offsets(%dma_start3A_76 : memref<128xi32, #tpu.memory_space<vmem>>) semaphore(%run_scoped3A : memref<!tpu.dma_semaphore, #tpu.memory_space<semaphore_mem>>) {add = true}
            %dma_wait3A_80 = arith.constant 0 : i32
            %dma_wait3A_81 = tpu.memref_slice %arg10[%mul3A_48, %dma_wait3A_80] : memref<40x128xi32, #tpu.memory_space<vmem>> -> memref<1x128xi32, #tpu.memory_space<vmem>>
            %dma_wait3A_82 = tpu.memref_squeeze %dma_wait3A_81 : memref<1x128xi32, #tpu.memory_space<vmem>> -> memref<128xi32, #tpu.memory_space<vmem>>
            %dma_wait3A_83 = arith.constant 0 : i32
            %dma_wait3A_84 = arith.constant 0 : i32
            %dma_wait3A_85 = tpu.memref_slice %arg13[%dma_wait3A_83, %dma_wait3A_84] : memref<10112x128xf32, #tpu.memory_space<vmem_shared>> -> memref<10112x128xf32, #tpu.memory_space<vmem_shared>>
            tpu.wait_indirect_dma semaphore(%run_scoped3A : memref<!tpu.dma_semaphore, #tpu.memory_space<semaphore_mem>>) src(%arg11 : memref<128x128xf32, #tpu.memory_space<vmem>>) dst(%dma_wait3A_85 : memref<10112x128xf32, #tpu.memory_space<vmem_shared>>)
            tpu.yield
          }) : () -> ()
          %add3A_55 = arith.constant 2 : i32
          %add3A_56 = arith.addi %mul3A_48, %add3A_55 : i32
          %lt3A = arith.constant 40 : i32
          %lt3A_57 = arith.cmpi slt, %add3A_56, %lt3A : i32
          %convert_element_type3A_58 = arith.extui %lt3A_57 : i1 to i32
          %cond3A_59 = arith.constant 0 : i32
          %cond3A_60 = arith.cmpi ne, %convert_element_type3A_58, %cond3A_59 : i32
          scf.if %cond3A_60 {
            %add3A_74 = arith.constant 2 : i32
            %add3A_75 = arith.addi %mul3A_48, %add3A_74 : i32
            %dma_start3A_76 = arith.constant 0 : i32
            %dma_start3A_77 = tpu.memref_slice %arg9[%add3A_75, %dma_start3A_76] : memref<40x128xi32, #tpu.memory_space<vmem>> -> memref<1x128xi32, #tpu.memory_space<vmem>>
            %dma_start3A_78 = tpu.memref_squeeze %dma_start3A_77 : memref<1x128xi32, #tpu.memory_space<vmem>> -> memref<128xi32, #tpu.memory_space<vmem>>
            %dma_start3A_79 = arith.constant 0 : i32
            %dma_start3A_80 = arith.constant 0 : i32
            %dma_start3A_81 = tpu.memref_slice %arg5[%dma_start3A_79, %dma_start3A_80] : memref<10000x128xf32, #tpu.memory_space<hbm>> -> memref<10000x128xf32, #tpu.memory_space<hbm>>
            tpu.enqueue_indirect_dma source(%dma_start3A_81 : memref<10000x128xf32, #tpu.memory_space<hbm>>) target(%arg11 : memref<128x128xf32, #tpu.memory_space<vmem>>) offsets(%dma_start3A_78 : memref<128xi32, #tpu.memory_space<vmem>>) semaphore(%arg14 : memref<!tpu.dma_semaphore, #tpu.memory_space<semaphore_mem>>)
          } else {
          }
          %dma_wait3A_61 = arith.constant 0 : i32
          %dma_wait3A_62 = tpu.memref_slice %arg9[%add3A_49, %dma_wait3A_61] : memref<40x128xi32, #tpu.memory_space<vmem>> -> memref<1x128xi32, #tpu.memory_space<vmem>>
          %dma_wait3A_63 = tpu.memref_squeeze %dma_wait3A_62 : memref<1x128xi32, #tpu.memory_space<vmem>> -> memref<128xi32, #tpu.memory_space<vmem>>
          %dma_wait3A_64 = arith.constant 0 : i32
          %dma_wait3A_65 = arith.constant 0 : i32
          %dma_wait3A_66 = tpu.memref_slice %arg5[%dma_wait3A_64, %dma_wait3A_65] : memref<10000x128xf32, #tpu.memory_space<hbm>> -> memref<10000x128xf32, #tpu.memory_space<hbm>>
          tpu.wait_indirect_dma semaphore(%arg15 : memref<!tpu.dma_semaphore, #tpu.memory_space<semaphore_mem>>) src(%dma_wait3A_66 : memref<10000x128xf32, #tpu.memory_space<hbm>>) dst(%arg12 : memref<128x128xf32, #tpu.memory_space<vmem>>)
          "tpu.region"() ({
            %run_scoped3A = tpu.sem_alloc : memref<!tpu.dma_semaphore, #tpu.memory_space<semaphore_mem>>
            %dma_start3A_74 = arith.constant 0 : i32
            %dma_start3A_75 = tpu.memref_slice %arg10[%add3A_49, %dma_start3A_74] : memref<40x128xi32, #tpu.memory_space<vmem>> -> memref<1x128xi32, #tpu.memory_space<vmem>>
            %dma_start3A_76 = tpu.memref_squeeze %dma_start3A_75 : memref<1x128xi32, #tpu.memory_space<vmem>> -> memref<128xi32, #tpu.memory_space<vmem>>
            %dma_start3A_77 = arith.constant 0 : i32
            %dma_start3A_78 = arith.constant 0 : i32
            %dma_start3A_79 = tpu.memref_slice %arg13[%dma_start3A_77, %dma_start3A_78] : memref<10112x128xf32, #tpu.memory_space<vmem_shared>> -> memref<10112x128xf32, #tpu.memory_space<vmem_shared>>
            tpu.enqueue_indirect_dma source(%arg12 : memref<128x128xf32, #tpu.memory_space<vmem>>) target(%dma_start3A_79 : memref<10112x128xf32, #tpu.memory_space<vmem_shared>>) offsets(%dma_start3A_76 : memref<128xi32, #tpu.memory_space<vmem>>) semaphore(%run_scoped3A : memref<!tpu.dma_semaphore, #tpu.memory_space<semaphore_mem>>) {add = true}
            %dma_wait3A_80 = arith.constant 0 : i32
            %dma_wait3A_81 = tpu.memref_slice %arg10[%add3A_49, %dma_wait3A_80] : memref<40x128xi32, #tpu.memory_space<vmem>> -> memref<1x128xi32, #tpu.memory_space<vmem>>
            %dma_wait3A_82 = tpu.memref_squeeze %dma_wait3A_81 : memref<1x128xi32, #tpu.memory_space<vmem>> -> memref<128xi32, #tpu.memory_space<vmem>>
            %dma_wait3A_83 = arith.constant 0 : i32
            %dma_wait3A_84 = arith.constant 0 : i32
            %dma_wait3A_85 = tpu.memref_slice %arg13[%dma_wait3A_83, %dma_wait3A_84] : memref<10112x128xf32, #tpu.memory_space<vmem_shared>> -> memref<10112x128xf32, #tpu.memory_space<vmem_shared>>
            tpu.wait_indirect_dma semaphore(%run_scoped3A : memref<!tpu.dma_semaphore, #tpu.memory_space<semaphore_mem>>) src(%arg12 : memref<128x128xf32, #tpu.memory_space<vmem>>) dst(%dma_wait3A_85 : memref<10112x128xf32, #tpu.memory_space<vmem_shared>>)
            tpu.yield
          }) : () -> ()
          %add3A_67 = arith.constant 2 : i32
          %add3A_68 = arith.addi %add3A_49, %add3A_67 : i32
          %lt3A_69 = arith.constant 40 : i32
          %lt3A_70 = arith.cmpi slt, %add3A_68, %lt3A_69 : i32
          %convert_element_type3A_71 = arith.extui %lt3A_70 : i1 to i32
          %cond3A_72 = arith.constant 0 : i32
          %cond3A_73 = arith.cmpi ne, %convert_element_type3A_71, %cond3A_72 : i32
          scf.if %cond3A_73 {
            %add3A_74 = arith.constant 2 : i32
            %add3A_75 = arith.addi %add3A_49, %add3A_74 : i32
            %dma_start3A_76 = arith.constant 0 : i32
            %dma_start3A_77 = tpu.memref_slice %arg9[%add3A_75, %dma_start3A_76] : memref<40x128xi32, #tpu.memory_space<vmem>> -> memref<1x128xi32, #tpu.memory_space<vmem>>
            %dma_start3A_78 = tpu.memref_squeeze %dma_start3A_77 : memref<1x128xi32, #tpu.memory_space<vmem>> -> memref<128xi32, #tpu.memory_space<vmem>>
            %dma_start3A_79 = arith.constant 0 : i32
            %dma_start3A_80 = arith.constant 0 : i32
            %dma_start3A_81 = tpu.memref_slice %arg5[%dma_start3A_79, %dma_start3A_80] : memref<10000x128xf32, #tpu.memory_space<hbm>> -> memref<10000x128xf32, #tpu.memory_space<hbm>>
            tpu.enqueue_indirect_dma source(%dma_start3A_81 : memref<10000x128xf32, #tpu.memory_space<hbm>>) target(%arg12 : memref<128x128xf32, #tpu.memory_space<vmem>>) offsets(%dma_start3A_78 : memref<128xi32, #tpu.memory_space<vmem>>) semaphore(%arg15 : memref<!tpu.dma_semaphore, #tpu.memory_space<semaphore_mem>>)
          } else {
          }
        }
        %scan3A_45 = arith.constant 20 : i32
      }
      %scan3A_12 = arith.constant 4 : i32
      %barrier3A_13 = arith.constant 0 : index
      tpu.barrier barrier_id(%barrier3A_13)
      %mul3A_14 = arith.constant 624 : i32
      %mul3A_15 = arith.muli %arg1, %mul3A_14 : i32
      %mul3A_16 = arith.constant 624 : i32
      %mul3A_17 = arith.muli %arg1, %mul3A_16 : i32
      "tpu.region"() ({
        %run_scoped3A = tpu.sem_alloc : memref<!tpu.dma_semaphore, #tpu.memory_space<semaphore_mem>>
        %dma_start3A = arith.constant 0 : i32
        %dma_start3A_23 = tpu.memref_slice %arg8[%mul3A_17, %dma_start3A] : memref<10000x128xf32, #tpu.memory_space<hbm>> -> memref<624x128xf32, #tpu.memory_space<hbm>>
        %dma_start3A_24 = arith.constant 0 : i32
        %dma_start3A_25 = tpu.memref_slice %arg13[%mul3A_15, %dma_start3A_24] : memref<10112x128xf32, #tpu.memory_space<vmem_shared>> -> memref<624x128xf32, #tpu.memory_space<vmem_shared>>
        tpu.enqueue_dma source(%dma_start3A_25 : memref<624x128xf32, #tpu.memory_space<vmem_shared>>) target(%dma_start3A_23 : memref<624x128xf32, #tpu.memory_space<hbm>>) target_semaphore(%run_scoped3A : memref<!tpu.dma_semaphore, #tpu.memory_space<semaphore_mem>>)
        %dma_wait3A = arith.constant 0 : i32
        %dma_wait3A_26 = tpu.memref_slice %arg8[%mul3A_17, %dma_wait3A] : memref<10000x128xf32, #tpu.memory_space<hbm>> -> memref<624x128xf32, #tpu.memory_space<hbm>>
        %dma_wait3A_27 = arith.constant 0 : i32
        %dma_wait3A_28 = tpu.memref_slice %arg13[%mul3A_15, %dma_wait3A_27] : memref<10112x128xf32, #tpu.memory_space<vmem_shared>> -> memref<624x128xf32, #tpu.memory_space<vmem_shared>>
        tpu.wait_dma2 semaphore(%run_scoped3A : memref<!tpu.dma_semaphore, #tpu.memory_space<semaphore_mem>>) src(%dma_wait3A_28 : memref<624x128xf32, #tpu.memory_space<vmem_shared>>) dst(%dma_wait3A_26 : memref<624x128xf32, #tpu.memory_space<hbm>>)
        tpu.yield
      }) : () -> ()
      %eq3A_18 = arith.constant 15 : i32
      %eq3A_19 = arith.cmpi eq, %arg1, %eq3A_18 : i32
      %convert_element_type3A_20 = arith.extui %eq3A_19 : i1 to i32
      %cond3A_21 = arith.constant 0 : i32
      %cond3A_22 = arith.cmpi ne, %convert_element_type3A_20, %cond3A_21 : i32
      scf.if %cond3A_22 {
        "tpu.region"() ({
          %run_scoped3A = tpu.sem_alloc : memref<!tpu.dma_semaphore, #tpu.memory_space<semaphore_mem>>
          %dma_start3A = arith.constant 9984 : i32
          %dma_start3A_23 = arith.constant 0 : i32
          %dma_start3A_24 = tpu.memref_slice %arg8[%dma_start3A, %dma_start3A_23] : memref<10000x128xf32, #tpu.memory_space<hbm>> -> memref<16x128xf32, #tpu.memory_space<hbm>>
          %dma_start3A_25 = arith.constant 9984 : i32
          %dma_start3A_26 = arith.constant 0 : i32
          %dma_start3A_27 = tpu.memref_slice %arg13[%dma_start3A_25, %dma_start3A_26] : memref<10112x128xf32, #tpu.memory_space<vmem_shared>> -> memref<16x128xf32, #tpu.memory_space<vmem_shared>>
          tpu.enqueue_dma source(%dma_start3A_27 : memref<16x128xf32, #tpu.memory_space<vmem_shared>>) target(%dma_start3A_24 : memref<16x128xf32, #tpu.memory_space<hbm>>) target_semaphore(%run_scoped3A : memref<!tpu.dma_semaphore, #tpu.memory_space<semaphore_mem>>)
          %dma_wait3A = arith.constant 9984 : i32
          %dma_wait3A_28 = arith.constant 0 : i32
          %dma_wait3A_29 = tpu.memref_slice %arg8[%dma_wait3A, %dma_wait3A_28] : memref<10000x128xf32, #tpu.memory_space<hbm>> -> memref<16x128xf32, #tpu.memory_space<hbm>>
          %dma_wait3A_30 = arith.constant 9984 : i32
          %dma_wait3A_31 = arith.constant 0 : i32
          %dma_wait3A_32 = tpu.memref_slice %arg13[%dma_wait3A_30, %dma_wait3A_31] : memref<10112x128xf32, #tpu.memory_space<vmem_shared>> -> memref<16x128xf32, #tpu.memory_space<vmem_shared>>
          tpu.wait_dma2 semaphore(%run_scoped3A : memref<!tpu.dma_semaphore, #tpu.memory_space<semaphore_mem>>) src(%dma_wait3A_32 : memref<16x128xf32, #tpu.memory_space<vmem_shared>>) dst(%dma_wait3A_29 : memref<16x128xf32, #tpu.memory_space<hbm>>)
          tpu.yield
        }) : () -> ()
      } else {
      }
    } else {
    }
    return
  }
}

#map = affine_map<(d0, d1) -> (0, 0, 0)>
#map1 = affine_map<(d0, d1) -> (0, 0)>
module attributes {stable_mosaic.version = 14 : i64} {
  func.func @_hist_body(%arg0: i32, %arg1: i32, %arg2: memref<16x160x128xi32, #tpu.memory_space<hbm>>, %arg3: memref<128x128xf32, #tpu.memory_space<hbm>>, %arg4: memref<632x128xf32, #tpu.memory_space<hbm>>, %arg5: memref<10000x128xf32, #tpu.memory_space<hbm>>, %arg6: memref<160x128xi32, #tpu.memory_space<vmem>>, %arg7: memref<128x128xf32, #tpu.memory_space<vmem>>, %arg8: memref<10112x128xf32, #tpu.memory_space<vmem_shared>>, %arg9: memref<!tpu.dma_semaphore, #tpu.memory_space<semaphore_mem>>) attributes {dimension_semantics = [#tpu.dimension_semantics<core_parallel>, #tpu.dimension_semantics<subcore_parallel>], iteration_bounds = array<i64: 2, 16>, scalar_prefetch = 0 : i64, scratch_operands = 4 : i64, tpu.core_type = #tpu.core_type<sc_vector_subcore>, window_params = [{transform_indices = #map}, {transform_indices = #map1}, {transform_indices = #map1}, {transform_indices = #map1}]} {
    %eq3A = arith.constant 0 : i32
    %eq3A_0 = arith.cmpi eq, %arg0, %eq3A : i32
    %convert_element_type3A = arith.extui %eq3A_0 : i1 to i32
    %cond3A = arith.constant 0 : i32
    %cond3A_1 = arith.cmpi ne, %convert_element_type3A, %cond3A : i32
    scf.if %cond3A_1 {
      %mul3A = arith.constant 632 : i32
      %mul3A_2 = arith.muli %arg1, %mul3A : i32
      "tpu.region"() ({
        %run_scoped3A = tpu.sem_alloc : memref<!tpu.dma_semaphore, #tpu.memory_space<semaphore_mem>>
        %dma_start3A = arith.constant 0 : i32
        %dma_start3A_18 = tpu.memref_slice %arg8[%mul3A_2, %dma_start3A] : memref<10112x128xf32, #tpu.memory_space<vmem_shared>> -> memref<632x128xf32, #tpu.memory_space<vmem_shared>>
        tpu.enqueue_dma source(%arg4 : memref<632x128xf32, #tpu.memory_space<hbm>>) target(%dma_start3A_18 : memref<632x128xf32, #tpu.memory_space<vmem_shared>>) target_semaphore(%run_scoped3A : memref<!tpu.dma_semaphore, #tpu.memory_space<semaphore_mem>>)
        %dma_wait3A = arith.constant 0 : i32
        %dma_wait3A_19 = tpu.memref_slice %arg8[%mul3A_2, %dma_wait3A] : memref<10112x128xf32, #tpu.memory_space<vmem_shared>> -> memref<632x128xf32, #tpu.memory_space<vmem_shared>>
        tpu.wait_dma2 semaphore(%run_scoped3A : memref<!tpu.dma_semaphore, #tpu.memory_space<semaphore_mem>>) src(%arg4 : memref<632x128xf32, #tpu.memory_space<hbm>>) dst(%dma_wait3A_19 : memref<632x128xf32, #tpu.memory_space<vmem_shared>>)
        tpu.yield
      }) : () -> ()
      "tpu.region"() ({
        %run_scoped3A = tpu.sem_alloc : memref<!tpu.dma_semaphore, #tpu.memory_space<semaphore_mem>>
        tpu.enqueue_dma source(%arg3 : memref<128x128xf32, #tpu.memory_space<hbm>>) target(%arg7 : memref<128x128xf32, #tpu.memory_space<vmem>>) target_semaphore(%run_scoped3A : memref<!tpu.dma_semaphore, #tpu.memory_space<semaphore_mem>>)
        tpu.wait_dma2 semaphore(%run_scoped3A : memref<!tpu.dma_semaphore, #tpu.memory_space<semaphore_mem>>) src(%arg3 : memref<128x128xf32, #tpu.memory_space<hbm>>) dst(%arg7 : memref<128x128xf32, #tpu.memory_space<vmem>>)
        tpu.yield
      }) : () -> ()
      "tpu.region"() ({
        %run_scoped3A = tpu.sem_alloc : memref<!tpu.dma_semaphore, #tpu.memory_space<semaphore_mem>>
        %dma_start3A = arith.constant 0 : i32
        %dma_start3A_18 = arith.constant 0 : i32
        %dma_start3A_19 = tpu.memref_slice %arg2[%arg1, %dma_start3A, %dma_start3A_18] : memref<16x160x128xi32, #tpu.memory_space<hbm>> -> memref<1x160x128xi32, #tpu.memory_space<hbm>>
        %dma_start3A_20 = tpu.memref_squeeze %dma_start3A_19 : memref<1x160x128xi32, #tpu.memory_space<hbm>> -> memref<160x128xi32, #tpu.memory_space<hbm>>
        %dma_start3A_21 = arith.constant 0 : i32
        %dma_start3A_22 = arith.constant 0 : i32
        %dma_start3A_23 = tpu.memref_slice %arg2[%arg1, %dma_start3A_21, %dma_start3A_22] : memref<16x160x128xi32, #tpu.memory_space<hbm>> -> memref<1x160x128xi32, #tpu.memory_space<hbm>>
        %dma_start3A_24 = tpu.memref_squeeze %dma_start3A_23 : memref<1x160x128xi32, #tpu.memory_space<hbm>> -> memref<160x128xi32, #tpu.memory_space<hbm>>
        tpu.enqueue_dma source(%dma_start3A_24 : memref<160x128xi32, #tpu.memory_space<hbm>>) target(%arg6 : memref<160x128xi32, #tpu.memory_space<vmem>>) target_semaphore(%run_scoped3A : memref<!tpu.dma_semaphore, #tpu.memory_space<semaphore_mem>>)
        %dma_wait3A = arith.constant 0 : i32
        %dma_wait3A_25 = arith.constant 0 : i32
        %dma_wait3A_26 = tpu.memref_slice %arg2[%arg1, %dma_wait3A, %dma_wait3A_25] : memref<16x160x128xi32, #tpu.memory_space<hbm>> -> memref<1x160x128xi32, #tpu.memory_space<hbm>>
        %dma_wait3A_27 = tpu.memref_squeeze %dma_wait3A_26 : memref<1x160x128xi32, #tpu.memory_space<hbm>> -> memref<160x128xi32, #tpu.memory_space<hbm>>
        %dma_wait3A_28 = arith.constant 0 : i32
        %dma_wait3A_29 = arith.constant 0 : i32
        %dma_wait3A_30 = tpu.memref_slice %arg2[%arg1, %dma_wait3A_28, %dma_wait3A_29] : memref<16x160x128xi32, #tpu.memory_space<hbm>> -> memref<1x160x128xi32, #tpu.memory_space<hbm>>
        %dma_wait3A_31 = tpu.memref_squeeze %dma_wait3A_30 : memref<1x160x128xi32, #tpu.memory_space<hbm>> -> memref<160x128xi32, #tpu.memory_space<hbm>>
        tpu.wait_dma2 semaphore(%run_scoped3A : memref<!tpu.dma_semaphore, #tpu.memory_space<semaphore_mem>>) src(%dma_wait3A_31 : memref<160x128xi32, #tpu.memory_space<hbm>>) dst(%arg6 : memref<160x128xi32, #tpu.memory_space<vmem>>)
        tpu.yield
      }) : () -> ()
      %barrier3A = arith.constant 0 : index
      tpu.barrier barrier_id(%barrier3A)
      %scan3A = arith.constant 0 : i32
      %scan3A_3 = arith.constant 0 : i32
      %scan3A_4 = arith.constant 160 : i32
      %scan3A_5 = arith.addi %scan3A_3, %scan3A_4 : i32
      %scan3A_6 = arith.constant 1 : i32
      scf.for %scan3A_18 = %scan3A_3 to %scan3A_5 step %scan3A_6  : i32 {
        "tpu.region"() ({
          %run_scoped3A = tpu.sem_alloc : memref<!tpu.dma_semaphore, #tpu.memory_space<semaphore_mem>>
          %dma_start3A = arith.constant 0 : i32
          %dma_start3A_19 = tpu.memref_slice %arg6[%scan3A_18, %dma_start3A] : memref<160x128xi32, #tpu.memory_space<vmem>> -> memref<1x128xi32, #tpu.memory_space<vmem>>
          %dma_start3A_20 = tpu.memref_squeeze %dma_start3A_19 : memref<1x128xi32, #tpu.memory_space<vmem>> -> memref<128xi32, #tpu.memory_space<vmem>>
          %dma_start3A_21 = arith.constant 0 : i32
          %dma_start3A_22 = arith.constant 0 : i32
          %dma_start3A_23 = tpu.memref_slice %arg8[%dma_start3A_21, %dma_start3A_22] : memref<10112x128xf32, #tpu.memory_space<vmem_shared>> -> memref<10112x128xf32, #tpu.memory_space<vmem_shared>>
          tpu.enqueue_indirect_dma source(%arg7 : memref<128x128xf32, #tpu.memory_space<vmem>>) target(%dma_start3A_23 : memref<10112x128xf32, #tpu.memory_space<vmem_shared>>) offsets(%dma_start3A_20 : memref<128xi32, #tpu.memory_space<vmem>>) semaphore(%run_scoped3A : memref<!tpu.dma_semaphore, #tpu.memory_space<semaphore_mem>>) {add = true}
          %dma_wait3A = arith.constant 0 : i32
          %dma_wait3A_24 = tpu.memref_slice %arg6[%scan3A_18, %dma_wait3A] : memref<160x128xi32, #tpu.memory_space<vmem>> -> memref<1x128xi32, #tpu.memory_space<vmem>>
          %dma_wait3A_25 = tpu.memref_squeeze %dma_wait3A_24 : memref<1x128xi32, #tpu.memory_space<vmem>> -> memref<128xi32, #tpu.memory_space<vmem>>
          %dma_wait3A_26 = arith.constant 0 : i32
          %dma_wait3A_27 = arith.constant 0 : i32
          %dma_wait3A_28 = tpu.memref_slice %arg8[%dma_wait3A_26, %dma_wait3A_27] : memref<10112x128xf32, #tpu.memory_space<vmem_shared>> -> memref<10112x128xf32, #tpu.memory_space<vmem_shared>>
          tpu.wait_indirect_dma semaphore(%run_scoped3A : memref<!tpu.dma_semaphore, #tpu.memory_space<semaphore_mem>>) src(%arg7 : memref<128x128xf32, #tpu.memory_space<vmem>>) dst(%dma_wait3A_28 : memref<10112x128xf32, #tpu.memory_space<vmem_shared>>)
          tpu.yield
        }) : () -> ()
      }
      %scan3A_7 = arith.constant 160 : i32
      %barrier3A_8 = arith.constant 0 : index
      tpu.barrier barrier_id(%barrier3A_8)
      %mul3A_9 = arith.constant 624 : i32
      %mul3A_10 = arith.muli %arg1, %mul3A_9 : i32
      %mul3A_11 = arith.constant 624 : i32
      %mul3A_12 = arith.muli %arg1, %mul3A_11 : i32
      "tpu.region"() ({
        %run_scoped3A = tpu.sem_alloc : memref<!tpu.dma_semaphore, #tpu.memory_space<semaphore_mem>>
        %dma_start3A = arith.constant 0 : i32
        %dma_start3A_18 = tpu.memref_slice %arg5[%mul3A_12, %dma_start3A] : memref<10000x128xf32, #tpu.memory_space<hbm>> -> memref<624x128xf32, #tpu.memory_space<hbm>>
        %dma_start3A_19 = arith.constant 0 : i32
        %dma_start3A_20 = tpu.memref_slice %arg8[%mul3A_10, %dma_start3A_19] : memref<10112x128xf32, #tpu.memory_space<vmem_shared>> -> memref<624x128xf32, #tpu.memory_space<vmem_shared>>
        tpu.enqueue_dma source(%dma_start3A_20 : memref<624x128xf32, #tpu.memory_space<vmem_shared>>) target(%dma_start3A_18 : memref<624x128xf32, #tpu.memory_space<hbm>>) target_semaphore(%run_scoped3A : memref<!tpu.dma_semaphore, #tpu.memory_space<semaphore_mem>>)
        %dma_wait3A = arith.constant 0 : i32
        %dma_wait3A_21 = tpu.memref_slice %arg5[%mul3A_12, %dma_wait3A] : memref<10000x128xf32, #tpu.memory_space<hbm>> -> memref<624x128xf32, #tpu.memory_space<hbm>>
        %dma_wait3A_22 = arith.constant 0 : i32
        %dma_wait3A_23 = tpu.memref_slice %arg8[%mul3A_10, %dma_wait3A_22] : memref<10112x128xf32, #tpu.memory_space<vmem_shared>> -> memref<624x128xf32, #tpu.memory_space<vmem_shared>>
        tpu.wait_dma2 semaphore(%run_scoped3A : memref<!tpu.dma_semaphore, #tpu.memory_space<semaphore_mem>>) src(%dma_wait3A_23 : memref<624x128xf32, #tpu.memory_space<vmem_shared>>) dst(%dma_wait3A_21 : memref<624x128xf32, #tpu.memory_space<hbm>>)
        tpu.yield
      }) : () -> ()
      %eq3A_13 = arith.constant 15 : i32
      %eq3A_14 = arith.cmpi eq, %arg1, %eq3A_13 : i32
      %convert_element_type3A_15 = arith.extui %eq3A_14 : i1 to i32
      %cond3A_16 = arith.constant 0 : i32
      %cond3A_17 = arith.cmpi ne, %convert_element_type3A_15, %cond3A_16 : i32
      scf.if %cond3A_17 {
        "tpu.region"() ({
          %run_scoped3A = tpu.sem_alloc : memref<!tpu.dma_semaphore, #tpu.memory_space<semaphore_mem>>
          %dma_start3A = arith.constant 9984 : i32
          %dma_start3A_18 = arith.constant 0 : i32
          %dma_start3A_19 = tpu.memref_slice %arg5[%dma_start3A, %dma_start3A_18] : memref<10000x128xf32, #tpu.memory_space<hbm>> -> memref<16x128xf32, #tpu.memory_space<hbm>>
          %dma_start3A_20 = arith.constant 9984 : i32
          %dma_start3A_21 = arith.constant 0 : i32
          %dma_start3A_22 = tpu.memref_slice %arg8[%dma_start3A_20, %dma_start3A_21] : memref<10112x128xf32, #tpu.memory_space<vmem_shared>> -> memref<16x128xf32, #tpu.memory_space<vmem_shared>>
          tpu.enqueue_dma source(%dma_start3A_22 : memref<16x128xf32, #tpu.memory_space<vmem_shared>>) target(%dma_start3A_19 : memref<16x128xf32, #tpu.memory_space<hbm>>) target_semaphore(%run_scoped3A : memref<!tpu.dma_semaphore, #tpu.memory_space<semaphore_mem>>)
          %dma_wait3A = arith.constant 9984 : i32
          %dma_wait3A_23 = arith.constant 0 : i32
          %dma_wait3A_24 = tpu.memref_slice %arg5[%dma_wait3A, %dma_wait3A_23] : memref<10000x128xf32, #tpu.memory_space<hbm>> -> memref<16x128xf32, #tpu.memory_space<hbm>>
          %dma_wait3A_25 = arith.constant 9984 : i32
          %dma_wait3A_26 = arith.constant 0 : i32
          %dma_wait3A_27 = tpu.memref_slice %arg8[%dma_wait3A_25, %dma_wait3A_26] : memref<10112x128xf32, #tpu.memory_space<vmem_shared>> -> memref<16x128xf32, #tpu.memory_space<vmem_shared>>
          tpu.wait_dma2 semaphore(%run_scoped3A : memref<!tpu.dma_semaphore, #tpu.memory_space<semaphore_mem>>) src(%dma_wait3A_27 : memref<16x128xf32, #tpu.memory_space<vmem_shared>>) dst(%dma_wait3A_24 : memref<16x128xf32, #tpu.memory_space<hbm>>)
          tpu.yield
        }) : () -> ()
      } else {
      }
    } else {
    }
    return
  }
}

#map = affine_map<(d0, d1) -> (0, 0, 0)>
#map1 = affine_map<(d0, d1) -> (0, 0)>
module attributes {stable_mosaic.version = 14 : i64} {
  func.func @_agg_body(%arg0: i32, %arg1: i32, %arg2: memref<16x160x128xi32, #tpu.memory_space<hbm>>, %arg3: memref<16x160x128xi32, #tpu.memory_space<hbm>>, %arg4: memref<10000x128xf32, #tpu.memory_space<hbm>>, %arg5: memref<10000x128xf32, #tpu.memory_space<hbm>>, %arg6: memref<632x128xf32, #tpu.memory_space<hbm>>, %arg7: memref<10000x128xf32, #tpu.memory_space<hbm>>, %arg8: memref<10000x128xf32, #tpu.memory_space<hbm>>, %arg9: memref<40x128xi32, #tpu.memory_space<vmem>>, %arg10: memref<40x128xi32, #tpu.memory_space<vmem>>, %arg11: memref<128x128xf32, #tpu.memory_space<vmem>>, %arg12: memref<128x128xf32, #tpu.memory_space<vmem>>, %arg13: memref<10112x128xf32, #tpu.memory_space<vmem_shared>>, %arg14: memref<!tpu.dma_semaphore, #tpu.memory_space<semaphore_mem>>, %arg15: memref<!tpu.dma_semaphore, #tpu.memory_space<semaphore_mem>>) attributes {dimension_semantics = [#tpu.dimension_semantics<core_parallel>, #tpu.dimension_semantics<subcore_parallel>], iteration_bounds = array<i64: 2, 16>, scalar_prefetch = 0 : i64, scratch_operands = 7 : i64, tpu.core_type = #tpu.core_type<sc_vector_subcore>, window_params = [{transform_indices = #map}, {transform_indices = #map}, {transform_indices = #map1}, {transform_indices = #map1}, {transform_indices = #map1}, {transform_indices = #map1}, {transform_indices = #map1}]} {
    %mul3A = arith.constant 632 : i32
    %mul3A_0 = arith.muli %arg1, %mul3A : i32
    "tpu.region"() ({
      %run_scoped3A = tpu.sem_alloc : memref<!tpu.dma_semaphore, #tpu.memory_space<semaphore_mem>>
      %dma_start3A = arith.constant 0 : i32
      %dma_start3A_8 = tpu.memref_slice %arg13[%mul3A_0, %dma_start3A] : memref<10112x128xf32, #tpu.memory_space<vmem_shared>> -> memref<632x128xf32, #tpu.memory_space<vmem_shared>>
      tpu.enqueue_dma source(%arg6 : memref<632x128xf32, #tpu.memory_space<hbm>>) target(%dma_start3A_8 : memref<632x128xf32, #tpu.memory_space<vmem_shared>>) target_semaphore(%run_scoped3A : memref<!tpu.dma_semaphore, #tpu.memory_space<semaphore_mem>>)
      %dma_wait3A = arith.constant 0 : i32
      %dma_wait3A_9 = tpu.memref_slice %arg13[%mul3A_0, %dma_wait3A] : memref<10112x128xf32, #tpu.memory_space<vmem_shared>> -> memref<632x128xf32, #tpu.memory_space<vmem_shared>>
      tpu.wait_dma2 semaphore(%run_scoped3A : memref<!tpu.dma_semaphore, #tpu.memory_space<semaphore_mem>>) src(%arg6 : memref<632x128xf32, #tpu.memory_space<hbm>>) dst(%dma_wait3A_9 : memref<632x128xf32, #tpu.memory_space<vmem_shared>>)
      tpu.yield
    }) : () -> ()
    %barrier3A = arith.constant 0 : index
    tpu.barrier barrier_id(%barrier3A)
    %eq3A = arith.constant 0 : i32
    %eq3A_1 = arith.cmpi eq, %arg0, %eq3A : i32
    %convert_element_type3A = arith.extui %eq3A_1 : i1 to i32
    %cond3A = arith.constant 0 : i32
    %cond3A_2 = arith.cmpi ne, %convert_element_type3A, %cond3A : i32
    scf.if %cond3A_2 {
      %scan3A = arith.constant 0 : i32
      %scan3A_8 = arith.constant 0 : i32
      %scan3A_9 = arith.constant 4 : i32
      %scan3A_10 = arith.addi %scan3A_8, %scan3A_9 : i32
      %scan3A_11 = arith.constant 1 : i32
      scf.for %scan3A_23 = %scan3A_8 to %scan3A_10 step %scan3A_11  : i32 {
        %mul3A_24 = arith.constant 40 : i32
        %mul3A_25 = arith.muli %scan3A_23, %mul3A_24 : i32
        "tpu.region"() ({
          %run_scoped3A = tpu.sem_alloc : memref<!tpu.dma_semaphore, #tpu.memory_space<semaphore_mem>>
          %dma_start3A_46 = arith.constant 0 : i32
          %dma_start3A_47 = tpu.memref_slice %arg2[%arg1, %mul3A_25, %dma_start3A_46] : memref<16x160x128xi32, #tpu.memory_space<hbm>> -> memref<1x40x128xi32, #tpu.memory_space<hbm>>
          %dma_start3A_48 = tpu.memref_squeeze %dma_start3A_47 : memref<1x40x128xi32, #tpu.memory_space<hbm>> -> memref<40x128xi32, #tpu.memory_space<hbm>>
          %dma_start3A_49 = arith.constant 0 : i32
          %dma_start3A_50 = tpu.memref_slice %arg2[%arg1, %mul3A_25, %dma_start3A_49] : memref<16x160x128xi32, #tpu.memory_space<hbm>> -> memref<1x40x128xi32, #tpu.memory_space<hbm>>
          %dma_start3A_51 = tpu.memref_squeeze %dma_start3A_50 : memref<1x40x128xi32, #tpu.memory_space<hbm>> -> memref<40x128xi32, #tpu.memory_space<hbm>>
          tpu.enqueue_dma source(%dma_start3A_51 : memref<40x128xi32, #tpu.memory_space<hbm>>) target(%arg9 : memref<40x128xi32, #tpu.memory_space<vmem>>) target_semaphore(%run_scoped3A : memref<!tpu.dma_semaphore, #tpu.memory_space<semaphore_mem>>)
          %dma_wait3A = arith.constant 0 : i32
          %dma_wait3A_52 = tpu.memref_slice %arg2[%arg1, %mul3A_25, %dma_wait3A] : memref<16x160x128xi32, #tpu.memory_space<hbm>> -> memref<1x40x128xi32, #tpu.memory_space<hbm>>
          %dma_wait3A_53 = tpu.memref_squeeze %dma_wait3A_52 : memref<1x40x128xi32, #tpu.memory_space<hbm>> -> memref<40x128xi32, #tpu.memory_space<hbm>>
          %dma_wait3A_54 = arith.constant 0 : i32
          %dma_wait3A_55 = tpu.memref_slice %arg2[%arg1, %mul3A_25, %dma_wait3A_54] : memref<16x160x128xi32, #tpu.memory_space<hbm>> -> memref<1x40x128xi32, #tpu.memory_space<hbm>>
          %dma_wait3A_56 = tpu.memref_squeeze %dma_wait3A_55 : memref<1x40x128xi32, #tpu.memory_space<hbm>> -> memref<40x128xi32, #tpu.memory_space<hbm>>
          tpu.wait_dma2 semaphore(%run_scoped3A : memref<!tpu.dma_semaphore, #tpu.memory_space<semaphore_mem>>) src(%dma_wait3A_56 : memref<40x128xi32, #tpu.memory_space<hbm>>) dst(%arg9 : memref<40x128xi32, #tpu.memory_space<vmem>>)
          tpu.yield
        }) : () -> ()
        %mul3A_26 = arith.constant 40 : i32
        %mul3A_27 = arith.muli %scan3A_23, %mul3A_26 : i32
        "tpu.region"() ({
          %run_scoped3A = tpu.sem_alloc : memref<!tpu.dma_semaphore, #tpu.memory_space<semaphore_mem>>
          %dma_start3A_46 = arith.constant 0 : i32
          %dma_start3A_47 = tpu.memref_slice %arg3[%arg1, %mul3A_27, %dma_start3A_46] : memref<16x160x128xi32, #tpu.memory_space<hbm>> -> memref<1x40x128xi32, #tpu.memory_space<hbm>>
          %dma_start3A_48 = tpu.memref_squeeze %dma_start3A_47 : memref<1x40x128xi32, #tpu.memory_space<hbm>> -> memref<40x128xi32, #tpu.memory_space<hbm>>
          %dma_start3A_49 = arith.constant 0 : i32
          %dma_start3A_50 = tpu.memref_slice %arg3[%arg1, %mul3A_27, %dma_start3A_49] : memref<16x160x128xi32, #tpu.memory_space<hbm>> -> memref<1x40x128xi32, #tpu.memory_space<hbm>>
          %dma_start3A_51 = tpu.memref_squeeze %dma_start3A_50 : memref<1x40x128xi32, #tpu.memory_space<hbm>> -> memref<40x128xi32, #tpu.memory_space<hbm>>
          tpu.enqueue_dma source(%dma_start3A_51 : memref<40x128xi32, #tpu.memory_space<hbm>>) target(%arg10 : memref<40x128xi32, #tpu.memory_space<vmem>>) target_semaphore(%run_scoped3A : memref<!tpu.dma_semaphore, #tpu.memory_space<semaphore_mem>>)
          %dma_wait3A = arith.constant 0 : i32
          %dma_wait3A_52 = tpu.memref_slice %arg3[%arg1, %mul3A_27, %dma_wait3A] : memref<16x160x128xi32, #tpu.memory_space<hbm>> -> memref<1x40x128xi32, #tpu.memory_space<hbm>>
          %dma_wait3A_53 = tpu.memref_squeeze %dma_wait3A_52 : memref<1x40x128xi32, #tpu.memory_space<hbm>> -> memref<40x128xi32, #tpu.memory_space<hbm>>
          %dma_wait3A_54 = arith.constant 0 : i32
          %dma_wait3A_55 = tpu.memref_slice %arg3[%arg1, %mul3A_27, %dma_wait3A_54] : memref<16x160x128xi32, #tpu.memory_space<hbm>> -> memref<1x40x128xi32, #tpu.memory_space<hbm>>
          %dma_wait3A_56 = tpu.memref_squeeze %dma_wait3A_55 : memref<1x40x128xi32, #tpu.memory_space<hbm>> -> memref<40x128xi32, #tpu.memory_space<hbm>>
          tpu.wait_dma2 semaphore(%run_scoped3A : memref<!tpu.dma_semaphore, #tpu.memory_space<semaphore_mem>>) src(%dma_wait3A_56 : memref<40x128xi32, #tpu.memory_space<hbm>>) dst(%arg10 : memref<40x128xi32, #tpu.memory_space<vmem>>)
          tpu.yield
        }) : () -> ()
        %dma_start3A = arith.constant 0 : i32
        %dma_start3A_28 = arith.constant 0 : i32
        %dma_start3A_29 = tpu.memref_slice %arg9[%dma_start3A, %dma_start3A_28] : memref<40x128xi32, #tpu.memory_space<vmem>> -> memref<1x128xi32, #tpu.memory_space<vmem>>
        %dma_start3A_30 = tpu.memref_squeeze %dma_start3A_29 : memref<1x128xi32, #tpu.memory_space<vmem>> -> memref<128xi32, #tpu.memory_space<vmem>>
        %dma_start3A_31 = arith.constant 0 : i32
        %dma_start3A_32 = arith.constant 0 : i32
        %dma_start3A_33 = tpu.memref_slice %arg4[%dma_start3A_31, %dma_start3A_32] : memref<10000x128xf32, #tpu.memory_space<hbm>> -> memref<10000x128xf32, #tpu.memory_space<hbm>>
        tpu.enqueue_indirect_dma source(%dma_start3A_33 : memref<10000x128xf32, #tpu.memory_space<hbm>>) target(%arg11 : memref<128x128xf32, #tpu.memory_space<vmem>>) offsets(%dma_start3A_30 : memref<128xi32, #tpu.memory_space<vmem>>) semaphore(%arg14 : memref<!tpu.dma_semaphore, #tpu.memory_space<semaphore_mem>>)
        %dma_start3A_34 = arith.constant 1 : i32
        %dma_start3A_35 = arith.constant 0 : i32
        %dma_start3A_36 = tpu.memref_slice %arg9[%dma_start3A_34, %dma_start3A_35] : memref<40x128xi32, #tpu.memory_space<vmem>> -> memref<1x128xi32, #tpu.memory_space<vmem>>
        %dma_start3A_37 = tpu.memref_squeeze %dma_start3A_36 : memref<1x128xi32, #tpu.memory_space<vmem>> -> memref<128xi32, #tpu.memory_space<vmem>>
        %dma_start3A_38 = arith.constant 0 : i32
        %dma_start3A_39 = arith.constant 0 : i32
        %dma_start3A_40 = tpu.memref_slice %arg4[%dma_start3A_38, %dma_start3A_39] : memref<10000x128xf32, #tpu.memory_space<hbm>> -> memref<10000x128xf32, #tpu.memory_space<hbm>>
        tpu.enqueue_indirect_dma source(%dma_start3A_40 : memref<10000x128xf32, #tpu.memory_space<hbm>>) target(%arg12 : memref<128x128xf32, #tpu.memory_space<vmem>>) offsets(%dma_start3A_37 : memref<128xi32, #tpu.memory_space<vmem>>) semaphore(%arg15 : memref<!tpu.dma_semaphore, #tpu.memory_space<semaphore_mem>>)
        %scan3A_41 = arith.constant 0 : i32
        %scan3A_42 = arith.constant 20 : i32
        %scan3A_43 = arith.addi %scan3A_41, %scan3A_42 : i32
        %scan3A_44 = arith.constant 1 : i32
        scf.for %scan3A_46 = %scan3A_41 to %scan3A_43 step %scan3A_44  : i32 {
          %mul3A_47 = arith.constant 2 : i32
          %mul3A_48 = arith.muli %mul3A_47, %scan3A_46 : i32
          %add3A = arith.constant 1 : i32
          %add3A_49 = arith.addi %mul3A_48, %add3A : i32
          %dma_wait3A = arith.constant 0 : i32
          %dma_wait3A_50 = tpu.memref_slice %arg9[%mul3A_48, %dma_wait3A] : memref<40x128xi32, #tpu.memory_space<vmem>> -> memref<1x128xi32, #tpu.memory_space<vmem>>
          %dma_wait3A_51 = tpu.memref_squeeze %dma_wait3A_50 : memref<1x128xi32, #tpu.memory_space<vmem>> -> memref<128xi32, #tpu.memory_space<vmem>>
          %dma_wait3A_52 = arith.constant 0 : i32
          %dma_wait3A_53 = arith.constant 0 : i32
          %dma_wait3A_54 = tpu.memref_slice %arg4[%dma_wait3A_52, %dma_wait3A_53] : memref<10000x128xf32, #tpu.memory_space<hbm>> -> memref<10000x128xf32, #tpu.memory_space<hbm>>
          tpu.wait_indirect_dma semaphore(%arg14 : memref<!tpu.dma_semaphore, #tpu.memory_space<semaphore_mem>>) src(%dma_wait3A_54 : memref<10000x128xf32, #tpu.memory_space<hbm>>) dst(%arg11 : memref<128x128xf32, #tpu.memory_space<vmem>>)
          "tpu.region"() ({
            %run_scoped3A = tpu.sem_alloc : memref<!tpu.dma_semaphore, #tpu.memory_space<semaphore_mem>>
            %dma_start3A_74 = arith.constant 0 : i32
            %dma_start3A_75 = tpu.memref_slice %arg10[%mul3A_48, %dma_start3A_74] : memref<40x128xi32, #tpu.memory_space<vmem>> -> memref<1x128xi32, #tpu.memory_space<vmem>>
            %dma_start3A_76 = tpu.memref_squeeze %dma_start3A_75 : memref<1x128xi32, #tpu.memory_space<vmem>> -> memref<128xi32, #tpu.memory_space<vmem>>
            %dma_start3A_77 = arith.constant 0 : i32
            %dma_start3A_78 = arith.constant 0 : i32
            %dma_start3A_79 = tpu.memref_slice %arg13[%dma_start3A_77, %dma_start3A_78] : memref<10112x128xf32, #tpu.memory_space<vmem_shared>> -> memref<10112x128xf32, #tpu.memory_space<vmem_shared>>
            tpu.enqueue_indirect_dma source(%arg11 : memref<128x128xf32, #tpu.memory_space<vmem>>) target(%dma_start3A_79 : memref<10112x128xf32, #tpu.memory_space<vmem_shared>>) offsets(%dma_start3A_76 : memref<128xi32, #tpu.memory_space<vmem>>) semaphore(%run_scoped3A : memref<!tpu.dma_semaphore, #tpu.memory_space<semaphore_mem>>) {add = true}
            %dma_wait3A_80 = arith.constant 0 : i32
            %dma_wait3A_81 = tpu.memref_slice %arg10[%mul3A_48, %dma_wait3A_80] : memref<40x128xi32, #tpu.memory_space<vmem>> -> memref<1x128xi32, #tpu.memory_space<vmem>>
            %dma_wait3A_82 = tpu.memref_squeeze %dma_wait3A_81 : memref<1x128xi32, #tpu.memory_space<vmem>> -> memref<128xi32, #tpu.memory_space<vmem>>
            %dma_wait3A_83 = arith.constant 0 : i32
            %dma_wait3A_84 = arith.constant 0 : i32
            %dma_wait3A_85 = tpu.memref_slice %arg13[%dma_wait3A_83, %dma_wait3A_84] : memref<10112x128xf32, #tpu.memory_space<vmem_shared>> -> memref<10112x128xf32, #tpu.memory_space<vmem_shared>>
            tpu.wait_indirect_dma semaphore(%run_scoped3A : memref<!tpu.dma_semaphore, #tpu.memory_space<semaphore_mem>>) src(%arg11 : memref<128x128xf32, #tpu.memory_space<vmem>>) dst(%dma_wait3A_85 : memref<10112x128xf32, #tpu.memory_space<vmem_shared>>)
            tpu.yield
          }) : () -> ()
          %add3A_55 = arith.constant 2 : i32
          %add3A_56 = arith.addi %mul3A_48, %add3A_55 : i32
          %lt3A = arith.constant 40 : i32
          %lt3A_57 = arith.cmpi slt, %add3A_56, %lt3A : i32
          %convert_element_type3A_58 = arith.extui %lt3A_57 : i1 to i32
          %cond3A_59 = arith.constant 0 : i32
          %cond3A_60 = arith.cmpi ne, %convert_element_type3A_58, %cond3A_59 : i32
          scf.if %cond3A_60 {
            %add3A_74 = arith.constant 2 : i32
            %add3A_75 = arith.addi %mul3A_48, %add3A_74 : i32
            %dma_start3A_76 = arith.constant 0 : i32
            %dma_start3A_77 = tpu.memref_slice %arg9[%add3A_75, %dma_start3A_76] : memref<40x128xi32, #tpu.memory_space<vmem>> -> memref<1x128xi32, #tpu.memory_space<vmem>>
            %dma_start3A_78 = tpu.memref_squeeze %dma_start3A_77 : memref<1x128xi32, #tpu.memory_space<vmem>> -> memref<128xi32, #tpu.memory_space<vmem>>
            %dma_start3A_79 = arith.constant 0 : i32
            %dma_start3A_80 = arith.constant 0 : i32
            %dma_start3A_81 = tpu.memref_slice %arg4[%dma_start3A_79, %dma_start3A_80] : memref<10000x128xf32, #tpu.memory_space<hbm>> -> memref<10000x128xf32, #tpu.memory_space<hbm>>
            tpu.enqueue_indirect_dma source(%dma_start3A_81 : memref<10000x128xf32, #tpu.memory_space<hbm>>) target(%arg11 : memref<128x128xf32, #tpu.memory_space<vmem>>) offsets(%dma_start3A_78 : memref<128xi32, #tpu.memory_space<vmem>>) semaphore(%arg14 : memref<!tpu.dma_semaphore, #tpu.memory_space<semaphore_mem>>)
          } else {
          }
          %dma_wait3A_61 = arith.constant 0 : i32
          %dma_wait3A_62 = tpu.memref_slice %arg9[%add3A_49, %dma_wait3A_61] : memref<40x128xi32, #tpu.memory_space<vmem>> -> memref<1x128xi32, #tpu.memory_space<vmem>>
          %dma_wait3A_63 = tpu.memref_squeeze %dma_wait3A_62 : memref<1x128xi32, #tpu.memory_space<vmem>> -> memref<128xi32, #tpu.memory_space<vmem>>
          %dma_wait3A_64 = arith.constant 0 : i32
          %dma_wait3A_65 = arith.constant 0 : i32
          %dma_wait3A_66 = tpu.memref_slice %arg4[%dma_wait3A_64, %dma_wait3A_65] : memref<10000x128xf32, #tpu.memory_space<hbm>> -> memref<10000x128xf32, #tpu.memory_space<hbm>>
          tpu.wait_indirect_dma semaphore(%arg15 : memref<!tpu.dma_semaphore, #tpu.memory_space<semaphore_mem>>) src(%dma_wait3A_66 : memref<10000x128xf32, #tpu.memory_space<hbm>>) dst(%arg12 : memref<128x128xf32, #tpu.memory_space<vmem>>)
          "tpu.region"() ({
            %run_scoped3A = tpu.sem_alloc : memref<!tpu.dma_semaphore, #tpu.memory_space<semaphore_mem>>
            %dma_start3A_74 = arith.constant 0 : i32
            %dma_start3A_75 = tpu.memref_slice %arg10[%add3A_49, %dma_start3A_74] : memref<40x128xi32, #tpu.memory_space<vmem>> -> memref<1x128xi32, #tpu.memory_space<vmem>>
            %dma_start3A_76 = tpu.memref_squeeze %dma_start3A_75 : memref<1x128xi32, #tpu.memory_space<vmem>> -> memref<128xi32, #tpu.memory_space<vmem>>
            %dma_start3A_77 = arith.constant 0 : i32
            %dma_start3A_78 = arith.constant 0 : i32
            %dma_start3A_79 = tpu.memref_slice %arg13[%dma_start3A_77, %dma_start3A_78] : memref<10112x128xf32, #tpu.memory_space<vmem_shared>> -> memref<10112x128xf32, #tpu.memory_space<vmem_shared>>
            tpu.enqueue_indirect_dma source(%arg12 : memref<128x128xf32, #tpu.memory_space<vmem>>) target(%dma_start3A_79 : memref<10112x128xf32, #tpu.memory_space<vmem_shared>>) offsets(%dma_start3A_76 : memref<128xi32, #tpu.memory_space<vmem>>) semaphore(%run_scoped3A : memref<!tpu.dma_semaphore, #tpu.memory_space<semaphore_mem>>) {add = true}
            %dma_wait3A_80 = arith.constant 0 : i32
            %dma_wait3A_81 = tpu.memref_slice %arg10[%add3A_49, %dma_wait3A_80] : memref<40x128xi32, #tpu.memory_space<vmem>> -> memref<1x128xi32, #tpu.memory_space<vmem>>
            %dma_wait3A_82 = tpu.memref_squeeze %dma_wait3A_81 : memref<1x128xi32, #tpu.memory_space<vmem>> -> memref<128xi32, #tpu.memory_space<vmem>>
            %dma_wait3A_83 = arith.constant 0 : i32
            %dma_wait3A_84 = arith.constant 0 : i32
            %dma_wait3A_85 = tpu.memref_slice %arg13[%dma_wait3A_83, %dma_wait3A_84] : memref<10112x128xf32, #tpu.memory_space<vmem_shared>> -> memref<10112x128xf32, #tpu.memory_space<vmem_shared>>
            tpu.wait_indirect_dma semaphore(%run_scoped3A : memref<!tpu.dma_semaphore, #tpu.memory_space<semaphore_mem>>) src(%arg12 : memref<128x128xf32, #tpu.memory_space<vmem>>) dst(%dma_wait3A_85 : memref<10112x128xf32, #tpu.memory_space<vmem_shared>>)
            tpu.yield
          }) : () -> ()
          %add3A_67 = arith.constant 2 : i32
          %add3A_68 = arith.addi %add3A_49, %add3A_67 : i32
          %lt3A_69 = arith.constant 40 : i32
          %lt3A_70 = arith.cmpi slt, %add3A_68, %lt3A_69 : i32
          %convert_element_type3A_71 = arith.extui %lt3A_70 : i1 to i32
          %cond3A_72 = arith.constant 0 : i32
          %cond3A_73 = arith.cmpi ne, %convert_element_type3A_71, %cond3A_72 : i32
          scf.if %cond3A_73 {
            %add3A_74 = arith.constant 2 : i32
            %add3A_75 = arith.addi %add3A_49, %add3A_74 : i32
            %dma_start3A_76 = arith.constant 0 : i32
            %dma_start3A_77 = tpu.memref_slice %arg9[%add3A_75, %dma_start3A_76] : memref<40x128xi32, #tpu.memory_space<vmem>> -> memref<1x128xi32, #tpu.memory_space<vmem>>
            %dma_start3A_78 = tpu.memref_squeeze %dma_start3A_77 : memref<1x128xi32, #tpu.memory_space<vmem>> -> memref<128xi32, #tpu.memory_space<vmem>>
            %dma_start3A_79 = arith.constant 0 : i32
            %dma_start3A_80 = arith.constant 0 : i32
            %dma_start3A_81 = tpu.memref_slice %arg4[%dma_start3A_79, %dma_start3A_80] : memref<10000x128xf32, #tpu.memory_space<hbm>> -> memref<10000x128xf32, #tpu.memory_space<hbm>>
            tpu.enqueue_indirect_dma source(%dma_start3A_81 : memref<10000x128xf32, #tpu.memory_space<hbm>>) target(%arg12 : memref<128x128xf32, #tpu.memory_space<vmem>>) offsets(%dma_start3A_78 : memref<128xi32, #tpu.memory_space<vmem>>) semaphore(%arg15 : memref<!tpu.dma_semaphore, #tpu.memory_space<semaphore_mem>>)
          } else {
          }
        }
        %scan3A_45 = arith.constant 20 : i32
      }
      %scan3A_12 = arith.constant 4 : i32
      %barrier3A_13 = arith.constant 0 : index
      tpu.barrier barrier_id(%barrier3A_13)
      %mul3A_14 = arith.constant 624 : i32
      %mul3A_15 = arith.muli %arg1, %mul3A_14 : i32
      %mul3A_16 = arith.constant 624 : i32
      %mul3A_17 = arith.muli %arg1, %mul3A_16 : i32
      "tpu.region"() ({
        %run_scoped3A = tpu.sem_alloc : memref<!tpu.dma_semaphore, #tpu.memory_space<semaphore_mem>>
        %dma_start3A = arith.constant 0 : i32
        %dma_start3A_23 = tpu.memref_slice %arg7[%mul3A_17, %dma_start3A] : memref<10000x128xf32, #tpu.memory_space<hbm>> -> memref<624x128xf32, #tpu.memory_space<hbm>>
        %dma_start3A_24 = arith.constant 0 : i32
        %dma_start3A_25 = tpu.memref_slice %arg13[%mul3A_15, %dma_start3A_24] : memref<10112x128xf32, #tpu.memory_space<vmem_shared>> -> memref<624x128xf32, #tpu.memory_space<vmem_shared>>
        tpu.enqueue_dma source(%dma_start3A_25 : memref<624x128xf32, #tpu.memory_space<vmem_shared>>) target(%dma_start3A_23 : memref<624x128xf32, #tpu.memory_space<hbm>>) target_semaphore(%run_scoped3A : memref<!tpu.dma_semaphore, #tpu.memory_space<semaphore_mem>>)
        %dma_wait3A = arith.constant 0 : i32
        %dma_wait3A_26 = tpu.memref_slice %arg7[%mul3A_17, %dma_wait3A] : memref<10000x128xf32, #tpu.memory_space<hbm>> -> memref<624x128xf32, #tpu.memory_space<hbm>>
        %dma_wait3A_27 = arith.constant 0 : i32
        %dma_wait3A_28 = tpu.memref_slice %arg13[%mul3A_15, %dma_wait3A_27] : memref<10112x128xf32, #tpu.memory_space<vmem_shared>> -> memref<624x128xf32, #tpu.memory_space<vmem_shared>>
        tpu.wait_dma2 semaphore(%run_scoped3A : memref<!tpu.dma_semaphore, #tpu.memory_space<semaphore_mem>>) src(%dma_wait3A_28 : memref<624x128xf32, #tpu.memory_space<vmem_shared>>) dst(%dma_wait3A_26 : memref<624x128xf32, #tpu.memory_space<hbm>>)
        tpu.yield
      }) : () -> ()
      %eq3A_18 = arith.constant 15 : i32
      %eq3A_19 = arith.cmpi eq, %arg1, %eq3A_18 : i32
      %convert_element_type3A_20 = arith.extui %eq3A_19 : i1 to i32
      %cond3A_21 = arith.constant 0 : i32
      %cond3A_22 = arith.cmpi ne, %convert_element_type3A_20, %cond3A_21 : i32
      scf.if %cond3A_22 {
        "tpu.region"() ({
          %run_scoped3A = tpu.sem_alloc : memref<!tpu.dma_semaphore, #tpu.memory_space<semaphore_mem>>
          %dma_start3A = arith.constant 9984 : i32
          %dma_start3A_23 = arith.constant 0 : i32
          %dma_start3A_24 = tpu.memref_slice %arg7[%dma_start3A, %dma_start3A_23] : memref<10000x128xf32, #tpu.memory_space<hbm>> -> memref<16x128xf32, #tpu.memory_space<hbm>>
          %dma_start3A_25 = arith.constant 9984 : i32
          %dma_start3A_26 = arith.constant 0 : i32
          %dma_start3A_27 = tpu.memref_slice %arg13[%dma_start3A_25, %dma_start3A_26] : memref<10112x128xf32, #tpu.memory_space<vmem_shared>> -> memref<16x128xf32, #tpu.memory_space<vmem_shared>>
          tpu.enqueue_dma source(%dma_start3A_27 : memref<16x128xf32, #tpu.memory_space<vmem_shared>>) target(%dma_start3A_24 : memref<16x128xf32, #tpu.memory_space<hbm>>) target_semaphore(%run_scoped3A : memref<!tpu.dma_semaphore, #tpu.memory_space<semaphore_mem>>)
          %dma_wait3A = arith.constant 9984 : i32
          %dma_wait3A_28 = arith.constant 0 : i32
          %dma_wait3A_29 = tpu.memref_slice %arg7[%dma_wait3A, %dma_wait3A_28] : memref<10000x128xf32, #tpu.memory_space<hbm>> -> memref<16x128xf32, #tpu.memory_space<hbm>>
          %dma_wait3A_30 = arith.constant 9984 : i32
          %dma_wait3A_31 = arith.constant 0 : i32
          %dma_wait3A_32 = tpu.memref_slice %arg13[%dma_wait3A_30, %dma_wait3A_31] : memref<10112x128xf32, #tpu.memory_space<vmem_shared>> -> memref<16x128xf32, #tpu.memory_space<vmem_shared>>
          tpu.wait_dma2 semaphore(%run_scoped3A : memref<!tpu.dma_semaphore, #tpu.memory_space<semaphore_mem>>) src(%dma_wait3A_32 : memref<16x128xf32, #tpu.memory_space<vmem_shared>>) dst(%dma_wait3A_29 : memref<16x128xf32, #tpu.memory_space<hbm>>)
          tpu.yield
        }) : () -> ()
      } else {
      }
    } else {
    }
    %eq3A_3 = arith.constant 1 : i32
    %eq3A_4 = arith.cmpi eq, %arg0, %eq3A_3 : i32
    %convert_element_type3A_5 = arith.extui %eq3A_4 : i1 to i32
    %cond3A_6 = arith.constant 0 : i32
    %cond3A_7 = arith.cmpi ne, %convert_element_type3A_5, %cond3A_6 : i32
    scf.if %cond3A_7 {
      %scan3A = arith.constant 0 : i32
      %scan3A_8 = arith.constant 0 : i32
      %scan3A_9 = arith.constant 4 : i32
      %scan3A_10 = arith.addi %scan3A_8, %scan3A_9 : i32
      %scan3A_11 = arith.constant 1 : i32
      scf.for %scan3A_23 = %scan3A_8 to %scan3A_10 step %scan3A_11  : i32 {
        %mul3A_24 = arith.constant 40 : i32
        %mul3A_25 = arith.muli %scan3A_23, %mul3A_24 : i32
        "tpu.region"() ({
          %run_scoped3A = tpu.sem_alloc : memref<!tpu.dma_semaphore, #tpu.memory_space<semaphore_mem>>
          %dma_start3A_46 = arith.constant 0 : i32
          %dma_start3A_47 = tpu.memref_slice %arg2[%arg1, %mul3A_25, %dma_start3A_46] : memref<16x160x128xi32, #tpu.memory_space<hbm>> -> memref<1x40x128xi32, #tpu.memory_space<hbm>>
          %dma_start3A_48 = tpu.memref_squeeze %dma_start3A_47 : memref<1x40x128xi32, #tpu.memory_space<hbm>> -> memref<40x128xi32, #tpu.memory_space<hbm>>
          %dma_start3A_49 = arith.constant 0 : i32
          %dma_start3A_50 = tpu.memref_slice %arg2[%arg1, %mul3A_25, %dma_start3A_49] : memref<16x160x128xi32, #tpu.memory_space<hbm>> -> memref<1x40x128xi32, #tpu.memory_space<hbm>>
          %dma_start3A_51 = tpu.memref_squeeze %dma_start3A_50 : memref<1x40x128xi32, #tpu.memory_space<hbm>> -> memref<40x128xi32, #tpu.memory_space<hbm>>
          tpu.enqueue_dma source(%dma_start3A_51 : memref<40x128xi32, #tpu.memory_space<hbm>>) target(%arg9 : memref<40x128xi32, #tpu.memory_space<vmem>>) target_semaphore(%run_scoped3A : memref<!tpu.dma_semaphore, #tpu.memory_space<semaphore_mem>>)
          %dma_wait3A = arith.constant 0 : i32
          %dma_wait3A_52 = tpu.memref_slice %arg2[%arg1, %mul3A_25, %dma_wait3A] : memref<16x160x128xi32, #tpu.memory_space<hbm>> -> memref<1x40x128xi32, #tpu.memory_space<hbm>>
          %dma_wait3A_53 = tpu.memref_squeeze %dma_wait3A_52 : memref<1x40x128xi32, #tpu.memory_space<hbm>> -> memref<40x128xi32, #tpu.memory_space<hbm>>
          %dma_wait3A_54 = arith.constant 0 : i32
          %dma_wait3A_55 = tpu.memref_slice %arg2[%arg1, %mul3A_25, %dma_wait3A_54] : memref<16x160x128xi32, #tpu.memory_space<hbm>> -> memref<1x40x128xi32, #tpu.memory_space<hbm>>
          %dma_wait3A_56 = tpu.memref_squeeze %dma_wait3A_55 : memref<1x40x128xi32, #tpu.memory_space<hbm>> -> memref<40x128xi32, #tpu.memory_space<hbm>>
          tpu.wait_dma2 semaphore(%run_scoped3A : memref<!tpu.dma_semaphore, #tpu.memory_space<semaphore_mem>>) src(%dma_wait3A_56 : memref<40x128xi32, #tpu.memory_space<hbm>>) dst(%arg9 : memref<40x128xi32, #tpu.memory_space<vmem>>)
          tpu.yield
        }) : () -> ()
        %mul3A_26 = arith.constant 40 : i32
        %mul3A_27 = arith.muli %scan3A_23, %mul3A_26 : i32
        "tpu.region"() ({
          %run_scoped3A = tpu.sem_alloc : memref<!tpu.dma_semaphore, #tpu.memory_space<semaphore_mem>>
          %dma_start3A_46 = arith.constant 0 : i32
          %dma_start3A_47 = tpu.memref_slice %arg3[%arg1, %mul3A_27, %dma_start3A_46] : memref<16x160x128xi32, #tpu.memory_space<hbm>> -> memref<1x40x128xi32, #tpu.memory_space<hbm>>
          %dma_start3A_48 = tpu.memref_squeeze %dma_start3A_47 : memref<1x40x128xi32, #tpu.memory_space<hbm>> -> memref<40x128xi32, #tpu.memory_space<hbm>>
          %dma_start3A_49 = arith.constant 0 : i32
          %dma_start3A_50 = tpu.memref_slice %arg3[%arg1, %mul3A_27, %dma_start3A_49] : memref<16x160x128xi32, #tpu.memory_space<hbm>> -> memref<1x40x128xi32, #tpu.memory_space<hbm>>
          %dma_start3A_51 = tpu.memref_squeeze %dma_start3A_50 : memref<1x40x128xi32, #tpu.memory_space<hbm>> -> memref<40x128xi32, #tpu.memory_space<hbm>>
          tpu.enqueue_dma source(%dma_start3A_51 : memref<40x128xi32, #tpu.memory_space<hbm>>) target(%arg10 : memref<40x128xi32, #tpu.memory_space<vmem>>) target_semaphore(%run_scoped3A : memref<!tpu.dma_semaphore, #tpu.memory_space<semaphore_mem>>)
          %dma_wait3A = arith.constant 0 : i32
          %dma_wait3A_52 = tpu.memref_slice %arg3[%arg1, %mul3A_27, %dma_wait3A] : memref<16x160x128xi32, #tpu.memory_space<hbm>> -> memref<1x40x128xi32, #tpu.memory_space<hbm>>
          %dma_wait3A_53 = tpu.memref_squeeze %dma_wait3A_52 : memref<1x40x128xi32, #tpu.memory_space<hbm>> -> memref<40x128xi32, #tpu.memory_space<hbm>>
          %dma_wait3A_54 = arith.constant 0 : i32
          %dma_wait3A_55 = tpu.memref_slice %arg3[%arg1, %mul3A_27, %dma_wait3A_54] : memref<16x160x128xi32, #tpu.memory_space<hbm>> -> memref<1x40x128xi32, #tpu.memory_space<hbm>>
          %dma_wait3A_56 = tpu.memref_squeeze %dma_wait3A_55 : memref<1x40x128xi32, #tpu.memory_space<hbm>> -> memref<40x128xi32, #tpu.memory_space<hbm>>
          tpu.wait_dma2 semaphore(%run_scoped3A : memref<!tpu.dma_semaphore, #tpu.memory_space<semaphore_mem>>) src(%dma_wait3A_56 : memref<40x128xi32, #tpu.memory_space<hbm>>) dst(%arg10 : memref<40x128xi32, #tpu.memory_space<vmem>>)
          tpu.yield
        }) : () -> ()
        %dma_start3A = arith.constant 0 : i32
        %dma_start3A_28 = arith.constant 0 : i32
        %dma_start3A_29 = tpu.memref_slice %arg9[%dma_start3A, %dma_start3A_28] : memref<40x128xi32, #tpu.memory_space<vmem>> -> memref<1x128xi32, #tpu.memory_space<vmem>>
        %dma_start3A_30 = tpu.memref_squeeze %dma_start3A_29 : memref<1x128xi32, #tpu.memory_space<vmem>> -> memref<128xi32, #tpu.memory_space<vmem>>
        %dma_start3A_31 = arith.constant 0 : i32
        %dma_start3A_32 = arith.constant 0 : i32
        %dma_start3A_33 = tpu.memref_slice %arg5[%dma_start3A_31, %dma_start3A_32] : memref<10000x128xf32, #tpu.memory_space<hbm>> -> memref<10000x128xf32, #tpu.memory_space<hbm>>
        tpu.enqueue_indirect_dma source(%dma_start3A_33 : memref<10000x128xf32, #tpu.memory_space<hbm>>) target(%arg11 : memref<128x128xf32, #tpu.memory_space<vmem>>) offsets(%dma_start3A_30 : memref<128xi32, #tpu.memory_space<vmem>>) semaphore(%arg14 : memref<!tpu.dma_semaphore, #tpu.memory_space<semaphore_mem>>)
        %dma_start3A_34 = arith.constant 1 : i32
        %dma_start3A_35 = arith.constant 0 : i32
        %dma_start3A_36 = tpu.memref_slice %arg9[%dma_start3A_34, %dma_start3A_35] : memref<40x128xi32, #tpu.memory_space<vmem>> -> memref<1x128xi32, #tpu.memory_space<vmem>>
        %dma_start3A_37 = tpu.memref_squeeze %dma_start3A_36 : memref<1x128xi32, #tpu.memory_space<vmem>> -> memref<128xi32, #tpu.memory_space<vmem>>
        %dma_start3A_38 = arith.constant 0 : i32
        %dma_start3A_39 = arith.constant 0 : i32
        %dma_start3A_40 = tpu.memref_slice %arg5[%dma_start3A_38, %dma_start3A_39] : memref<10000x128xf32, #tpu.memory_space<hbm>> -> memref<10000x128xf32, #tpu.memory_space<hbm>>
        tpu.enqueue_indirect_dma source(%dma_start3A_40 : memref<10000x128xf32, #tpu.memory_space<hbm>>) target(%arg12 : memref<128x128xf32, #tpu.memory_space<vmem>>) offsets(%dma_start3A_37 : memref<128xi32, #tpu.memory_space<vmem>>) semaphore(%arg15 : memref<!tpu.dma_semaphore, #tpu.memory_space<semaphore_mem>>)
        %scan3A_41 = arith.constant 0 : i32
        %scan3A_42 = arith.constant 20 : i32
        %scan3A_43 = arith.addi %scan3A_41, %scan3A_42 : i32
        %scan3A_44 = arith.constant 1 : i32
        scf.for %scan3A_46 = %scan3A_41 to %scan3A_43 step %scan3A_44  : i32 {
          %mul3A_47 = arith.constant 2 : i32
          %mul3A_48 = arith.muli %mul3A_47, %scan3A_46 : i32
          %add3A = arith.constant 1 : i32
          %add3A_49 = arith.addi %mul3A_48, %add3A : i32
          %dma_wait3A = arith.constant 0 : i32
          %dma_wait3A_50 = tpu.memref_slice %arg9[%mul3A_48, %dma_wait3A] : memref<40x128xi32, #tpu.memory_space<vmem>> -> memref<1x128xi32, #tpu.memory_space<vmem>>
          %dma_wait3A_51 = tpu.memref_squeeze %dma_wait3A_50 : memref<1x128xi32, #tpu.memory_space<vmem>> -> memref<128xi32, #tpu.memory_space<vmem>>
          %dma_wait3A_52 = arith.constant 0 : i32
          %dma_wait3A_53 = arith.constant 0 : i32
          %dma_wait3A_54 = tpu.memref_slice %arg5[%dma_wait3A_52, %dma_wait3A_53] : memref<10000x128xf32, #tpu.memory_space<hbm>> -> memref<10000x128xf32, #tpu.memory_space<hbm>>
          tpu.wait_indirect_dma semaphore(%arg14 : memref<!tpu.dma_semaphore, #tpu.memory_space<semaphore_mem>>) src(%dma_wait3A_54 : memref<10000x128xf32, #tpu.memory_space<hbm>>) dst(%arg11 : memref<128x128xf32, #tpu.memory_space<vmem>>)
          "tpu.region"() ({
            %run_scoped3A = tpu.sem_alloc : memref<!tpu.dma_semaphore, #tpu.memory_space<semaphore_mem>>
            %dma_start3A_74 = arith.constant 0 : i32
            %dma_start3A_75 = tpu.memref_slice %arg10[%mul3A_48, %dma_start3A_74] : memref<40x128xi32, #tpu.memory_space<vmem>> -> memref<1x128xi32, #tpu.memory_space<vmem>>
            %dma_start3A_76 = tpu.memref_squeeze %dma_start3A_75 : memref<1x128xi32, #tpu.memory_space<vmem>> -> memref<128xi32, #tpu.memory_space<vmem>>
            %dma_start3A_77 = arith.constant 0 : i32
            %dma_start3A_78 = arith.constant 0 : i32
            %dma_start3A_79 = tpu.memref_slice %arg13[%dma_start3A_77, %dma_start3A_78] : memref<10112x128xf32, #tpu.memory_space<vmem_shared>> -> memref<10112x128xf32, #tpu.memory_space<vmem_shared>>
            tpu.enqueue_indirect_dma source(%arg11 : memref<128x128xf32, #tpu.memory_space<vmem>>) target(%dma_start3A_79 : memref<10112x128xf32, #tpu.memory_space<vmem_shared>>) offsets(%dma_start3A_76 : memref<128xi32, #tpu.memory_space<vmem>>) semaphore(%run_scoped3A : memref<!tpu.dma_semaphore, #tpu.memory_space<semaphore_mem>>) {add = true}
            %dma_wait3A_80 = arith.constant 0 : i32
            %dma_wait3A_81 = tpu.memref_slice %arg10[%mul3A_48, %dma_wait3A_80] : memref<40x128xi32, #tpu.memory_space<vmem>> -> memref<1x128xi32, #tpu.memory_space<vmem>>
            %dma_wait3A_82 = tpu.memref_squeeze %dma_wait3A_81 : memref<1x128xi32, #tpu.memory_space<vmem>> -> memref<128xi32, #tpu.memory_space<vmem>>
            %dma_wait3A_83 = arith.constant 0 : i32
            %dma_wait3A_84 = arith.constant 0 : i32
            %dma_wait3A_85 = tpu.memref_slice %arg13[%dma_wait3A_83, %dma_wait3A_84] : memref<10112x128xf32, #tpu.memory_space<vmem_shared>> -> memref<10112x128xf32, #tpu.memory_space<vmem_shared>>
            tpu.wait_indirect_dma semaphore(%run_scoped3A : memref<!tpu.dma_semaphore, #tpu.memory_space<semaphore_mem>>) src(%arg11 : memref<128x128xf32, #tpu.memory_space<vmem>>) dst(%dma_wait3A_85 : memref<10112x128xf32, #tpu.memory_space<vmem_shared>>)
            tpu.yield
          }) : () -> ()
          %add3A_55 = arith.constant 2 : i32
          %add3A_56 = arith.addi %mul3A_48, %add3A_55 : i32
          %lt3A = arith.constant 40 : i32
          %lt3A_57 = arith.cmpi slt, %add3A_56, %lt3A : i32
          %convert_element_type3A_58 = arith.extui %lt3A_57 : i1 to i32
          %cond3A_59 = arith.constant 0 : i32
          %cond3A_60 = arith.cmpi ne, %convert_element_type3A_58, %cond3A_59 : i32
          scf.if %cond3A_60 {
            %add3A_74 = arith.constant 2 : i32
            %add3A_75 = arith.addi %mul3A_48, %add3A_74 : i32
            %dma_start3A_76 = arith.constant 0 : i32
            %dma_start3A_77 = tpu.memref_slice %arg9[%add3A_75, %dma_start3A_76] : memref<40x128xi32, #tpu.memory_space<vmem>> -> memref<1x128xi32, #tpu.memory_space<vmem>>
            %dma_start3A_78 = tpu.memref_squeeze %dma_start3A_77 : memref<1x128xi32, #tpu.memory_space<vmem>> -> memref<128xi32, #tpu.memory_space<vmem>>
            %dma_start3A_79 = arith.constant 0 : i32
            %dma_start3A_80 = arith.constant 0 : i32
            %dma_start3A_81 = tpu.memref_slice %arg5[%dma_start3A_79, %dma_start3A_80] : memref<10000x128xf32, #tpu.memory_space<hbm>> -> memref<10000x128xf32, #tpu.memory_space<hbm>>
            tpu.enqueue_indirect_dma source(%dma_start3A_81 : memref<10000x128xf32, #tpu.memory_space<hbm>>) target(%arg11 : memref<128x128xf32, #tpu.memory_space<vmem>>) offsets(%dma_start3A_78 : memref<128xi32, #tpu.memory_space<vmem>>) semaphore(%arg14 : memref<!tpu.dma_semaphore, #tpu.memory_space<semaphore_mem>>)
          } else {
          }
          %dma_wait3A_61 = arith.constant 0 : i32
          %dma_wait3A_62 = tpu.memref_slice %arg9[%add3A_49, %dma_wait3A_61] : memref<40x128xi32, #tpu.memory_space<vmem>> -> memref<1x128xi32, #tpu.memory_space<vmem>>
          %dma_wait3A_63 = tpu.memref_squeeze %dma_wait3A_62 : memref<1x128xi32, #tpu.memory_space<vmem>> -> memref<128xi32, #tpu.memory_space<vmem>>
          %dma_wait3A_64 = arith.constant 0 : i32
          %dma_wait3A_65 = arith.constant 0 : i32
          %dma_wait3A_66 = tpu.memref_slice %arg5[%dma_wait3A_64, %dma_wait3A_65] : memref<10000x128xf32, #tpu.memory_space<hbm>> -> memref<10000x128xf32, #tpu.memory_space<hbm>>
          tpu.wait_indirect_dma semaphore(%arg15 : memref<!tpu.dma_semaphore, #tpu.memory_space<semaphore_mem>>) src(%dma_wait3A_66 : memref<10000x128xf32, #tpu.memory_space<hbm>>) dst(%arg12 : memref<128x128xf32, #tpu.memory_space<vmem>>)
          "tpu.region"() ({
            %run_scoped3A = tpu.sem_alloc : memref<!tpu.dma_semaphore, #tpu.memory_space<semaphore_mem>>
            %dma_start3A_74 = arith.constant 0 : i32
            %dma_start3A_75 = tpu.memref_slice %arg10[%add3A_49, %dma_start3A_74] : memref<40x128xi32, #tpu.memory_space<vmem>> -> memref<1x128xi32, #tpu.memory_space<vmem>>
            %dma_start3A_76 = tpu.memref_squeeze %dma_start3A_75 : memref<1x128xi32, #tpu.memory_space<vmem>> -> memref<128xi32, #tpu.memory_space<vmem>>
            %dma_start3A_77 = arith.constant 0 : i32
            %dma_start3A_78 = arith.constant 0 : i32
            %dma_start3A_79 = tpu.memref_slice %arg13[%dma_start3A_77, %dma_start3A_78] : memref<10112x128xf32, #tpu.memory_space<vmem_shared>> -> memref<10112x128xf32, #tpu.memory_space<vmem_shared>>
            tpu.enqueue_indirect_dma source(%arg12 : memref<128x128xf32, #tpu.memory_space<vmem>>) target(%dma_start3A_79 : memref<10112x128xf32, #tpu.memory_space<vmem_shared>>) offsets(%dma_start3A_76 : memref<128xi32, #tpu.memory_space<vmem>>) semaphore(%run_scoped3A : memref<!tpu.dma_semaphore, #tpu.memory_space<semaphore_mem>>) {add = true}
            %dma_wait3A_80 = arith.constant 0 : i32
            %dma_wait3A_81 = tpu.memref_slice %arg10[%add3A_49, %dma_wait3A_80] : memref<40x128xi32, #tpu.memory_space<vmem>> -> memref<1x128xi32, #tpu.memory_space<vmem>>
            %dma_wait3A_82 = tpu.memref_squeeze %dma_wait3A_81 : memref<1x128xi32, #tpu.memory_space<vmem>> -> memref<128xi32, #tpu.memory_space<vmem>>
            %dma_wait3A_83 = arith.constant 0 : i32
            %dma_wait3A_84 = arith.constant 0 : i32
            %dma_wait3A_85 = tpu.memref_slice %arg13[%dma_wait3A_83, %dma_wait3A_84] : memref<10112x128xf32, #tpu.memory_space<vmem_shared>> -> memref<10112x128xf32, #tpu.memory_space<vmem_shared>>
            tpu.wait_indirect_dma semaphore(%run_scoped3A : memref<!tpu.dma_semaphore, #tpu.memory_space<semaphore_mem>>) src(%arg12 : memref<128x128xf32, #tpu.memory_space<vmem>>) dst(%dma_wait3A_85 : memref<10112x128xf32, #tpu.memory_space<vmem_shared>>)
            tpu.yield
          }) : () -> ()
          %add3A_67 = arith.constant 2 : i32
          %add3A_68 = arith.addi %add3A_49, %add3A_67 : i32
          %lt3A_69 = arith.constant 40 : i32
          %lt3A_70 = arith.cmpi slt, %add3A_68, %lt3A_69 : i32
          %convert_element_type3A_71 = arith.extui %lt3A_70 : i1 to i32
          %cond3A_72 = arith.constant 0 : i32
          %cond3A_73 = arith.cmpi ne, %convert_element_type3A_71, %cond3A_72 : i32
          scf.if %cond3A_73 {
            %add3A_74 = arith.constant 2 : i32
            %add3A_75 = arith.addi %add3A_49, %add3A_74 : i32
            %dma_start3A_76 = arith.constant 0 : i32
            %dma_start3A_77 = tpu.memref_slice %arg9[%add3A_75, %dma_start3A_76] : memref<40x128xi32, #tpu.memory_space<vmem>> -> memref<1x128xi32, #tpu.memory_space<vmem>>
            %dma_start3A_78 = tpu.memref_squeeze %dma_start3A_77 : memref<1x128xi32, #tpu.memory_space<vmem>> -> memref<128xi32, #tpu.memory_space<vmem>>
            %dma_start3A_79 = arith.constant 0 : i32
            %dma_start3A_80 = arith.constant 0 : i32
            %dma_start3A_81 = tpu.memref_slice %arg5[%dma_start3A_79, %dma_start3A_80] : memref<10000x128xf32, #tpu.memory_space<hbm>> -> memref<10000x128xf32, #tpu.memory_space<hbm>>
            tpu.enqueue_indirect_dma source(%dma_start3A_81 : memref<10000x128xf32, #tpu.memory_space<hbm>>) target(%arg12 : memref<128x128xf32, #tpu.memory_space<vmem>>) offsets(%dma_start3A_78 : memref<128xi32, #tpu.memory_space<vmem>>) semaphore(%arg15 : memref<!tpu.dma_semaphore, #tpu.memory_space<semaphore_mem>>)
          } else {
          }
        }
        %scan3A_45 = arith.constant 20 : i32
      }
      %scan3A_12 = arith.constant 4 : i32
      %barrier3A_13 = arith.constant 0 : index
      tpu.barrier barrier_id(%barrier3A_13)
      %mul3A_14 = arith.constant 624 : i32
      %mul3A_15 = arith.muli %arg1, %mul3A_14 : i32
      %mul3A_16 = arith.constant 624 : i32
      %mul3A_17 = arith.muli %arg1, %mul3A_16 : i32
      "tpu.region"() ({
        %run_scoped3A = tpu.sem_alloc : memref<!tpu.dma_semaphore, #tpu.memory_space<semaphore_mem>>
        %dma_start3A = arith.constant 0 : i32
        %dma_start3A_23 = tpu.memref_slice %arg8[%mul3A_17, %dma_start3A] : memref<10000x128xf32, #tpu.memory_space<hbm>> -> memref<624x128xf32, #tpu.memory_space<hbm>>
        %dma_start3A_24 = arith.constant 0 : i32
        %dma_start3A_25 = tpu.memref_slice %arg13[%mul3A_15, %dma_start3A_24] : memref<10112x128xf32, #tpu.memory_space<vmem_shared>> -> memref<624x128xf32, #tpu.memory_space<vmem_shared>>
        tpu.enqueue_dma source(%dma_start3A_25 : memref<624x128xf32, #tpu.memory_space<vmem_shared>>) target(%dma_start3A_23 : memref<624x128xf32, #tpu.memory_space<hbm>>) target_semaphore(%run_scoped3A : memref<!tpu.dma_semaphore, #tpu.memory_space<semaphore_mem>>)
        %dma_wait3A = arith.constant 0 : i32
        %dma_wait3A_26 = tpu.memref_slice %arg8[%mul3A_17, %dma_wait3A] : memref<10000x128xf32, #tpu.memory_space<hbm>> -> memref<624x128xf32, #tpu.memory_space<hbm>>
        %dma_wait3A_27 = arith.constant 0 : i32
        %dma_wait3A_28 = tpu.memref_slice %arg13[%mul3A_15, %dma_wait3A_27] : memref<10112x128xf32, #tpu.memory_space<vmem_shared>> -> memref<624x128xf32, #tpu.memory_space<vmem_shared>>
        tpu.wait_dma2 semaphore(%run_scoped3A : memref<!tpu.dma_semaphore, #tpu.memory_space<semaphore_mem>>) src(%dma_wait3A_28 : memref<624x128xf32, #tpu.memory_space<vmem_shared>>) dst(%dma_wait3A_26 : memref<624x128xf32, #tpu.memory_space<hbm>>)
        tpu.yield
      }) : () -> ()
      %eq3A_18 = arith.constant 15 : i32
      %eq3A_19 = arith.cmpi eq, %arg1, %eq3A_18 : i32
      %convert_element_type3A_20 = arith.extui %eq3A_19 : i1 to i32
      %cond3A_21 = arith.constant 0 : i32
      %cond3A_22 = arith.cmpi ne, %convert_element_type3A_20, %cond3A_21 : i32
      scf.if %cond3A_22 {
        "tpu.region"() ({
          %run_scoped3A = tpu.sem_alloc : memref<!tpu.dma_semaphore, #tpu.memory_space<semaphore_mem>>
          %dma_start3A = arith.constant 9984 : i32
          %dma_start3A_23 = arith.constant 0 : i32
          %dma_start3A_24 = tpu.memref_slice %arg8[%dma_start3A, %dma_start3A_23] : memref<10000x128xf32, #tpu.memory_space<hbm>> -> memref<16x128xf32, #tpu.memory_space<hbm>>
          %dma_start3A_25 = arith.constant 9984 : i32
          %dma_start3A_26 = arith.constant 0 : i32
          %dma_start3A_27 = tpu.memref_slice %arg13[%dma_start3A_25, %dma_start3A_26] : memref<10112x128xf32, #tpu.memory_space<vmem_shared>> -> memref<16x128xf32, #tpu.memory_space<vmem_shared>>
          tpu.enqueue_dma source(%dma_start3A_27 : memref<16x128xf32, #tpu.memory_space<vmem_shared>>) target(%dma_start3A_24 : memref<16x128xf32, #tpu.memory_space<hbm>>) target_semaphore(%run_scoped3A : memref<!tpu.dma_semaphore, #tpu.memory_space<semaphore_mem>>)
          %dma_wait3A = arith.constant 9984 : i32
          %dma_wait3A_28 = arith.constant 0 : i32
          %dma_wait3A_29 = tpu.memref_slice %arg8[%dma_wait3A, %dma_wait3A_28] : memref<10000x128xf32, #tpu.memory_space<hbm>> -> memref<16x128xf32, #tpu.memory_space<hbm>>
          %dma_wait3A_30 = arith.constant 9984 : i32
          %dma_wait3A_31 = arith.constant 0 : i32
          %dma_wait3A_32 = tpu.memref_slice %arg13[%dma_wait3A_30, %dma_wait3A_31] : memref<10112x128xf32, #tpu.memory_space<vmem_shared>> -> memref<16x128xf32, #tpu.memory_space<vmem_shared>>
          tpu.wait_dma2 semaphore(%run_scoped3A : memref<!tpu.dma_semaphore, #tpu.memory_space<semaphore_mem>>) src(%dma_wait3A_32 : memref<16x128xf32, #tpu.memory_space<vmem_shared>>) dst(%dma_wait3A_29 : memref<16x128xf32, #tpu.memory_space<hbm>>)
          tpu.yield
        }) : () -> ()
      } else {
      }
    } else {
    }
    return
  }
}

module attributes {stable_mosaic.version = 14 : i64} {
  func.func @_mid_body(%arg0: i32, %arg1: memref<1000x128xf32, #tpu.memory_space<vmem>>, %arg2: memref<1000x128xf32, #tpu.memory_space<vmem>>, %arg3: memref<1000x128xf32, #tpu.memory_space<vmem>>, %arg4: memref<1000x128xf32, #tpu.memory_space<vmem>>, %arg5: memref<1000x128xf32, #tpu.memory_space<vmem>>, %arg6: memref<1x256xf32, #tpu.memory_space<vmem>>, %arg7: memref<256x256xf32, #tpu.memory_space<vmem>>, %arg8: memref<1000x256xf32, #tpu.memory_space<vmem>>, %arg9: memref<1000x256xf32, #tpu.memory_space<vmem>>, %arg10: memref<1000x128xf32, #tpu.memory_space<vmem>>, %arg11: memref<1000x128xf32, #tpu.memory_space<vmem>>) attributes {dimension_semantics = [#tpu.dimension_semantics<arbitrary>], iteration_bounds = array<i64: 10>, scalar_prefetch = 0 : i64, scratch_operands = 0 : i64, tpu.core_type = #tpu.core_type<tc>, window_params = [{transform_indices = @transform_0, window_bounds = array<i64: 1000, 128>}, {transform_indices = @transform_1, window_bounds = array<i64: 1000, 128>}, {transform_indices = @transform_2, window_bounds = array<i64: 1000, 128>}, {transform_indices = @transform_3, window_bounds = array<i64: 1000, 128>}, {transform_indices = @transform_4, window_bounds = array<i64: 1000, 128>}, {pipeline_mode = #tpu.pipeline_mode<synchronous>, transform_indices = @transform_5, window_bounds = array<i64: 1, 256>}, {pipeline_mode = #tpu.pipeline_mode<synchronous>, transform_indices = @transform_6, window_bounds = array<i64: 256, 256>}, {transform_indices = @transform_7, window_bounds = array<i64: 1000, 256>}, {transform_indices = @transform_8, window_bounds = array<i64: 1000, 256>}, {transform_indices = @transform_9, window_bounds = array<i64: 1000, 128>}, {transform_indices = @transform_10, window_bounds = array<i64: 1000, 128>}]} {
    %get3A = arith.constant 0 : index
    %get3A_0 = arith.constant 0 : index
    %get3A_1 = vector.load %arg5[%get3A, %get3A_0] : memref<1000x128xf32, #tpu.memory_space<vmem>>, vector<1000x128xf32>
    %slice3A = vector.extract_strided_slice %get3A_1 {offsets = [0, 0], sizes = [1000, 1], strides = [1, 1]} : vector<1000x128xf32> to vector<1000x1xf32>
    %add3A = arith.constant 1.000000e+00 : f32
    %add3A_2 = vector.broadcast %add3A : f32 to vector<1000x1xf32>
    %add3A_3 = arith.addf %slice3A, %add3A_2 : vector<1000x1xf32>
    %rsqrt3A = math.rsqrt %add3A_3 : vector<1000x1xf32>
    %get3A_4 = arith.constant 0 : index
    %get3A_5 = arith.constant 0 : index
    %get3A_6 = vector.load %arg1[%get3A_4, %get3A_5] : memref<1000x128xf32, #tpu.memory_space<vmem>>, vector<1000x128xf32>
    %get3A_7 = arith.constant 0 : index
    %get3A_8 = arith.constant 0 : index
    %get3A_9 = vector.load %arg2[%get3A_7, %get3A_8] : memref<1000x128xf32, #tpu.memory_space<vmem>>, vector<1000x128xf32>
    %concatenate3A = tpu.concatenate %get3A_6, %get3A_9 in 1 : vector<1000x128xf32>, vector<1000x128xf32> -> vector<1000x256xf32>
    %get3A_10 = arith.constant 0 : index
    %get3A_11 = arith.constant 0 : index
    %get3A_12 = vector.load %arg3[%get3A_10, %get3A_11] : memref<1000x128xf32, #tpu.memory_space<vmem>>, vector<1000x128xf32>
    %get3A_13 = arith.constant 0 : index
    %get3A_14 = arith.constant 0 : index
    %get3A_15 = vector.load %arg4[%get3A_13, %get3A_14] : memref<1000x128xf32, #tpu.memory_space<vmem>>, vector<1000x128xf32>
    %concatenate3A_16 = tpu.concatenate %get3A_12, %get3A_15 in 1 : vector<1000x128xf32>, vector<1000x128xf32> -> vector<1000x256xf32>
    %add3A_17 = arith.addf %concatenate3A, %concatenate3A_16 : vector<1000x256xf32>
    %mul3A = vector.broadcast %rsqrt3A : vector<1000x1xf32> to vector<1000x256xf32>
    %mul3A_18 = arith.mulf %mul3A, %add3A_17 : vector<1000x256xf32>
    %get3A_19 = arith.constant 0 : index
    %get3A_20 = arith.constant 0 : index
    %get3A_21 = vector.load %arg6[%get3A_19, %get3A_20] : memref<1x256xf32, #tpu.memory_space<vmem>>, vector<1x256xf32>
    %add3A_22 = vector.broadcast %get3A_21 : vector<1x256xf32> to vector<1000x256xf32>
    %add3A_23 = arith.addf %mul3A_18, %add3A_22 : vector<1000x256xf32>
    %max3A = arith.constant 0.000000e+00 : f32
    %max3A_24 = vector.broadcast %max3A : f32 to vector<1000x256xf32>
    %max3A_25 = arith.maximumf %add3A_23, %max3A_24 : vector<1000x256xf32>
    %get3A_26 = arith.constant 0 : index
    %get3A_27 = arith.constant 0 : index
    %get3A_28 = vector.load %arg8[%get3A_26, %get3A_27] : memref<1000x256xf32, #tpu.memory_space<vmem>>, vector<1000x256xf32>
    %add3A_29 = arith.addf %max3A_25, %get3A_28 : vector<1000x256xf32>
    %get3A_30 = arith.constant 0 : index
    %get3A_31 = arith.constant 0 : index
    %get3A_32 = vector.load %arg7[%get3A_30, %get3A_31] : memref<256x256xf32, #tpu.memory_space<vmem>>, vector<256x256xf32>
    %dot_general3A = arith.constant dense<0.000000e+00> : vector<1000x256xf32>
    %dot_general3A_33 = tpu.matmul %add3A_29, %get3A_32, %dot_general3A {dimension_numbers = #tpu.dot_dimension_numbers<[1], [0], [0], [1], [0, 0, 1, 1], [], []>, transpose_lhs_hint = false} : vector<1000x256xf32>, vector<256x256xf32>, vector<1000x256xf32> -> vector<1000x256xf32>
    %mul3A_34 = vector.broadcast %rsqrt3A : vector<1000x1xf32> to vector<1000x256xf32>
    %mul3A_35 = arith.mulf %dot_general3A_33, %mul3A_34 : vector<1000x256xf32>
    %swap3A = arith.constant 0 : index
    %swap3A_36 = arith.constant 0 : index
    %swap3A_37 = vector.load %arg9[%swap3A, %swap3A_36] : memref<1000x256xf32, #tpu.memory_space<vmem>>, vector<1000x256xf32>
    tpu.vector_store %arg9[%swap3A, %swap3A_36], %add3A_29 {strides = array<i32>} : memref<1000x256xf32, #tpu.memory_space<vmem>>, vector<1000x256xf32>,
    %slice3A_38 = vector.extract_strided_slice %mul3A_35 {offsets = [0, 0], sizes = [1000, 128], strides = [1, 1]} : vector<1000x256xf32> to vector<1000x128xf32>
    %swap3A_39 = arith.constant 0 : index
    %swap3A_40 = arith.constant 0 : index
    %swap3A_41 = vector.load %arg10[%swap3A_39, %swap3A_40] : memref<1000x128xf32, #tpu.memory_space<vmem>>, vector<1000x128xf32>
    tpu.vector_store %arg10[%swap3A_39, %swap3A_40], %slice3A_38 {strides = array<i32>} : memref<1000x128xf32, #tpu.memory_space<vmem>>, vector<1000x128xf32>,
    %slice3A_42 = vector.extract_strided_slice %mul3A_35 {offsets = [0, 128], sizes = [1000, 128], strides = [1, 1]} : vector<1000x256xf32> to vector<1000x128xf32>
    %swap3A_43 = arith.constant 0 : index
    %swap3A_44 = arith.constant 0 : index
    %swap3A_45 = vector.load %arg11[%swap3A_43, %swap3A_44] : memref<1000x128xf32, #tpu.memory_space<vmem>>, vector<1000x128xf32>
    tpu.vector_store %arg11[%swap3A_43, %swap3A_44], %slice3A_42 {strides = array<i32>} : memref<1000x128xf32, #tpu.memory_space<vmem>>, vector<1000x128xf32>,
    return
  }
  func.func @transform_0(%arg0: i32) -> (i32, i32) {
    %c0_i32 = arith.constant 0 : i32
    %c0_i32_0 = arith.constant 0 : i32
    return %arg0, %c0_i32 : i32, i32
  }
  func.func @transform_1(%arg0: i32) -> (i32, i32) {
    %c0_i32 = arith.constant 0 : i32
    %c0_i32_0 = arith.constant 0 : i32
    return %arg0, %c0_i32 : i32, i32
  }
  func.func @transform_2(%arg0: i32) -> (i32, i32) {
    %c0_i32 = arith.constant 0 : i32
    %c0_i32_0 = arith.constant 0 : i32
    return %arg0, %c0_i32 : i32, i32
  }
  func.func @transform_3(%arg0: i32) -> (i32, i32) {
    %c0_i32 = arith.constant 0 : i32
    %c0_i32_0 = arith.constant 0 : i32
    return %arg0, %c0_i32 : i32, i32
  }
  func.func @transform_4(%arg0: i32) -> (i32, i32) {
    %c0_i32 = arith.constant 0 : i32
    %c0_i32_0 = arith.constant 0 : i32
    return %arg0, %c0_i32 : i32, i32
  }
  func.func @transform_5(%arg0: i32) -> (i32, i32) {
    %c0_i32 = arith.constant 0 : i32
    %c0_i32_0 = arith.constant 0 : i32
    %c0_i32_1 = arith.constant 0 : i32
    return %c0_i32, %c0_i32_0 : i32, i32
  }
  func.func @transform_6(%arg0: i32) -> (i32, i32) {
    %c0_i32 = arith.constant 0 : i32
    %c0_i32_0 = arith.constant 0 : i32
    %c0_i32_1 = arith.constant 0 : i32
    return %c0_i32, %c0_i32_0 : i32, i32
  }
  func.func @transform_7(%arg0: i32) -> (i32, i32) {
    %c0_i32 = arith.constant 0 : i32
    %c0_i32_0 = arith.constant 0 : i32
    return %arg0, %c0_i32 : i32, i32
  }
  func.func @transform_8(%arg0: i32) -> (i32, i32) {
    %c0_i32 = arith.constant 0 : i32
    %c0_i32_0 = arith.constant 0 : i32
    return %arg0, %c0_i32 : i32, i32
  }
  func.func @transform_9(%arg0: i32) -> (i32, i32) {
    %c0_i32 = arith.constant 0 : i32
    %c0_i32_0 = arith.constant 0 : i32
    return %arg0, %c0_i32 : i32, i32
  }
  func.func @transform_10(%arg0: i32) -> (i32, i32) {
    %c0_i32 = arith.constant 0 : i32
    %c0_i32_0 = arith.constant 0 : i32
    return %arg0, %c0_i32 : i32, i32
  }
}

module attributes {stable_mosaic.version = 14 : i64} {
  func.func @_k1_body(%arg0: i32, %arg1: memref<1000x128xf32, #tpu.memory_space<vmem>>, %arg2: memref<128x256xf32, #tpu.memory_space<vmem>>, %arg3: memref<1000x128xf32, #tpu.memory_space<vmem>>, %arg4: memref<1000x128xf32, #tpu.memory_space<vmem>>, %arg5: memref<1000x128xf32, #tpu.memory_space<vmem>>) attributes {dimension_semantics = [#tpu.dimension_semantics<arbitrary>], iteration_bounds = array<i64: 10>, scalar_prefetch = 0 : i64, scratch_operands = 0 : i64, tpu.core_type = #tpu.core_type<tc>, window_params = [{transform_indices = @transform_0, window_bounds = array<i64: 1000, 128>}, {pipeline_mode = #tpu.pipeline_mode<synchronous>, transform_indices = @transform_1, window_bounds = array<i64: 128, 256>}, {transform_indices = @transform_2, window_bounds = array<i64: 1000, 128>}, {transform_indices = @transform_3, window_bounds = array<i64: 1000, 128>}, {transform_indices = @transform_4, window_bounds = array<i64: 1000, 128>}]} {
    %get3A = arith.constant 0 : index
    %get3A_0 = arith.constant 0 : index
    %get3A_1 = vector.load %arg1[%get3A, %get3A_0] : memref<1000x128xf32, #tpu.memory_space<vmem>>, vector<1000x128xf32>
    %get3A_2 = arith.constant 0 : index
    %get3A_3 = arith.constant 0 : index
    %get3A_4 = vector.load %arg2[%get3A_2, %get3A_3] : memref<128x256xf32, #tpu.memory_space<vmem>>, vector<128x256xf32>
    %dot_general3A = arith.constant dense<0.000000e+00> : vector<1000x256xf32>
    %dot_general3A_5 = tpu.matmul %get3A_1, %get3A_4, %dot_general3A {dimension_numbers = #tpu.dot_dimension_numbers<[1], [0], [0], [1], [0, 0, 1, 1], [], []>, transpose_lhs_hint = false} : vector<1000x128xf32>, vector<128x256xf32>, vector<1000x256xf32> -> vector<1000x256xf32>
    %get3A_6 = arith.constant 0 : index
    %get3A_7 = arith.constant 0 : index
    %get3A_8 = vector.load %arg3[%get3A_6, %get3A_7] : memref<1000x128xf32, #tpu.memory_space<vmem>>, vector<1000x128xf32>
    %slice3A = vector.extract_strided_slice %get3A_8 {offsets = [0, 0], sizes = [1000, 1], strides = [1, 1]} : vector<1000x128xf32> to vector<1000x1xf32>
    %add3A = arith.constant 1.000000e+00 : f32
    %add3A_9 = vector.broadcast %add3A : f32 to vector<1000x1xf32>
    %add3A_10 = arith.addf %slice3A, %add3A_9 : vector<1000x1xf32>
    %rsqrt3A = math.rsqrt %add3A_10 : vector<1000x1xf32>
    %mul3A = vector.broadcast %rsqrt3A : vector<1000x1xf32> to vector<1000x256xf32>
    %mul3A_11 = arith.mulf %dot_general3A_5, %mul3A : vector<1000x256xf32>
    %slice3A_12 = vector.extract_strided_slice %mul3A_11 {offsets = [0, 0], sizes = [1000, 128], strides = [1, 1]} : vector<1000x256xf32> to vector<1000x128xf32>
    %swap3A = arith.constant 0 : index
    %swap3A_13 = arith.constant 0 : index
    %swap3A_14 = vector.load %arg4[%swap3A, %swap3A_13] : memref<1000x128xf32, #tpu.memory_space<vmem>>, vector<1000x128xf32>
    tpu.vector_store %arg4[%swap3A, %swap3A_13], %slice3A_12 {strides = array<i32>} : memref<1000x128xf32, #tpu.memory_space<vmem>>, vector<1000x128xf32>,
    %slice3A_15 = vector.extract_strided_slice %mul3A_11 {offsets = [0, 128], sizes = [1000, 128], strides = [1, 1]} : vector<1000x256xf32> to vector<1000x128xf32>
    %swap3A_16 = arith.constant 0 : index
    %swap3A_17 = arith.constant 0 : index
    %swap3A_18 = vector.load %arg5[%swap3A_16, %swap3A_17] : memref<1000x128xf32, #tpu.memory_space<vmem>>, vector<1000x128xf32>
    tpu.vector_store %arg5[%swap3A_16, %swap3A_17], %slice3A_15 {strides = array<i32>} : memref<1000x128xf32, #tpu.memory_space<vmem>>, vector<1000x128xf32>,
    return
  }
  func.func @transform_0(%arg0: i32) -> (i32, i32) {
    %c0_i32 = arith.constant 0 : i32
    %c0_i32_0 = arith.constant 0 : i32
    return %arg0, %c0_i32 : i32, i32
  }
  func.func @transform_1(%arg0: i32) -> (i32, i32) {
    %c0_i32 = arith.constant 0 : i32
    %c0_i32_0 = arith.constant 0 : i32
    %c0_i32_1 = arith.constant 0 : i32
    return %c0_i32, %c0_i32_0 : i32, i32
  }
  func.func @transform_2(%arg0: i32) -> (i32, i32) {
    %c0_i32 = arith.constant 0 : i32
    %c0_i32_0 = arith.constant 0 : i32
    return %arg0, %c0_i32 : i32, i32
  }
  func.func @transform_3(%arg0: i32) -> (i32, i32) {
    %c0_i32 = arith.constant 0 : i32
    %c0_i32_0 = arith.constant 0 : i32
    return %arg0, %c0_i32 : i32, i32
  }
  func.func @transform_4(%arg0: i32) -> (i32, i32) {
    %c0_i32 = arith.constant 0 : i32
    %c0_i32_0 = arith.constant 0 : i32
    return %arg0, %c0_i32 : i32, i32
  }
}

module attributes {stable_mosaic.version = 14 : i64} {
  func.func @_mid_body(%arg0: i32, %arg1: memref<1000x128xf32, #tpu.memory_space<vmem>>, %arg2: memref<1000x128xf32, #tpu.memory_space<vmem>>, %arg3: memref<1000x128xf32, #tpu.memory_space<vmem>>, %arg4: memref<1000x128xf32, #tpu.memory_space<vmem>>, %arg5: memref<1000x128xf32, #tpu.memory_space<vmem>>, %arg6: memref<1x256xf32, #tpu.memory_space<vmem>>, %arg7: memref<256x256xf32, #tpu.memory_space<vmem>>, %arg8: memref<1000x256xf32, #tpu.memory_space<vmem>>, %arg9: memref<1000x128xf32, #tpu.memory_space<vmem>>, %arg10: memref<1000x128xf32, #tpu.memory_space<vmem>>) attributes {dimension_semantics = [#tpu.dimension_semantics<arbitrary>], iteration_bounds = array<i64: 10>, scalar_prefetch = 0 : i64, scratch_operands = 0 : i64, tpu.core_type = #tpu.core_type<tc>, window_params = [{transform_indices = @transform_0, window_bounds = array<i64: 1000, 128>}, {transform_indices = @transform_1, window_bounds = array<i64: 1000, 128>}, {transform_indices = @transform_2, window_bounds = array<i64: 1000, 128>}, {transform_indices = @transform_3, window_bounds = array<i64: 1000, 128>}, {transform_indices = @transform_4, window_bounds = array<i64: 1000, 128>}, {pipeline_mode = #tpu.pipeline_mode<synchronous>, transform_indices = @transform_5, window_bounds = array<i64: 1, 256>}, {pipeline_mode = #tpu.pipeline_mode<synchronous>, transform_indices = @transform_6, window_bounds = array<i64: 256, 256>}, {transform_indices = @transform_7, window_bounds = array<i64: 1000, 256>}, {transform_indices = @transform_8, window_bounds = array<i64: 1000, 128>}, {transform_indices = @transform_9, window_bounds = array<i64: 1000, 128>}]} {
    %get3A = arith.constant 0 : index
    %get3A_0 = arith.constant 0 : index
    %get3A_1 = vector.load %arg5[%get3A, %get3A_0] : memref<1000x128xf32, #tpu.memory_space<vmem>>, vector<1000x128xf32>
    %slice3A = vector.extract_strided_slice %get3A_1 {offsets = [0, 0], sizes = [1000, 1], strides = [1, 1]} : vector<1000x128xf32> to vector<1000x1xf32>
    %add3A = arith.constant 1.000000e+00 : f32
    %add3A_2 = vector.broadcast %add3A : f32 to vector<1000x1xf32>
    %add3A_3 = arith.addf %slice3A, %add3A_2 : vector<1000x1xf32>
    %rsqrt3A = math.rsqrt %add3A_3 : vector<1000x1xf32>
    %get3A_4 = arith.constant 0 : index
    %get3A_5 = arith.constant 0 : index
    %get3A_6 = vector.load %arg1[%get3A_4, %get3A_5] : memref<1000x128xf32, #tpu.memory_space<vmem>>, vector<1000x128xf32>
    %get3A_7 = arith.constant 0 : index
    %get3A_8 = arith.constant 0 : index
    %get3A_9 = vector.load %arg2[%get3A_7, %get3A_8] : memref<1000x128xf32, #tpu.memory_space<vmem>>, vector<1000x128xf32>
    %concatenate3A = tpu.concatenate %get3A_6, %get3A_9 in 1 : vector<1000x128xf32>, vector<1000x128xf32> -> vector<1000x256xf32>
    %get3A_10 = arith.constant 0 : index
    %get3A_11 = arith.constant 0 : index
    %get3A_12 = vector.load %arg3[%get3A_10, %get3A_11] : memref<1000x128xf32, #tpu.memory_space<vmem>>, vector<1000x128xf32>
    %get3A_13 = arith.constant 0 : index
    %get3A_14 = arith.constant 0 : index
    %get3A_15 = vector.load %arg4[%get3A_13, %get3A_14] : memref<1000x128xf32, #tpu.memory_space<vmem>>, vector<1000x128xf32>
    %concatenate3A_16 = tpu.concatenate %get3A_12, %get3A_15 in 1 : vector<1000x128xf32>, vector<1000x128xf32> -> vector<1000x256xf32>
    %add3A_17 = arith.addf %concatenate3A, %concatenate3A_16 : vector<1000x256xf32>
    %mul3A = vector.broadcast %rsqrt3A : vector<1000x1xf32> to vector<1000x256xf32>
    %mul3A_18 = arith.mulf %mul3A, %add3A_17 : vector<1000x256xf32>
    %get3A_19 = arith.constant 0 : index
    %get3A_20 = arith.constant 0 : index
    %get3A_21 = vector.load %arg6[%get3A_19, %get3A_20] : memref<1x256xf32, #tpu.memory_space<vmem>>, vector<1x256xf32>
    %add3A_22 = vector.broadcast %get3A_21 : vector<1x256xf32> to vector<1000x256xf32>
    %add3A_23 = arith.addf %mul3A_18, %add3A_22 : vector<1000x256xf32>
    %max3A = arith.constant 0.000000e+00 : f32
    %max3A_24 = vector.broadcast %max3A : f32 to vector<1000x256xf32>
    %max3A_25 = arith.maximumf %add3A_23, %max3A_24 : vector<1000x256xf32>
    %get3A_26 = arith.constant 0 : index
    %get3A_27 = arith.constant 0 : index
    %get3A_28 = vector.load %arg7[%get3A_26, %get3A_27] : memref<256x256xf32, #tpu.memory_space<vmem>>, vector<256x256xf32>
    %dot_general3A = arith.constant dense<0.000000e+00> : vector<1000x256xf32>
    %dot_general3A_29 = tpu.matmul %max3A_25, %get3A_28, %dot_general3A {dimension_numbers = #tpu.dot_dimension_numbers<[1], [0], [0], [1], [0, 0, 1, 1], [], []>, transpose_lhs_hint = false} : vector<1000x256xf32>, vector<256x256xf32>, vector<1000x256xf32> -> vector<1000x256xf32>
    %mul3A_30 = vector.broadcast %rsqrt3A : vector<1000x1xf32> to vector<1000x256xf32>
    %mul3A_31 = arith.mulf %dot_general3A_29, %mul3A_30 : vector<1000x256xf32>
    %swap3A = arith.constant 0 : index
    %swap3A_32 = arith.constant 0 : index
    %swap3A_33 = vector.load %arg8[%swap3A, %swap3A_32] : memref<1000x256xf32, #tpu.memory_space<vmem>>, vector<1000x256xf32>
    tpu.vector_store %arg8[%swap3A, %swap3A_32], %max3A_25 {strides = array<i32>} : memref<1000x256xf32, #tpu.memory_space<vmem>>, vector<1000x256xf32>,
    %slice3A_34 = vector.extract_strided_slice %mul3A_31 {offsets = [0, 0], sizes = [1000, 128], strides = [1, 1]} : vector<1000x256xf32> to vector<1000x128xf32>
    %swap3A_35 = arith.constant 0 : index
    %swap3A_36 = arith.constant 0 : index
    %swap3A_37 = vector.load %arg9[%swap3A_35, %swap3A_36] : memref<1000x128xf32, #tpu.memory_space<vmem>>, vector<1000x128xf32>
    tpu.vector_store %arg9[%swap3A_35, %swap3A_36], %slice3A_34 {strides = array<i32>} : memref<1000x128xf32, #tpu.memory_space<vmem>>, vector<1000x128xf32>,
    %slice3A_38 = vector.extract_strided_slice %mul3A_31 {offsets = [0, 128], sizes = [1000, 128], strides = [1, 1]} : vector<1000x256xf32> to vector<1000x128xf32>
    %swap3A_39 = arith.constant 0 : index
    %swap3A_40 = arith.constant 0 : index
    %swap3A_41 = vector.load %arg10[%swap3A_39, %swap3A_40] : memref<1000x128xf32, #tpu.memory_space<vmem>>, vector<1000x128xf32>
    tpu.vector_store %arg10[%swap3A_39, %swap3A_40], %slice3A_38 {strides = array<i32>} : memref<1000x128xf32, #tpu.memory_space<vmem>>, vector<1000x128xf32>,
    return
  }
  func.func @transform_0(%arg0: i32) -> (i32, i32) {
    %c0_i32 = arith.constant 0 : i32
    %c0_i32_0 = arith.constant 0 : i32
    return %arg0, %c0_i32 : i32, i32
  }
  func.func @transform_1(%arg0: i32) -> (i32, i32) {
    %c0_i32 = arith.constant 0 : i32
    %c0_i32_0 = arith.constant 0 : i32
    return %arg0, %c0_i32 : i32, i32
  }
  func.func @transform_2(%arg0: i32) -> (i32, i32) {
    %c0_i32 = arith.constant 0 : i32
    %c0_i32_0 = arith.constant 0 : i32
    return %arg0, %c0_i32 : i32, i32
  }
  func.func @transform_3(%arg0: i32) -> (i32, i32) {
    %c0_i32 = arith.constant 0 : i32
    %c0_i32_0 = arith.constant 0 : i32
    return %arg0, %c0_i32 : i32, i32
  }
  func.func @transform_4(%arg0: i32) -> (i32, i32) {
    %c0_i32 = arith.constant 0 : i32
    %c0_i32_0 = arith.constant 0 : i32
    return %arg0, %c0_i32 : i32, i32
  }
  func.func @transform_5(%arg0: i32) -> (i32, i32) {
    %c0_i32 = arith.constant 0 : i32
    %c0_i32_0 = arith.constant 0 : i32
    %c0_i32_1 = arith.constant 0 : i32
    return %c0_i32, %c0_i32_0 : i32, i32
  }
  func.func @transform_6(%arg0: i32) -> (i32, i32) {
    %c0_i32 = arith.constant 0 : i32
    %c0_i32_0 = arith.constant 0 : i32
    %c0_i32_1 = arith.constant 0 : i32
    return %c0_i32, %c0_i32_0 : i32, i32
  }
  func.func @transform_7(%arg0: i32) -> (i32, i32) {
    %c0_i32 = arith.constant 0 : i32
    %c0_i32_0 = arith.constant 0 : i32
    return %arg0, %c0_i32 : i32, i32
  }
  func.func @transform_8(%arg0: i32) -> (i32, i32) {
    %c0_i32 = arith.constant 0 : i32
    %c0_i32_0 = arith.constant 0 : i32
    return %arg0, %c0_i32 : i32, i32
  }
  func.func @transform_9(%arg0: i32) -> (i32, i32) {
    %c0_i32 = arith.constant 0 : i32
    %c0_i32_0 = arith.constant 0 : i32
    return %arg0, %c0_i32 : i32, i32
  }
}

module attributes {stable_mosaic.version = 14 : i64} {
  func.func @_fin_body(%arg0: i32, %arg1: memref<1000x128xf32, #tpu.memory_space<vmem>>, %arg2: memref<1000x128xf32, #tpu.memory_space<vmem>>, %arg3: memref<1000x128xf32, #tpu.memory_space<vmem>>, %arg4: memref<1000x128xf32, #tpu.memory_space<vmem>>, %arg5: memref<1000x128xf32, #tpu.memory_space<vmem>>, %arg6: memref<1x256xf32, #tpu.memory_space<vmem>>, %arg7: memref<1000x256xf32, #tpu.memory_space<vmem>>, %arg8: memref<256x256xf32, #tpu.memory_space<vmem>>, %arg9: memref<1x256xf32, #tpu.memory_space<vmem>>, %arg10: memref<256x256xf32, #tpu.memory_space<vmem>>, %arg11: memref<1x256xf32, #tpu.memory_space<vmem>>, %arg12: memref<1x256xf32, #tpu.memory_space<vmem>>, %arg13: memref<1x256xf32, #tpu.memory_space<vmem>>, %arg14: memref<1x256xf32, #tpu.memory_space<vmem>>, %arg15: memref<1x256xf32, #tpu.memory_space<vmem>>) attributes {dimension_semantics = [#tpu.dimension_semantics<arbitrary>], iteration_bounds = array<i64: 10>, scalar_prefetch = 0 : i64, scratch_operands = 1 : i64, tpu.core_type = #tpu.core_type<tc>, window_params = [{transform_indices = @transform_0, window_bounds = array<i64: 1000, 128>}, {transform_indices = @transform_1, window_bounds = array<i64: 1000, 128>}, {transform_indices = @transform_2, window_bounds = array<i64: 1000, 128>}, {transform_indices = @transform_3, window_bounds = array<i64: 1000, 128>}, {transform_indices = @transform_4, window_bounds = array<i64: 1000, 128>}, {pipeline_mode = #tpu.pipeline_mode<synchronous>, transform_indices = @transform_5, window_bounds = array<i64: 1, 256>}, {transform_indices = @transform_6, window_bounds = array<i64: 1000, 256>}, {pipeline_mode = #tpu.pipeline_mode<synchronous>, transform_indices = @transform_7, window_bounds = array<i64: 256, 256>}, {pipeline_mode = #tpu.pipeline_mode<synchronous>, transform_indices = @transform_8, window_bounds = array<i64: 1, 256>}, {pipeline_mode = #tpu.pipeline_mode<synchronous>, transform_indices = @transform_9, window_bounds = array<i64: 256, 256>}, {pipeline_mode = #tpu.pipeline_mode<synchronous>, transform_indices = @transform_10, window_bounds = array<i64: 1, 256>}, {pipeline_mode = #tpu.pipeline_mode<synchronous>, transform_indices = @transform_11, window_bounds = array<i64: 1, 256>}, {pipeline_mode = #tpu.pipeline_mode<synchronous>, transform_indices = @transform_12, window_bounds = array<i64: 1, 256>}, {pipeline_mode = #tpu.pipeline_mode<synchronous>, transform_indices = @transform_13, window_bounds = array<i64: 1, 256>}]} {
    %get3A = arith.constant 0 : index
    %get3A_0 = arith.constant 0 : index
    %get3A_1 = vector.load %arg5[%get3A, %get3A_0] : memref<1000x128xf32, #tpu.memory_space<vmem>>, vector<1000x128xf32>
    %slice3A = vector.extract_strided_slice %get3A_1 {offsets = [0, 0], sizes = [1000, 1], strides = [1, 1]} : vector<1000x128xf32> to vector<1000x1xf32>
    %add3A = arith.constant 1.000000e+00 : f32
    %add3A_2 = vector.broadcast %add3A : f32 to vector<1000x1xf32>
    %add3A_3 = arith.addf %slice3A, %add3A_2 : vector<1000x1xf32>
    %rsqrt3A = math.rsqrt %add3A_3 : vector<1000x1xf32>
    %get3A_4 = arith.constant 0 : index
    %get3A_5 = arith.constant 0 : index
    %get3A_6 = vector.load %arg1[%get3A_4, %get3A_5] : memref<1000x128xf32, #tpu.memory_space<vmem>>, vector<1000x128xf32>
    %get3A_7 = arith.constant 0 : index
    %get3A_8 = arith.constant 0 : index
    %get3A_9 = vector.load %arg2[%get3A_7, %get3A_8] : memref<1000x128xf32, #tpu.memory_space<vmem>>, vector<1000x128xf32>
    %concatenate3A = tpu.concatenate %get3A_6, %get3A_9 in 1 : vector<1000x128xf32>, vector<1000x128xf32> -> vector<1000x256xf32>
    %get3A_10 = arith.constant 0 : index
    %get3A_11 = arith.constant 0 : index
    %get3A_12 = vector.load %arg3[%get3A_10, %get3A_11] : memref<1000x128xf32, #tpu.memory_space<vmem>>, vector<1000x128xf32>
    %get3A_13 = arith.constant 0 : index
    %get3A_14 = arith.constant 0 : index
    %get3A_15 = vector.load %arg4[%get3A_13, %get3A_14] : memref<1000x128xf32, #tpu.memory_space<vmem>>, vector<1000x128xf32>
    %concatenate3A_16 = tpu.concatenate %get3A_12, %get3A_15 in 1 : vector<1000x128xf32>, vector<1000x128xf32> -> vector<1000x256xf32>
    %add3A_17 = arith.addf %concatenate3A, %concatenate3A_16 : vector<1000x256xf32>
    %mul3A = vector.broadcast %rsqrt3A : vector<1000x1xf32> to vector<1000x256xf32>
    %mul3A_18 = arith.mulf %mul3A, %add3A_17 : vector<1000x256xf32>
    %get3A_19 = arith.constant 0 : index
    %get3A_20 = arith.constant 0 : index
    %get3A_21 = vector.load %arg6[%get3A_19, %get3A_20] : memref<1x256xf32, #tpu.memory_space<vmem>>, vector<1x256xf32>
    %add3A_22 = vector.broadcast %get3A_21 : vector<1x256xf32> to vector<1000x256xf32>
    %add3A_23 = arith.addf %mul3A_18, %add3A_22 : vector<1000x256xf32>
    %max3A = arith.constant 0.000000e+00 : f32
    %max3A_24 = vector.broadcast %max3A : f32 to vector<1000x256xf32>
    %max3A_25 = arith.maximumf %add3A_23, %max3A_24 : vector<1000x256xf32>
    %get3A_26 = arith.constant 0 : index
    %get3A_27 = arith.constant 0 : index
    %get3A_28 = vector.load %arg7[%get3A_26, %get3A_27] : memref<1000x256xf32, #tpu.memory_space<vmem>>, vector<1000x256xf32>
    %add3A_29 = arith.addf %max3A_25, %get3A_28 : vector<1000x256xf32>
    %reduce_sum3A = arith.constant dense<0.000000e+00> : vector<256xf32>
    %reduce_sum3A_30 = vector.multi_reduction <add>, %add3A_29, %reduce_sum3A [0] : vector<1000x256xf32> to vector<256xf32>
    %broadcast_in_dim3A = vector.shape_cast %reduce_sum3A_30 : vector<256xf32> to vector<1x256xf32>
    %eq3A = arith.constant 0 : i32
    %eq3A_31 = arith.cmpi eq, %arg0, %eq3A : i32
    %convert_element_type3A = arith.extui %eq3A_31 : i1 to i32
    %cond3A = arith.constant 0 : i32
    %cond3A_32 = arith.cmpi ne, %convert_element_type3A, %cond3A : i32
    scf.if %cond3A_32 {
      %swap3A = arith.constant 0 : index
      %swap3A_42 = arith.constant 0 : index
      %swap3A_43 = vector.load %arg15[%swap3A, %swap3A_42] : memref<1x256xf32, #tpu.memory_space<vmem>>, vector<1x256xf32>
      tpu.vector_store %arg15[%swap3A, %swap3A_42], %broadcast_in_dim3A {strides = array<i32>} : memref<1x256xf32, #tpu.memory_space<vmem>>, vector<1x256xf32>,
    } else {
    }
    %gt3A = arith.constant 0 : i32
    %gt3A_33 = arith.cmpi sgt, %arg0, %gt3A : i32
    %convert_element_type3A_34 = arith.extui %gt3A_33 : i1 to i32
    %cond3A_35 = arith.constant 0 : i32
    %cond3A_36 = arith.cmpi ne, %convert_element_type3A_34, %cond3A_35 : i32
    scf.if %cond3A_36 {
      %get3A_42 = arith.constant 0 : index
      %get3A_43 = arith.constant 0 : index
      %get3A_44 = vector.load %arg15[%get3A_42, %get3A_43] : memref<1x256xf32, #tpu.memory_space<vmem>>, vector<1x256xf32>
      %add3A_45 = arith.addf %get3A_44, %broadcast_in_dim3A : vector<1x256xf32>
      %swap3A = arith.constant 0 : index
      %swap3A_46 = arith.constant 0 : index
      %swap3A_47 = vector.load %arg15[%swap3A, %swap3A_46] : memref<1x256xf32, #tpu.memory_space<vmem>>, vector<1x256xf32>
      tpu.vector_store %arg15[%swap3A, %swap3A_46], %add3A_45 {strides = array<i32>} : memref<1x256xf32, #tpu.memory_space<vmem>>, vector<1x256xf32>,
    } else {
    }
    %eq3A_37 = arith.constant 9 : i32
    %eq3A_38 = arith.cmpi eq, %arg0, %eq3A_37 : i32
    %convert_element_type3A_39 = arith.extui %eq3A_38 : i1 to i32
    %cond3A_40 = arith.constant 0 : i32
    %cond3A_41 = arith.cmpi ne, %convert_element_type3A_39, %cond3A_40 : i32
    scf.if %cond3A_41 {
      %get3A_42 = arith.constant 0 : index
      %get3A_43 = arith.constant 0 : index
      %get3A_44 = vector.load %arg15[%get3A_42, %get3A_43] : memref<1x256xf32, #tpu.memory_space<vmem>>, vector<1x256xf32>
      %mul3A_45 = arith.constant 9.99999974E-5 : f32
      %mul3A_46 = vector.broadcast %mul3A_45 : f32 to vector<1x256xf32>
      %mul3A_47 = arith.mulf %get3A_44, %mul3A_46 : vector<1x256xf32>
      %get3A_48 = arith.constant 0 : index
      %get3A_49 = arith.constant 0 : index
      %get3A_50 = vector.load %arg8[%get3A_48, %get3A_49] : memref<256x256xf32, #tpu.memory_space<vmem>>, vector<256x256xf32>
      %dot_general3A = arith.constant dense<0.000000e+00> : vector<1x256xf32>
      %dot_general3A_51 = tpu.matmul %mul3A_47, %get3A_50, %dot_general3A {dimension_numbers = #tpu.dot_dimension_numbers<[1], [0], [0], [1], [0, 0, 1, 1], [], []>, transpose_lhs_hint = false} : vector<1x256xf32>, vector<256x256xf32>, vector<1x256xf32> -> vector<1x256xf32>
      %get3A_52 = arith.constant 0 : index
      %get3A_53 = arith.constant 0 : index
      %get3A_54 = vector.load %arg9[%get3A_52, %get3A_53] : memref<1x256xf32, #tpu.memory_space<vmem>>, vector<1x256xf32>
      %add3A_55 = arith.addf %dot_general3A_51, %get3A_54 : vector<1x256xf32>
      %max3A_56 = arith.constant 0.000000e+00 : f32
      %max3A_57 = vector.broadcast %max3A_56 : f32 to vector<1x256xf32>
      %max3A_58 = arith.maximumf %add3A_55, %max3A_57 : vector<1x256xf32>
      %get3A_59 = arith.constant 0 : index
      %get3A_60 = arith.constant 0 : index
      %get3A_61 = vector.load %arg10[%get3A_59, %get3A_60] : memref<256x256xf32, #tpu.memory_space<vmem>>, vector<256x256xf32>
      %dot_general3A_62 = arith.constant dense<0.000000e+00> : vector<1x256xf32>
      %dot_general3A_63 = tpu.matmul %max3A_58, %get3A_61, %dot_general3A_62 {dimension_numbers = #tpu.dot_dimension_numbers<[1], [0], [0], [1], [0, 0, 1, 1], [], []>, transpose_lhs_hint = false} : vector<1x256xf32>, vector<256x256xf32>, vector<1x256xf32> -> vector<1x256xf32>
      %get3A_64 = arith.constant 0 : index
      %get3A_65 = arith.constant 0 : index
      %get3A_66 = vector.load %arg11[%get3A_64, %get3A_65] : memref<1x256xf32, #tpu.memory_space<vmem>>, vector<1x256xf32>
      %add3A_67 = arith.addf %dot_general3A_63, %get3A_66 : vector<1x256xf32>
      %reduce_sum3A_68 = arith.constant dense<0.000000e+00> : vector<1xf32>
      %reduce_sum3A_69 = vector.multi_reduction <add>, %add3A_67, %reduce_sum3A_68 [1] : vector<1x256xf32> to vector<1xf32>
      %broadcast_in_dim3A_70 = vector.shape_cast %reduce_sum3A_69 : vector<1xf32> to vector<1x1xf32>
      %div3A = arith.constant 2.560000e+02 : f32
      %div3A_71 = vector.broadcast %div3A : f32 to vector<1x1xf32>
      %div3A_72 = arith.divf %broadcast_in_dim3A_70, %div3A_71 : vector<1x1xf32>
      %sub3A = vector.broadcast %div3A_72 : vector<1x1xf32> to vector<1x256xf32>
      %sub3A_73 = arith.subf %add3A_67, %sub3A : vector<1x256xf32>
      %integer_pow3A = arith.mulf %sub3A_73, %sub3A_73 : vector<1x256xf32>
      %reduce_sum3A_74 = arith.constant dense<0.000000e+00> : vector<1xf32>
      %reduce_sum3A_75 = vector.multi_reduction <add>, %integer_pow3A, %reduce_sum3A_74 [1] : vector<1x256xf32> to vector<1xf32>
      %broadcast_in_dim3A_76 = vector.shape_cast %reduce_sum3A_75 : vector<1xf32> to vector<1x1xf32>
      %div3A_77 = arith.constant 2.560000e+02 : f32
      %div3A_78 = vector.broadcast %div3A_77 : f32 to vector<1x1xf32>
      %div3A_79 = arith.divf %broadcast_in_dim3A_76, %div3A_78 : vector<1x1xf32>
      %sub3A_80 = vector.broadcast %div3A_72 : vector<1x1xf32> to vector<1x256xf32>
      %sub3A_81 = arith.subf %add3A_67, %sub3A_80 : vector<1x256xf32>
      %add3A_82 = arith.constant 9.99999974E-6 : f32
      %add3A_83 = vector.broadcast %add3A_82 : f32 to vector<1x1xf32>
      %add3A_84 = arith.addf %div3A_79, %add3A_83 : vector<1x1xf32>
      %rsqrt3A_85 = math.rsqrt %add3A_84 : vector<1x1xf32>
      %mul3A_86 = vector.broadcast %rsqrt3A_85 : vector<1x1xf32> to vector<1x256xf32>
      %mul3A_87 = arith.mulf %sub3A_81, %mul3A_86 : vector<1x256xf32>
      %get3A_88 = arith.constant 0 : index
      %get3A_89 = arith.constant 0 : index
      %get3A_90 = vector.load %arg12[%get3A_88, %get3A_89] : memref<1x256xf32, #tpu.memory_space<vmem>>, vector<1x256xf32>
      %mul3A_91 = arith.mulf %mul3A_87, %get3A_90 : vector<1x256xf32>
      %get3A_92 = arith.constant 0 : index
      %get3A_93 = arith.constant 0 : index
      %get3A_94 = vector.load %arg13[%get3A_92, %get3A_93] : memref<1x256xf32, #tpu.memory_space<vmem>>, vector<1x256xf32>
      %add3A_95 = arith.addf %mul3A_91, %get3A_94 : vector<1x256xf32>
      %swap3A = arith.constant 0 : index
      %swap3A_96 = arith.constant 0 : index
      %swap3A_97 = vector.load %arg14[%swap3A, %swap3A_96] : memref<1x256xf32, #tpu.memory_space<vmem>>, vector<1x256xf32>
      tpu.vector_store %arg14[%swap3A, %swap3A_96], %add3A_95 {strides = array<i32>} : memref<1x256xf32, #tpu.memory_space<vmem>>, vector<1x256xf32>,
    } else {
    }
    return
  }
  func.func @transform_0(%arg0: i32) -> (i32, i32) {
    %c0_i32 = arith.constant 0 : i32
    %c0_i32_0 = arith.constant 0 : i32
    return %arg0, %c0_i32 : i32, i32
  }
  func.func @transform_1(%arg0: i32) -> (i32, i32) {
    %c0_i32 = arith.constant 0 : i32
    %c0_i32_0 = arith.constant 0 : i32
    return %arg0, %c0_i32 : i32, i32
  }
  func.func @transform_2(%arg0: i32) -> (i32, i32) {
    %c0_i32 = arith.constant 0 : i32
    %c0_i32_0 = arith.constant 0 : i32
    return %arg0, %c0_i32 : i32, i32
  }
  func.func @transform_3(%arg0: i32) -> (i32, i32) {
    %c0_i32 = arith.constant 0 : i32
    %c0_i32_0 = arith.constant 0 : i32
    return %arg0, %c0_i32 : i32, i32
  }
  func.func @transform_4(%arg0: i32) -> (i32, i32) {
    %c0_i32 = arith.constant 0 : i32
    %c0_i32_0 = arith.constant 0 : i32
    return %arg0, %c0_i32 : i32, i32
  }
  func.func @transform_5(%arg0: i32) -> (i32, i32) {
    %c0_i32 = arith.constant 0 : i32
    %c0_i32_0 = arith.constant 0 : i32
    %c0_i32_1 = arith.constant 0 : i32
    return %c0_i32, %c0_i32_0 : i32, i32
  }
  func.func @transform_6(%arg0: i32) -> (i32, i32) {
    %c0_i32 = arith.constant 0 : i32
    %c0_i32_0 = arith.constant 0 : i32
    return %arg0, %c0_i32 : i32, i32
  }
  func.func @transform_7(%arg0: i32) -> (i32, i32) {
    %c0_i32 = arith.constant 0 : i32
    %c0_i32_0 = arith.constant 0 : i32
    %c0_i32_1 = arith.constant 0 : i32
    return %c0_i32, %c0_i32_0 : i32, i32
  }
  func.func @transform_8(%arg0: i32) -> (i32, i32) {
    %c0_i32 = arith.constant 0 : i32
    %c0_i32_0 = arith.constant 0 : i32
    %c0_i32_1 = arith.constant 0 : i32
    return %c0_i32, %c0_i32_0 : i32, i32
  }
  func.func @transform_9(%arg0: i32) -> (i32, i32) {
    %c0_i32 = arith.constant 0 : i32
    %c0_i32_0 = arith.constant 0 : i32
    %c0_i32_1 = arith.constant 0 : i32
    return %c0_i32, %c0_i32_0 : i32, i32
  }
  func.func @transform_10(%arg0: i32) -> (i32, i32) {
    %c0_i32 = arith.constant 0 : i32
    %c0_i32_0 = arith.constant 0 : i32
    %c0_i32_1 = arith.constant 0 : i32
    return %c0_i32, %c0_i32_0 : i32, i32
  }
  func.func @transform_11(%arg0: i32) -> (i32, i32) {
    %c0_i32 = arith.constant 0 : i32
    %c0_i32_0 = arith.constant 0 : i32
    %c0_i32_1 = arith.constant 0 : i32
    return %c0_i32, %c0_i32_0 : i32, i32
  }
  func.func @transform_12(%arg0: i32) -> (i32, i32) {
    %c0_i32 = arith.constant 0 : i32
    %c0_i32_0 = arith.constant 0 : i32
    %c0_i32_1 = arith.constant 0 : i32
    return %c0_i32, %c0_i32_0 : i32, i32
  }
  func.func @transform_13(%arg0: i32) -> (i32, i32) {
    %c0_i32 = arith.constant 0 : i32
    %c0_i32_0 = arith.constant 0 : i32
    %c0_i32_1 = arith.constant 0 : i32
    return %c0_i32, %c0_i32_0 : i32, i32
  }
}

</mosaic_0001>

<sc_bundles>
// kernel: kernel.10.cloned.1.call-start
scs
__scs_entry_jumppad:
0x0: {  	(pc) =	sbr.rel $0x88, $3  }
0x1: {  	(tag) =	ssettag $0x0;
	lr =	simm.s32 $0x1  }
0x2: {  	[smem:$0x3F93] =	sst lr;
	_ =	strace $0xD0000000  }
0x3: {  	_ = 	snop  }
0x4: {  	_ = 	snop  }
0x5: {  	_ = 	snop  }
0x6: {  	_ = 	snop  }
0x7: {  	_ = 	snop  }
__scs_overlays_trampoline_lowered:
0x8: {  	[smem:$0x3FA2] =	sst s0  }
0x9: {  	[smem:$0x3FA3] =	sst s1  }
0xa: {  	[smem:$0x3FA4] =	sst s2  }
0xb: {  	[smem:$0x3FA5] =	sst s3  }
0xc: {  	[smem:$0x3FA6] =	sst s4  }
0xd: {  	[smem:$0x3FA7] =	sst s5  }
0xe: {  	[smem:$0x3FA8] =	sst s6  }
0xf: {  	[smem:$0x3FA9] =	sst s7  }
0x10: {  	[smem:$0x3FAA] =	sst s8  }
0x11: {  	[smem:$0x3FAB] =	sst s9;
	s0 =	simm.s32 @!p0 $0x0  }
0x12: {  	s1 =	sld [smem:$0x3F91];
	s0 =	simm.s32 @p0 $0x1  }
0x13: {  	[smem:$0x3FAC] =	sst s0;
	s0 =	simm.s32 @!p1 $0x0  }
0x14: {  	s2 =	sld [smem:$0x3F90];
	s0 =	simm.s32 @p1 $0x1  }
0x15: {  	[smem:$0x3FAD] =	sst s0;
	s0 =	simm.s32 @!p2 $0x0  }
0x16: {  	s3 =	sld [smem:$0x3FDB];
	s0 =	simm.s32 @p2 $0x1  }
0x17: {  	s4 =	simm.s32 $0x1BF5;
	[smem:$0x3FAF] =	sst s0  }
0x18: {  	s0 =	sld [smem:$0x3F92];
	_ =	swait.ge [sflag:s4], $0x0  }
0x19: {  	s7 =	sld [smem:$0x3F93]  }
0x1a: {  	s8 =	sadd.s32 $0xFFFFE003, lr  }
0x1b: {  	s9 =	sadd.s32 $0xFFFFFEF7, lr;
	s5 =	simm.s32 $0xFFFFFFFF;
	p2 =	slt.u32 s8, $0xFFFFF086  }
0x1c: {  	p1 =	slt.u32 s9, $0xF7A;
	s5 =	simm.s32 @!p2 $0x0  }
0x1d: {  	s5 =	simm.s32 @p1 $0x1;
	p0 =	seq.s32 s7, s2  }
0x1e: {  	s7 =	smul.u32 @!p0 $0xF7A, s2;
	p2 =	seq.s32 @!p0 s5, $0x0  }
0x1f: {  	s9 =	smul.u32 $0xF7A, s1;
	s8 =	simm.s32 @!p0 $0x1BF5;
	p2 =	por !p2, p0  }
0x20: {  	[sflag:s8] =	ssyncset.s32 @!p0 $0xFFFFF086;
	s6 =	sadd.s32 @!p0 s3, s7;
	s7 =	simm.s32 @!p0 $0x108  }
0x21: {  	s3 =	sadd.s32 s3, s9;
	s6 =	sadd.s32 @!p0 $0x88, s6;
	s7 =	simm.s32 @p2 $0x1082  }
0x22: {  	[simem:s7], [sflag:s8] =	dma.local @!p0 [hbm:s6], $0xF7A  }
0x23: {  	s9 =	sor.u32 $0xD0000000, s2;
	s6 =	simm.s32 $0x108;
	_ =	swait.ge @!p0 [sflag:s8], $0x0  }
0x24: {  	s3 =	sadd.s32 $0x88, s3;
	s6 =	simm.s32 @!p1 $0x1082;
	[sflag:s4] =	ssyncset.s32 $0xFFFFF086  }
0x25: {  	[simem:s6], [sflag:s4] =	dma.local [hbm:s3], $0xF7A  }
0x26: {  	[smem:$0x3F93] =	sst s1;
	(tag) =	ssettag s2;
	_ =	strace s9  }
0x27: {  	s1 =	sld [smem:$0x3FA3]  }
0x28: {  	s2 =	sld [smem:$0x3FA4]  }
0x29: {  	s4 =	sld [smem:$0x3FA6]  }
0x2a: {  	p0 =	seq.s32 s5, $0x0;
	s5 =	sld [smem:$0x3FA7]  }
0x2b: {  	s6 =	sld [smem:$0x3FA8]  }
0x2c: {  	s7 =	sld [smem:$0x3FA9]  }
0x2d: {  	s3 =	simm.s32 $0x108;
	s8 =	sld [smem:$0x3FAA]  }
0x2e: {  	s3 =	simm.s32 @!p0 $0x1082;
	s9 =	sld [smem:$0x3FAB]  }
0x2f: {  	lr =	sadd.s32 s0, s3;
	s0 =	sld [smem:$0x3FA2]  }
0x30: {  	s3 =	sld [smem:$0x3FA5]  }
0x31: {  	[smem:$0x3FAE] =	sst s10  }
0x32: {  	s10 =	sld [smem:$0x3FAC];
	_ =	sdelay $0x3  }
0x33: {  	p0 =	seq.s32 s10, $0x1;
	s10 =	sld [smem:$0x3FAE];
	_ =	sdelay $0x3  }
0x34: {  	[smem:$0x3FAE] =	sst s10  }
0x35: {  	s10 =	sld [smem:$0x3FAD];
	_ =	sdelay $0x3  }
0x36: {  	p1 =	seq.s32 s10, $0x1;
	s10 =	sld [smem:$0x3FAE];
	_ =	sdelay $0x3  }
0x37: {  	[smem:$0x3FAE] =	sst s10  }
0x38: {  	s10 =	sld [smem:$0x3FAF]  }
0x39: {  	_ = 	snop;
	(pc) =	sbr.ind lr, $3  }
0x3a: {  	_ = 	snop  }
0x3b: {  	_ = 	snop  }
0x3c: {  	p2 =	seq.s32 s10, $0x1;
	s10 =	sld [smem:$0x3FAE]  }
0x3d: {  	_ =	shalt  }
0x3e: {  	_ =	shalt  }
0x3f: {  	_ =	shalt  }
0x40: {  	_ =	shalt  }
0x41: {  	_ =	shalt  }
0x42: {  	_ =	shalt  }
0x43: {  	_ =	shalt  }
0x44: {  	_ =	shalt  }
0x45: {  	_ =	shalt  }
0x46: {  	_ =	shalt  }
0x47: {  	_ =	shalt  }
0x48: {  	_ =	shalt  }
0x49: {  	_ =	shalt  }
0x4a: {  	_ =	shalt  }
0x4b: {  	_ =	shalt  }
0x4c: {  	_ =	shalt  }
0x4d: {  	_ =	shalt  }
0x4e: {  	_ =	shalt  }
0x4f: {  	_ =	shalt  }
0x50: {  	_ =	shalt  }
0x51: {  	_ =	shalt  }
0x52: {  	_ =	shalt  }
0x53: {  	_ =	shalt  }
0x54: {  	_ =	shalt  }
0x55: {  	_ =	shalt  }
0x56: {  	_ =	shalt  }
0x57: {  	_ =	shalt  }
0x58: {  	_ =	shalt  }
0x59: {  	_ =	shalt  }
0x5a: {  	_ =	shalt  }
0x5b: {  	_ =	shalt  }
0x5c: {  	_ =	shalt  }
0x5d: {  	_ =	shalt  }
0x5e: {  	_ =	shalt  }
0x5f: {  	_ =	shalt  }
0x60: {  	_ =	shalt  }
0x61: {  	_ =	shalt  }
0x62: {  	_ =	shalt  }
0x63: {  	_ =	shalt  }
0x64: {  	_ =	shalt  }
0x65: {  	_ =	shalt  }
0x66: {  	_ =	shalt  }
0x67: {  	_ =	shalt  }
0x68: {  	_ =	shalt  }
0x69: {  	_ =	shalt  }
0x6a: {  	_ =	shalt  }
0x6b: {  	_ =	shalt  }
0x6c: {  	_ =	shalt  }
0x6d: {  	_ =	shalt  }
0x6e: {  	_ =	shalt  }
0x6f: {  	_ =	shalt  }
0x70: {  	_ =	shalt  }
0x71: {  	_ =	shalt  }
0x72: {  	_ =	shalt  }
0x73: {  	_ =	shalt  }
0x74: {  	_ =	shalt  }
0x75: {  	_ =	shalt  }
0x76: {  	_ =	shalt  }
0x77: {  	_ =	shalt  }
0x78: {  	_ =	shalt  }
0x79: {  	_ =	shalt  }
0x7a: {  	_ =	shalt  }
0x7b: {  	_ =	shalt  }
0x7c: {  	_ =	shalt  }
0x7d: {  	_ =	shalt  }
0x7e: {  	_ =	shalt  }
0x7f: {  	_ =	shalt  }
0x80: {  	_ =	shalt  }
0x81: {  	_ =	shalt  }
0x82: {  	_ =	shalt  }
0x83: {  	_ =	shalt  }
0x84: {  	_ =	shalt  }
0x85: {  	_ =	shalt  }
0x86: {  	_ =	shalt  }
0x87: {  	_ =	shalt  }
.Lfunc_end0:
.L_simem_size_0:
called_computation_lowered:
.L_overlay_start_0:
0x88: {  	s2 =	sld [smem:$0x3FD9]  }
0x89: {  	s3 =	sld [smem:$0x3FFE];
	_ =	sdelay $0x1  }
0x8a: {  	s1 =	srdreg.scid  }
0x8b: {  	s0 =	sand.u32 $0x1, s1  }
0x8c: {  	s16 =	sshll.u32 s0, $0xA;
	s2 =	sadd.s32 s3, s2  }
0x8d: {  	s2 =	sadd.s32 s2, s16  }
0x8e: {  	[smem:$0x3FBA] =	sst s2  }
0x8f: {  	_ = 	snop  }
0x90: {  	(tm) =	ssettm $0x1  }
0x91: {  	s17 =	sld [smem:$0x3FFB];
	_ =	sdelay $0x3  }
0x92: {  	_ =	strace s17  }
0x93: {  	s2 =	sld [smem:$0x3FFC];
	_ =	sdelay $0x3  }
0x94: {  	_ =	strace s2  }
0x95: {  	s2 =	sld [smem:$0x3FFD];
	_ =	sdelay $0x3  }
0x96: {  	_ =	strace s2  }
0x97: {  	_ =	strace $0x8FFFFFFF  }
0x98: {  	s18 =	sld [smem:$0x3FDB];
	_ =	sdelay $0x1  }
0x99: {  	s19 =	simm.s32 $_scs_section_size  }
0x9a: {  	s4 =	simm.s32 $_size__tile_overlayer_lowered;
	s5 =	simm.s32 $_tile_overlayer_lowered  }
0x9b: {  	s22 =	simm.s32 $0x1BFF;
	s21 =	sshll.u32 s5, $0x1;
	s2 =	sadd.s32 s19, s18  }
0x9c: {  	s6 =	simm.s32 $0x0;
	s20 =	sshll.u32 s4, $0x1;
	s4 =	sadd.s32 s21, s2  }
0x9d: {  	[timem:s6], [sflag:s22] =	dma.local [hbm:s4], s20  }
0x9e: {  	_ =	swait.ge [sflag:s22], s20  }
0x9f: {  	s3 =	ssub.s32 $0x0, s20;
	[sflag:s22] =	ssyncset.done $0x0  }
0xa0: {  	[sflag:s22] =	ssyncadd.s32 s3;
	_ =	sdelay $0x1  }
0xa1: {  	s23 =	simm.s32 $0x1B8B  }
0xa2: {  	_ =	swait.ge [sflag:s23], $0x1  }
0xa3: {  	[sflag:s23] =	ssyncset.done $0x0  }
0xa4: {  	s25 =	simm.s32 $0x1B8E;
	s24 =	sld [smem:$0x3FFE];
	[sflag:s23] =	ssyncadd.s32 $0xFFFFFFFF  }
0xa5: {  	s26 =	simm.s32 $execute0_lowered;
	[smem:$0x3FD2] =	sst s25  }
0xa6: {  	s4 =	sshll.u32 s26, $0x1;
	_ =	strace $0x80000046;
	[dreg:$0x1] =	wrdreg $0xFFFFFFFF  }
0xa7: {  	s28 =	simm.s32 $_size_execute0_lowered;
	s2 =	sadd.s32 s2, s4;
	[dreg:$0x0] =	wrdreg $0x0  }
0xa8: {  	s4 =	sshll.u32 s28, $0x1;
	[dreg:$0x2] =	wrdreg s2  }
0xa9: {  	[dreg:$0x3] =	wrdreg s4  }
0xaa: {  	[dreg:$0x4] =	wrdreg $0xC0  }
0xab: {  	_ =	task [dreg:s6], $0x5FFFF  }
0xac: {  	[dreg:$0x1] =	wrdreg $0xFFFFFFFF  }
0xad: {  	[dreg:$0x0] =	wrdreg $0x60  }
0xae: {  	[dreg:$0x2] =	wrdreg s24  }
0xaf: {  	[dreg:$0x3] =	wrdreg $0x90000  }
0xb0: {  	[dreg:$0x4] =	wrdreg $0x9  }
0xb1: {  	_ =	task.clear_ibuf [dreg:s6], $0x5FFFF;
	_ =	strace $0x90000046  }
0xb2: {  	s29 =	simm.s32 $0x9;
	_ =	strace $0x80000048  }
0xb3: {  	_ =	swait.ge [sflag:s29], $0x1  }
0xb4: {  	[sflag:s29] =	ssyncadd.s32 $0xFFFFFFFF  }
0xb5: {  	_ =	strace $0x90000048  }
0xb6: {  	_ =	sfence  }
0xb7: {  	s30 =	sld [smem:$0x0];
	_ =	sdelay $0x2  }
0xb8: {  	s31 =	sshll.u32 s1, $0xD;
	s1 =	sshrl.u32 s1, $0x2  }
0xb9: {  	s3 =	sand.u32 $0x4000, s31;
	s1 =	sadd.s32 s1, s30  }
0xba: {  	s0 =	sor.u32 s3, s0;
	s1 =	sshll.u32 s1, $0x11  }
0xbb: {  	s0 =	sor.u32 s1, s0  }
0xbc: {  	s0 =	sadd.s32 $0x8F2B, s0  }
0xbd: {  	[sflag:s0] =	ssyncadd.remote.s32 $0x1  }
0xbe: {  	_ =	sfence.sel $0xFFFF  }
0xbf: {  	[dreg:$0x0] =	wrdreg $0xFFFFFFFF;
	(pc) =	sbr.abs _section_cstart, $3  }
0xc0: {  	[dreg:$0x1] =	wrdreg $0xFFFFFFFF  }
0xc1: {  	_ =	task.clear_ibuf [dreg:s6], $0x2FFFF;
	_ =	strace $0x9FFFFFFF  }
0xc2: {  	(tm) =	ssettm $0x7FFFFFFF  }
0xc3: {  	_ =	shalt  }
tec
execute0_lowered:
.L_overlay_start_1:
0x0: {  	(tag) =	ssettag $0x1  }
0x1: {  	s1 =	srdreg.scid  }
0x2: {  	s1 =	sand.u32 $0x1, s1  }
0x3: {  	p0 =	seq.s32 s1, $0x1  }
.Ltmp0:
0x4: {  	_ = 	snop;
	(pc) =	sbr.rel @p0 .LBB2_4-.Ltmp0, $4  }
0x5: {  	s4 =	rddreg [dreg:$0x0]  }
0x6: {  	s2 =	rddreg [dreg:$0x1];
	s7 =	simm.s32 $0x0  }
0x7: {  	[smem:$0x7FF] =	sst s7  }
0x8: {  	s0 =	rddreg [dreg:$0x2];
	_ =	strace $0x80000047;
	s1 =	stileid.u32  }
0x9: {  	s3 =	smul.u32 $0x4F000, s1;
	_ =	sdelay $0x1  }
0xa: {  	s3 =	sshrl.u32 s3, $0x2  }
0xb: {  	s25 =	sshll.u32 s1, $0x6;
	s5 =	sadd.s32 s3, s2  }
0xc: {  	s6 =	sadd.s32 $0xFA00, s4;
	s3 =	sor.u32 $0x1C01, s25;
	s5 =	sshrl.u32 s5, $0x3  }
0xd: {  	[spmem:s5], [sflag:s3] =	dma.local [hbm:s6], $0x2780  }
0xe: {  	s5 =	simm.s32 $0x1  }
0xf: {  	_ =	swait.ge [sflag:s5], $0x2780  }
0x10: {  	[sflag:s5] =	ssyncset.done $0x0  }
0x11: {  	s8 =	sadd.s32 $0xF200, s4;
	s6 =	simm.s32 $0x5000;
	[sflag:s5] =	ssyncadd.s32 $0xFFFFD880  }
0x12: {  	[tilespmem:s6], [sflag:$0x1] =	stream.linear.gather [hbm4b:s8+s7], $0x4000, $0x38;
	[tilespmem:$0x1CC00] =	vst v63  }
0x13: {  	s26 =	smul.u32 $0xA00, s1;
	_ =	swait.ge [sflag:s5], $0x4000  }
0x14: {  	s9 =	sadd.s32 $0x5200, s4;
	[sflag:s5] =	ssyncset.done $0x0  }
0x15: {  	s8 =	sadd.s32 s9, s26;
	[sflag:s5] =	ssyncadd.s32 $0xFFFFC000  }
0x16: {  	[tilespmem:s7], [sflag:$0x1] =	stream.linear.gather [hbm4b:s8+s7], $0x5000, $0x38;
	[tilespmem:$0x1CC00] =	vst v63  }
0x17: {  	s10 =	smul.u32 $0x4E000, s1;
	_ =	swait.ge [sflag:s5], $0x5000  }
0x18: {  	s28 =	smul.u32 $0x2700, s1;
	s31 =	simm.s32 $0x0;
	[sflag:s5] =	ssyncset.done $0x0  }
0x19: {  	s11 =	simm.s32 $0x200;
	s29 =	sshrl.u32 s10, $0x2;
	[sflag:s5] =	ssyncadd.s32 $0xFFFFB000  }
0x1a: {  	s30 =	sadd.s32 s28, s4;
	s10 =	simm.s32 $0x80;
	[bflag:$0x0] =	sbarrier.arrive $0xFFFF  }
0x1b: {  	[spmem:s2] =	stream.indirect.scatter.add.f32 [tilespmem:s6], [sflag:$0x1], $0x80, s31, s10, $0xb8;
	[tilespmem:$0x1CC00] =	vst v63  }
0x1c: {  	s4 =	sadd.s32 $0x39200, s4;
	s9 =	sadd.s32 $0x12200, s30;
	_ =	swait.ge [sflag:s5], $0x4000  }
0x1d: {  	s7 =	sadd.s32 s29, s2;
	s8 =	sadd.s32 $0x138000, s2;
	[sflag:s5] =	ssyncset.done $0x0  }
.LBB2_2:
0x1e: {  	s12 =	sshra.s32 s11, $0x2;
	[sflag:s5] =	ssyncadd.s32 $0xFFFFC000;
	p0 =	sne.s32 s11, $0x13E00  }
0x1f: {  	[spmem:s2] =	stream.indirect.scatter.add.f32 [tilespmem:s6], [sflag:$0x1], $0x80, s12, s10, $0xb8;
	[tilespmem:$0x1CC00] =	vst v63  }
.Ltmp1:
0x20: {  	_ = 	snop;
	(pc) =	sbr.rel @p0 .LBB2_2-.Ltmp1, $4  }
0x21: {  	_ = 	snop  }
0x22: {  	s11 =	sadd.s32 $0x200, s11  }
0x23: {  	_ =	swait.ge [sflag:s5], $0x4000  }
0x24: {  	[sflag:s5] =	ssyncset.done $0x0  }
0x25: {  	[sflag:s5] =	ssyncadd.s32 $0xFFFFC000  }
0x26: {  	s2 =	sshrl.u32 s7, $0x3;
	s31 =	simm.s32 $0x1;
	[bflag:$0x0] =	sbarrier.arrive $0xFFFF  }
0x27: {  	[hbm:s9], [sflag:s3] =	dma.local [spmem:s2], $0x2700  }
0x28: {  	_ =	swait.ge [sflag:s31], $0x2700  }
0x29: {  	p0 =	sne.s32 s1, $0xF;
	[sflag:s31] =	ssyncset.done $0x0  }
0x2a: {  	s2 =	sshrl.u32 @!p0 s8, $0x3;
	[sflag:s31] =	ssyncadd.s32 $0xFFFFD900  }
0x2b: {  	[hbm:s4], [sflag:s3] =	dma.local @!p0 [spmem:s2], $0x100  }
0x2c: {  	s2 =	simm.s32 @!p0 $0x1  }
0x2d: {  	_ =	swait.ge @!p0 [sflag:s2], $0x100  }
0x2e: {  	[sflag:s2] =	ssyncset.done @!p0 $0x0  }
0x2f: {  	[sflag:s2] =	ssyncadd.s32 @!p0 $0xFFFFFF00  }
.LBB2_4:
0x30: {  	_ =	sfence.sel $0x180000  }
0x31: {  	[bflag:$0x0] =	sbarrier.arrive $0xFFFF  }
0x32: {  	p0 =	sne.s32 s1, $0x0;
	_ =	strace $0x90000047  }
0x33: {  	s0 =	sadd.s32 @!p0 $0x100000, s0;
	[bflag:$0x2] =	sbarrier.arrive $0xFFFF  }
0x34: {  	[sflag:s0] =	ssyncadd.tile.s32 @!p0 $0x1;
	_ =	shalt  }
.Lfunc_end2:
_tile_overlayer_lowered:
.L_overlay_start_2:
0x35: {  	(tag) =	ssettag $0x2  }
0x36: {  	s0 =	rddreg [dreg:$0x0];
	s2 =	stileid.u32  }
0x37: {  	s1 =	rddreg [dreg:$0x1];
	p0 =	sne.s32 s2, $0x0  }
0x38: {  	s3 =	rddreg [dreg:$0x2];
	[bflag:$0x3] =	sbarrier.arrive $0xFFFF;
	s2 =	simm.s32 @!p0 $0x1C01  }
0x39: {  	[timem:s3], [sflag:s2] =	dma.local @!p0 [hbm:s0], s1  }
0x3a: {  	s0 =	simm.s32 @!p0 $0x1  }
0x3b: {  	_ =	swait.ge @!p0 [sflag:s0], s1  }
0x3c: {  	s1 =	ssub.s32 @!p0 $0x0, s1;
	[sflag:s0] =	ssyncset.done @!p0 $0x0  }
0x3d: {  	[sflag:s0] =	ssyncadd.s32 @!p0 s1  }
0x3e: {  	[bflag:$0x3] =	sbarrier.arrive $0xFFFF  }
0x3f: {  	_ =	shalt  }

// kernel: kernel.13.cloned.1.call-start
scs
__scs_entry_jumppad:
0x0: {  	(pc) =	sbr.rel $0x88, $3  }
0x1: {  	(tag) =	ssettag $0x0;
	lr =	simm.s32 $0x1  }
0x2: {  	[smem:$0x3F93] =	sst lr;
	_ =	strace $0xD0000000  }
0x3: {  	_ = 	snop  }
0x4: {  	_ = 	snop  }
0x5: {  	_ = 	snop  }
0x6: {  	_ = 	snop  }
0x7: {  	_ = 	snop  }
__scs_overlays_trampoline_lowered:
0x8: {  	[smem:$0x3FA2] =	sst s0  }
0x9: {  	[smem:$0x3FA3] =	sst s1  }
0xa: {  	[smem:$0x3FA4] =	sst s2  }
0xb: {  	[smem:$0x3FA5] =	sst s3  }
0xc: {  	[smem:$0x3FA6] =	sst s4  }
0xd: {  	[smem:$0x3FA7] =	sst s5  }
0xe: {  	[smem:$0x3FA8] =	sst s6  }
0xf: {  	[smem:$0x3FA9] =	sst s7  }
0x10: {  	[smem:$0x3FAA] =	sst s8  }
0x11: {  	[smem:$0x3FAB] =	sst s9;
	s0 =	simm.s32 @!p0 $0x0  }
0x12: {  	s1 =	sld [smem:$0x3F91];
	s0 =	simm.s32 @p0 $0x1  }
0x13: {  	[smem:$0x3FAC] =	sst s0;
	s0 =	simm.s32 @!p1 $0x0  }
0x14: {  	s2 =	sld [smem:$0x3F90];
	s0 =	simm.s32 @p1 $0x1  }
0x15: {  	[smem:$0x3FAD] =	sst s0;
	s0 =	simm.s32 @!p2 $0x0  }
0x16: {  	s3 =	sld [smem:$0x3FDB];
	s0 =	simm.s32 @p2 $0x1  }
0x17: {  	s4 =	simm.s32 $0x1BF5;
	[smem:$0x3FAF] =	sst s0  }
0x18: {  	s0 =	sld [smem:$0x3F92];
	_ =	swait.ge [sflag:s4], $0x0  }
0x19: {  	s7 =	sld [smem:$0x3F93]  }
0x1a: {  	s8 =	sadd.s32 $0xFFFFE003, lr  }
0x1b: {  	s9 =	sadd.s32 $0xFFFFFEF7, lr;
	s5 =	simm.s32 $0xFFFFFFFF;
	p2 =	slt.u32 s8, $0xFFFFF086  }
0x1c: {  	p1 =	slt.u32 s9, $0xF7A;
	s5 =	simm.s32 @!p2 $0x0  }
0x1d: {  	s5 =	simm.s32 @p1 $0x1;
	p0 =	seq.s32 s7, s2  }
0x1e: {  	s7 =	smul.u32 @!p0 $0xF7A, s2;
	p2 =	seq.s32 @!p0 s5, $0x0  }
0x1f: {  	s9 =	smul.u32 $0xF7A, s1;
	s8 =	simm.s32 @!p0 $0x1BF5;
	p2 =	por !p2, p0  }
0x20: {  	[sflag:s8] =	ssyncset.s32 @!p0 $0xFFFFF086;
	s6 =	sadd.s32 @!p0 s3, s7;
	s7 =	simm.s32 @!p0 $0x108  }
0x21: {  	s3 =	sadd.s32 s3, s9;
	s6 =	sadd.s32 @!p0 $0x88, s6;
	s7 =	simm.s32 @p2 $0x1082  }
0x22: {  	[simem:s7], [sflag:s8] =	dma.local @!p0 [hbm:s6], $0xF7A  }
0x23: {  	s9 =	sor.u32 $0xD0000000, s2;
	s6 =	simm.s32 $0x108;
	_ =	swait.ge @!p0 [sflag:s8], $0x0  }
0x24: {  	s3 =	sadd.s32 $0x88, s3;
	s6 =	simm.s32 @!p1 $0x1082;
	[sflag:s4] =	ssyncset.s32 $0xFFFFF086  }
0x25: {  	[simem:s6], [sflag:s4] =	dma.local [hbm:s3], $0xF7A  }
0x26: {  	[smem:$0x3F93] =	sst s1;
	(tag) =	ssettag s2;
	_ =	strace s9  }
0x27: {  	s1 =	sld [smem:$0x3FA3]  }
0x28: {  	s2 =	sld [smem:$0x3FA4]  }
0x29: {  	s4 =	sld [smem:$0x3FA6]  }
0x2a: {  	p0 =	seq.s32 s5, $0x0;
	s5 =	sld [smem:$0x3FA7]  }
0x2b: {  	s6 =	sld [smem:$0x3FA8]  }
0x2c: {  	s7 =	sld [smem:$0x3FA9]  }
0x2d: {  	s3 =	simm.s32 $0x108;
	s8 =	sld [smem:$0x3FAA]  }
0x2e: {  	s3 =	simm.s32 @!p0 $0x1082;
	s9 =	sld [smem:$0x3FAB]  }
0x2f: {  	lr =	sadd.s32 s0, s3;
	s0 =	sld [smem:$0x3FA2]  }
0x30: {  	s3 =	sld [smem:$0x3FA5]  }
0x31: {  	[smem:$0x3FAE] =	sst s10  }
0x32: {  	s10 =	sld [smem:$0x3FAC];
	_ =	sdelay $0x3  }
0x33: {  	p0 =	seq.s32 s10, $0x1;
	s10 =	sld [smem:$0x3FAE];
	_ =	sdelay $0x3  }
0x34: {  	[smem:$0x3FAE] =	sst s10  }
0x35: {  	s10 =	sld [smem:$0x3FAD];
	_ =	sdelay $0x3  }
0x36: {  	p1 =	seq.s32 s10, $0x1;
	s10 =	sld [smem:$0x3FAE];
	_ =	sdelay $0x3  }
0x37: {  	[smem:$0x3FAE] =	sst s10  }
0x38: {  	s10 =	sld [smem:$0x3FAF]  }
0x39: {  	_ = 	snop;
	(pc) =	sbr.ind lr, $3  }
0x3a: {  	_ = 	snop  }
0x3b: {  	_ = 	snop  }
0x3c: {  	p2 =	seq.s32 s10, $0x1;
	s10 =	sld [smem:$0x3FAE]  }
0x3d: {  	_ =	shalt  }
0x3e: {  	_ =	shalt  }
0x3f: {  	_ =	shalt  }
0x40: {  	_ =	shalt  }
0x41: {  	_ =	shalt  }
0x42: {  	_ =	shalt  }
0x43: {  	_ =	shalt  }
0x44: {  	_ =	shalt  }
0x45: {  	_ =	shalt  }
0x46: {  	_ =	shalt  }
0x47: {  	_ =	shalt  }
0x48: {  	_ =	shalt  }
0x49: {  	_ =	shalt  }
0x4a: {  	_ =	shalt  }
0x4b: {  	_ =	shalt  }
0x4c: {  	_ =	shalt  }
0x4d: {  	_ =	shalt  }
0x4e: {  	_ =	shalt  }
0x4f: {  	_ =	shalt  }
0x50: {  	_ =	shalt  }
0x51: {  	_ =	shalt  }
0x52: {  	_ =	shalt  }
0x53: {  	_ =	shalt  }
0x54: {  	_ =	shalt  }
0x55: {  	_ =	shalt  }
0x56: {  	_ =	shalt  }
0x57: {  	_ =	shalt  }
0x58: {  	_ =	shalt  }
0x59: {  	_ =	shalt  }
0x5a: {  	_ =	shalt  }
0x5b: {  	_ =	shalt  }
0x5c: {  	_ =	shalt  }
0x5d: {  	_ =	shalt  }
0x5e: {  	_ =	shalt  }
0x5f: {  	_ =	shalt  }
0x60: {  	_ =	shalt  }
0x61: {  	_ =	shalt  }
0x62: {  	_ =	shalt  }
0x63: {  	_ =	shalt  }
0x64: {  	_ =	shalt  }
0x65: {  	_ =	shalt  }
0x66: {  	_ =	shalt  }
0x67: {  	_ =	shalt  }
0x68: {  	_ =	shalt  }
0x69: {  	_ =	shalt  }
0x6a: {  	_ =	shalt  }
0x6b: {  	_ =	shalt  }
0x6c: {  	_ =	shalt  }
0x6d: {  	_ =	shalt  }
0x6e: {  	_ =	shalt  }
0x6f: {  	_ =	shalt  }
0x70: {  	_ =	shalt  }
0x71: {  	_ =	shalt  }
0x72: {  	_ =	shalt  }
0x73: {  	_ =	shalt  }
0x74: {  	_ =	shalt  }
0x75: {  	_ =	shalt  }
0x76: {  	_ =	shalt  }
0x77: {  	_ =	shalt  }
0x78: {  	_ =	shalt  }
0x79: {  	_ =	shalt  }
0x7a: {  	_ =	shalt  }
0x7b: {  	_ =	shalt  }
0x7c: {  	_ =	shalt  }
0x7d: {  	_ =	shalt  }
0x7e: {  	_ =	shalt  }
0x7f: {  	_ =	shalt  }
0x80: {  	_ =	shalt  }
0x81: {  	_ =	shalt  }
0x82: {  	_ =	shalt  }
0x83: {  	_ =	shalt  }
0x84: {  	_ =	shalt  }
0x85: {  	_ =	shalt  }
0x86: {  	_ =	shalt  }
0x87: {  	_ =	shalt  }
.Lfunc_end0:
.L_simem_size_0:
called_computation.1_lowered:
.L_overlay_start_0:
0x88: {  	s2 =	sld [smem:$0x3FD9]  }
0x89: {  	s3 =	sld [smem:$0x3FFE];
	_ =	sdelay $0x1  }
0x8a: {  	s1 =	srdreg.scid  }
0x8b: {  	s0 =	sand.u32 $0x1, s1  }
0x8c: {  	s16 =	sshll.u32 s0, $0xA;
	s2 =	sadd.s32 s3, s2  }
0x8d: {  	s2 =	sadd.s32 s2, s16  }
0x8e: {  	[smem:$0x3FBA] =	sst s2  }
0x8f: {  	_ = 	snop  }
0x90: {  	(tm) =	ssettm $0x1  }
0x91: {  	s17 =	sld [smem:$0x3FFB];
	_ =	sdelay $0x3  }
0x92: {  	_ =	strace s17  }
0x93: {  	s2 =	sld [smem:$0x3FFC];
	_ =	sdelay $0x3  }
0x94: {  	_ =	strace s2  }
0x95: {  	s2 =	sld [smem:$0x3FFD];
	_ =	sdelay $0x3  }
0x96: {  	_ =	strace s2  }
0x97: {  	_ =	strace $0x8FFFFFFF  }
0x98: {  	s18 =	sld [smem:$0x3FDB];
	_ =	sdelay $0x1  }
0x99: {  	s19 =	simm.s32 $_scs_section_size  }
0x9a: {  	s4 =	simm.s32 $_size__tile_overlayer_lowered;
	s5 =	simm.s32 $_tile_overlayer_lowered  }
0x9b: {  	s22 =	simm.s32 $0x1BFF;
	s21 =	sshll.u32 s5, $0x1;
	s2 =	sadd.s32 s19, s18  }
0x9c: {  	s6 =	simm.s32 $0x0;
	s20 =	sshll.u32 s4, $0x1;
	s4 =	sadd.s32 s21, s2  }
0x9d: {  	[timem:s6], [sflag:s22] =	dma.local [hbm:s4], s20  }
0x9e: {  	_ =	swait.ge [sflag:s22], s20  }
0x9f: {  	s3 =	ssub.s32 $0x0, s20;
	[sflag:s22] =	ssyncset.done $0x0  }
0xa0: {  	[sflag:s22] =	ssyncadd.s32 s3;
	_ =	sdelay $0x1  }
0xa1: {  	s23 =	simm.s32 $0x1B8B  }
0xa2: {  	_ =	swait.ge [sflag:s23], $0x1  }
0xa3: {  	[sflag:s23] =	ssyncset.done $0x0  }
0xa4: {  	s25 =	simm.s32 $0x1B8E;
	s24 =	sld [smem:$0x3FFE];
	[sflag:s23] =	ssyncadd.s32 $0xFFFFFFFF  }
0xa5: {  	s26 =	simm.s32 $execute0_lowered;
	[smem:$0x3FD2] =	sst s25  }
0xa6: {  	s4 =	sshll.u32 s26, $0x1;
	_ =	strace $0x80000049;
	[dreg:$0x1] =	wrdreg $0xFFFFFFFF  }
0xa7: {  	s28 =	simm.s32 $_size_execute0_lowered;
	s2 =	sadd.s32 s2, s4;
	[dreg:$0x0] =	wrdreg $0x0  }
0xa8: {  	s4 =	sshll.u32 s28, $0x1;
	[dreg:$0x2] =	wrdreg s2  }
0xa9: {  	[dreg:$0x3] =	wrdreg s4  }
0xaa: {  	[dreg:$0x4] =	wrdreg $0xC0  }
0xab: {  	_ =	task [dreg:s6], $0x5FFFF  }
0xac: {  	[dreg:$0x1] =	wrdreg $0xFFFFFFFF  }
0xad: {  	[dreg:$0x0] =	wrdreg $0x60  }
0xae: {  	[dreg:$0x2] =	wrdreg s24  }
0xaf: {  	[dreg:$0x3] =	wrdreg $0xA8000  }
0xb0: {  	[dreg:$0x4] =	wrdreg $0x9  }
0xb1: {  	_ =	task.clear_ibuf [dreg:s6], $0x5FFFF;
	_ =	strace $0x90000049  }
0xb2: {  	s29 =	simm.s32 $0x9;
	_ =	strace $0x8000004B  }
0xb3: {  	_ =	swait.ge [sflag:s29], $0x1  }
0xb4: {  	[sflag:s29] =	ssyncadd.s32 $0xFFFFFFFF  }
0xb5: {  	_ =	strace $0x9000004B  }
0xb6: {  	_ =	sfence  }
0xb7: {  	s30 =	sld [smem:$0x0];
	_ =	sdelay $0x2  }
0xb8: {  	s31 =	sshll.u32 s1, $0xD;
	s1 =	sshrl.u32 s1, $0x2  }
0xb9: {  	s3 =	sand.u32 $0x4000, s31;
	s1 =	sadd.s32 s1, s30  }
0xba: {  	s0 =	sor.u32 s3, s0;
	s1 =	sshll.u32 s1, $0x11  }
0xbb: {  	s0 =	sor.u32 s1, s0  }
0xbc: {  	s0 =	sadd.s32 $0x8F2B, s0  }
0xbd: {  	[sflag:s0] =	ssyncadd.remote.s32 $0x1  }
0xbe: {  	_ =	sfence.sel $0xFFFF  }
0xbf: {  	[dreg:$0x0] =	wrdreg $0xFFFFFFFF;
	(pc) =	sbr.abs _section_cstart, $3  }
0xc0: {  	[dreg:$0x1] =	wrdreg $0xFFFFFFFF  }
0xc1: {  	_ =	task.clear_ibuf [dreg:s6], $0x2FFFF;
	_ =	strace $0x9FFFFFFF  }
0xc2: {  	(tm) =	ssettm $0x7FFFFFFF  }
0xc3: {  	_ =	shalt  }
tec
execute0_lowered:
.L_overlay_start_1:
0x0: {  	(tag) =	ssettag $0x1  }
0x1: {  	s10 =	rddreg [dreg:$0x0]  }
0x2: {  	s1 =	rddreg [dreg:$0x1]  }
0x3: {  	s2 =	simm.s32 $0x0;
	s4 =	srdreg.scid;
	s18 =	simm.s32 $0x3  }
0x4: {  	s19 =	simm.s32 $0x1400;
	s20 =	simm.s32 $0x80;
	s21 =	simm.s32 $0x2800  }
0x5: {  	s22 =	simm.s32 $0x6800;
	s23 =	simm.s32 $0x1;
	s24 =	simm.s32 $0x2  }
0x6: {  	s28 =	simm.s32 $0x2780;
	[smem:$0x7FF] =	sst s2;
	s3 =	sadd.s32 $0x39400, s10  }
0x7: {  	s5 =	sadd.s32 $0x5200, s10;
	s6 =	sadd.s32 $0x43400, s10;
	s12 =	sand.u32 $0x1, s4  }
0x8: {  	s7 =	sadd.s32 $0x6A600, s10;
	s4 =	stileid.u32;
	s8 =	sadd.s32 $0xFA00, s10  }
0x9: {  	s9 =	sadd.s32 $0x91800, s10;
	s10 =	sadd.s32 $0xB8A00, s10;
	s14 =	smul.u32 $0x4F000, s4  }
0xa: {  	s25 =	sadd.s32 $0x138000, s1;
	_ =	strace $0x8000004A;
	s30 =	smul.u32 $0x4E000, s4  }
0xb: {  	s11 =	ssub.s32 $0x2, s12;
	s29 =	sshll.u32 s4, $0x6;
	s15 =	smul.u32 $0x2700, s4  }
0xc: {  	p0 =	seq.s32 s12, $0x1;
	s12 =	smul.u32 $0x5000, s4;
	p1 =	sne.s32 s4, $0xF  }
.Ltmp0:
0xd: {  	s25 =	sshrl.u32 s25, $0x3;
	s13 =	sshrl.u32 s11, $0x1;
	(pc) =	sbr.rel .LBB2_1-.Ltmp0, $4  }
0xe: {  	p2 =	seq.s32 s4, $0xF;
	s16 =	ssub.s32 s11, s13;
	s26 =	sshrl.u32 s14, $0x2  }
0xf: {  	s11 =	sor.u32 $0x1C03, s29;
	s31 =	sshrl.u32 s30, $0x2;
	s14 =	sadd.s32 s9, s15  }
0x10: {  	s15 =	sadd.s32 s10, s15;
	s17 =	sadd.s32 s26, s1;
	s13 =	sadd.s32 s31, s1  }
0x11: {  	s16 =	smax.u32 s16, $0x1;
	s26 =	simm.s32 $0x2700;
	s17 =	sshrl.u32 s17, $0x3  }
.LBB2_10:
0x12: {  	s0 =	sadd.s32 $0x27000, s29  }
0x13: {  	[hbm:s0], [sflag:s11] =	dma.local [spmem:s25], $0x100  }
0x14: {  	_ =	swait.ge [sflag:s18], $0x100  }
0x15: {  	[sflag:s18] =	ssyncset.done $0x0  }
0x16: {  	[sflag:s18] =	ssyncadd.s32 $0xFFFFFF00  }
.LBB2_11:
0x17: {  	s2 =	sadd.s32 $0x1, s2  }
0x18: {  	p3 =	sne.s32 s2, s16  }
.Ltmp1:
0x19: {  	_ = 	snop;
	(pc) =	sbr.rel @!p3 .LBB2_12-.Ltmp1, $1  }
0x1a: {  	_ =	sdelay $0x3  }
.LBB2_1:
0x1b: {  	[spmem:s17], [sflag:s11] =	dma.local [hbm:s8], $0x2780  }
.Ltmp2:
0x1c: {  	_ =	swait.ge [sflag:s18], $0x2780;
	(pc) =	sbr.rel @!p0 .LBB2_2-.Ltmp2, $4  }
0x1d: {  	[sflag:s18] =	ssyncset.done $0x0  }
0x1e: {  	[sflag:s18] =	ssyncadd.s32 $0xFFFFD880  }
0x1f: {  	[bflag:$0x0] =	sbarrier.arrive $0xFFFF  }
0x20: {  	s29 =	simm.s32 $0x0;
	s30 =	simm.s32 $0x0  }
.LBB2_6:
0x21: {  	s0 =	smul.u32 $0x1400, s30;
	_ =	sdelay $0x1  }
0x22: {  	s0 =	sadd.s32 s12, s0  }
0x23: {  	s0 =	sshrl.u32 s0, $0x3  }
0x24: {  	s31 =	simm.s32 $0x0;
	s29 =	sadd.s32 s3, s0  }
0x25: {  	[tilespmem:s31], [sflag:$0x3] =	stream.linear.gather [hbm4b:s29+s31], $0x1400, $0x38;
	[tilespmem:$0x1E400] =	vst v63  }
0x26: {  	_ =	swait.ge [sflag:s18], $0x1400  }
0x27: {  	[sflag:s18] =	ssyncset.done $0x0  }
0x28: {  	s0 =	sadd.s32 s5, s0;
	[sflag:s18] =	ssyncadd.s32 $0xFFFFEC00  }
0x29: {  	[tilespmem:s19], [sflag:$0x3] =	stream.linear.gather [hbm4b:s0+s31], $0x1400, $0x38;
	[tilespmem:$0x1E400] =	vst v63  }
0x2a: {  	_ =	swait.ge [sflag:s18], $0x1400  }
0x2b: {  	[sflag:s18] =	ssyncset.done $0x0  }
0x2c: {  	[sflag:s18] =	ssyncadd.s32 $0xFFFFEC00  }
0x2d: {  	[tilespmem:s21], [sflag:$0x1] =	stream.indirect.gather [hbm4b:s7+s20], $0x80, s31, s20, $0xb8;
	[tilespmem:$0x1E400] =	vst v63  }
0x2e: {  	_ = 	snop  }
0x2f: {  	[tilespmem:s22], [sflag:$0x2] =	stream.indirect.gather [hbm4b:s7+s20], $0x80, s20, s20, $0xb8;
	[tilespmem:$0x1E400] =	vst v63  }
0x30: {  	_ =	swait.ge [sflag:s23], $0x4000  }
0x31: {  	[sflag:s23] =	ssyncset.done $0x0  }
0x32: {  	s0 =	simm.s32 $0x1400;
	[sflag:s23] =	ssyncadd.s32 $0xFFFFC000  }
0x33: {  	[spmem:s1] =	stream.indirect.scatter.add.f32 [tilespmem:s21], [sflag:$0x3], $0x80, s0, s20, $0xb8;
	[tilespmem:$0x1E400] =	vst v63  }
0x34: {  	_ =	swait.ge [sflag:s18], $0x4000  }
0x35: {  	[sflag:s18] =	ssyncset.done $0x0  }
0x36: {  	s0 =	simm.s32 $0x100;
	[sflag:s18] =	ssyncadd.s32 $0xFFFFC000  }
0x37: {  	[tilespmem:s21], [sflag:$0x1] =	stream.indirect.gather [hbm4b:s7+s20], $0x80, s0, s20, $0xb8;
	[tilespmem:$0x1E400] =	vst v63  }
0x38: {  	_ =	swait.ge [sflag:s24], $0x4000  }
0x39: {  	[sflag:s24] =	ssyncset.done $0x0  }
0x3a: {  	s0 =	simm.s32 $0x1480;
	[sflag:s24] =	ssyncadd.s32 $0xFFFFC000  }
0x3b: {  	[spmem:s1] =	stream.indirect.scatter.add.f32 [tilespmem:s22], [sflag:$0x3], $0x80, s0, s20, $0xb8;
	[tilespmem:$0x1E400] =	vst v63  }
0x3c: {  	_ =	swait.ge [sflag:s18], $0x4000  }
0x3d: {  	[sflag:s18] =	ssyncset.done $0x0  }
0x3e: {  	s29 =	simm.s32 $0x400;
	s31 =	simm.s32 $0x180;
	[sflag:s18] =	ssyncadd.s32 $0xFFFFC000  }
.LBB2_7:
0x3f: {  	[tilespmem:s22], [sflag:$0x2] =	stream.indirect.gather [hbm4b:s7+s20], $0x80, s31, s20, $0xb8;
	[tilespmem:$0x1E400] =	vst v63  }
0x40: {  	s0 =	smov.u32 s29  }
0x41: {  	p3 =	sne.s32 s29, $0x4800;
	s29 =	sadd.s32 $0x400, s29;
	_ =	swait.ge [sflag:s23], $0x4000  }
0x42: {  	s0 =	sshra.s32 s0, $0x2;
	[sflag:s23] =	ssyncset.done $0x0  }
0x43: {  	s31 =	sadd.s32 $0x1400, s0;
	[sflag:s23] =	ssyncadd.s32 $0xFFFFC000  }
0x44: {  	[spmem:s1] =	stream.indirect.scatter.add.f32 [tilespmem:s21], [sflag:$0x3], $0x80, s31, s20, $0xb8;
	[tilespmem:$0x1E400] =	vst v63  }
0x45: {  	_ =	swait.ge [sflag:s18], $0x4000  }
0x46: {  	[sflag:s18] =	ssyncset.done $0x0  }
0x47: {  	s31 =	sadd.s32 $0x100, s0;
	[sflag:s18] =	ssyncadd.s32 $0xFFFFC000  }
0x48: {  	[tilespmem:s21], [sflag:$0x1] =	stream.indirect.gather [hbm4b:s7+s20], $0x80, s31, s20, $0xb8;
	[tilespmem:$0x1E400] =	vst v63  }
0x49: {  	_ =	swait.ge [sflag:s24], $0x4000  }
0x4a: {  	[sflag:s24] =	ssyncset.done $0x0  }
.Ltmp3:
0x4b: {  	s31 =	sadd.s32 $0x1480, s0;
	[sflag:s24] =	ssyncadd.s32 $0xFFFFC000;
	(pc) =	sbr.rel @p3 .LBB2_7-.Ltmp3, $4  }
0x4c: {  	[spmem:s1] =	stream.indirect.scatter.add.f32 [tilespmem:s22], [sflag:$0x3], $0x80, s31, s20, $0xb8;
	[tilespmem:$0x1E400] =	vst v63  }
0x4d: {  	_ =	swait.ge [sflag:s18], $0x4000  }
0x4e: {  	[sflag:s18] =	ssyncset.done $0x0  }
0x4f: {  	s31 =	sadd.s32 $0x180, s0;
	[sflag:s18] =	ssyncadd.s32 $0xFFFFC000  }
0x50: {  	[tilespmem:s22], [sflag:$0x2] =	stream.indirect.gather [hbm4b:s7+s20], $0x80, s31, s20, $0xb8;
	[tilespmem:$0x1E400] =	vst v63  }
0x51: {  	_ =	swait.ge [sflag:s23], $0x4000  }
0x52: {  	[sflag:s23] =	ssyncset.done $0x0  }
0x53: {  	[sflag:s23] =	ssyncadd.s32 $0xFFFFC000  }
0x54: {  	[spmem:s1] =	stream.indirect.scatter.add.f32 [tilespmem:s21], [sflag:$0x3], $0x80, s26, s20, $0xb8;
	[tilespmem:$0x1E400] =	vst v63  }
0x55: {  	_ =	swait.ge [sflag:s18], $0x4000  }
0x56: {  	[sflag:s18] =	ssyncset.done $0x0  }
0x57: {  	[sflag:s18] =	ssyncadd.s32 $0xFFFFC000  }
0x58: {  	s30 =	sadd.s32 $0x1, s30;
	_ =	swait.ge [sflag:s24], $0x4000  }
0x59: {  	p3 =	sne.s32 s30, $0x4;
	[sflag:s24] =	ssyncset.done $0x0  }
.Ltmp4:
0x5a: {  	[sflag:s24] =	ssyncadd.s32 $0xFFFFC000;
	(pc) =	sbr.rel @p3 .LBB2_6-.Ltmp4, $4  }
0x5b: {  	[spmem:s1] =	stream.indirect.scatter.add.f32 [tilespmem:s22], [sflag:$0x3], $0x80, s28, s20, $0xb8;
	[tilespmem:$0x1E400] =	vst v63  }
0x5c: {  	_ =	swait.ge [sflag:s18], $0x4000  }
0x5d: {  	[sflag:s18] =	ssyncset.done $0x0  }
0x5e: {  	[sflag:s18] =	ssyncadd.s32 $0xFFFFC000  }
0x5f: {  	[bflag:$0x0] =	sbarrier.arrive $0xFFFF;
	s0 =	sshrl.u32 s13, $0x3  }
0x60: {  	[hbm:s15], [sflag:s11] =	dma.local [spmem:s0], $0x2700  }
.Ltmp5:
0x61: {  	_ = 	snop;
	(pc) =	sbr.rel @p1 .LBB2_11-.Ltmp5, $4  }
.Ltmp6:
0x62: {  	_ = 	snop;
	(pc) =	sbr.rel @!p1 .LBB2_10-.Ltmp6, $4  }
0x63: {  	_ =	swait.ge [sflag:s18], $0x2700  }
0x64: {  	[sflag:s18] =	ssyncset.done $0x0  }
0x65: {  	s29 =	smov.u32 s10;
	[sflag:s18] =	ssyncadd.s32 $0xFFFFD900  }
0x66: {  	_ = 	snop  }
.LBB2_2:
0x67: {  	s30 =	smul.u32 $0x1400, s29;
	_ =	sdelay $0x1  }
0x68: {  	s30 =	sadd.s32 s12, s30  }
0x69: {  	s30 =	sshrl.u32 s30, $0x3  }
0x6a: {  	s0 =	simm.s32 $0x0;
	s31 =	sadd.s32 s3, s30  }
0x6b: {  	[tilespmem:s0], [sflag:$0x3] =	stream.linear.gather [hbm4b:s31+s0], $0x1400, $0x38;
	[tilespmem:$0x1E400] =	vst v63  }
0x6c: {  	_ =	swait.ge [sflag:s18], $0x1400  }
0x6d: {  	[sflag:s18] =	ssyncset.done $0x0  }
0x6e: {  	s30 =	sadd.s32 s5, s30;
	[sflag:s18] =	ssyncadd.s32 $0xFFFFEC00  }
0x6f: {  	[tilespmem:s19], [sflag:$0x3] =	stream.linear.gather [hbm4b:s30+s0], $0x1400, $0x38;
	[tilespmem:$0x1E400] =	vst v63  }
0x70: {  	_ =	swait.ge [sflag:s18], $0x1400  }
0x71: {  	[sflag:s18] =	ssyncset.done $0x0  }
0x72: {  	[sflag:s18] =	ssyncadd.s32 $0xFFFFEC00  }
0x73: {  	[tilespmem:s21], [sflag:$0x1] =	stream.indirect.gather [hbm4b:s6+s20], $0x80, s0, s20, $0xb8;
	[tilespmem:$0x1E400] =	vst v63  }
0x74: {  	_ = 	snop  }
0x75: {  	[tilespmem:s22], [sflag:$0x2] =	stream.indirect.gather [hbm4b:s6+s20], $0x80, s20, s20, $0xb8;
	[tilespmem:$0x1E400] =	vst v63  }
0x76: {  	_ =	swait.ge [sflag:s23], $0x4000  }
0x77: {  	[sflag:s23] =	ssyncset.done $0x0  }
0x78: {  	s0 =	simm.s32 $0x1400;
	[sflag:s23] =	ssyncadd.s32 $0xFFFFC000  }
0x79: {  	[spmem:s1] =	stream.indirect.scatter.add.f32 [tilespmem:s21], [sflag:$0x3], $0x80, s0, s20, $0xb8;
	[tilespmem:$0x1E400] =	vst v63  }
0x7a: {  	_ =	swait.ge [sflag:s18], $0x4000  }
0x7b: {  	[sflag:s18] =	ssyncset.done $0x0  }
0x7c: {  	s0 =	simm.s32 $0x100;
	[sflag:s18] =	ssyncadd.s32 $0xFFFFC000  }
0x7d: {  	[tilespmem:s21], [sflag:$0x1] =	stream.indirect.gather [hbm4b:s6+s20], $0x80, s0, s20, $0xb8;
	[tilespmem:$0x1E400] =	vst v63  }
0x7e: {  	_ =	swait.ge [sflag:s24], $0x4000  }
0x7f: {  	[sflag:s24] =	ssyncset.done $0x0  }
0x80: {  	s0 =	simm.s32 $0x1480;
	[sflag:s24] =	ssyncadd.s32 $0xFFFFC000  }
0x81: {  	[spmem:s1] =	stream.indirect.scatter.add.f32 [tilespmem:s22], [sflag:$0x3], $0x80, s0, s20, $0xb8;
	[tilespmem:$0x1E400] =	vst v63  }
0x82: {  	_ =	swait.ge [sflag:s18], $0x4000  }
0x83: {  	[sflag:s18] =	ssyncset.done $0x0  }
0x84: {  	s31 =	simm.s32 $0x180;
	s30 =	simm.s32 $0x400;
	[sflag:s18] =	ssyncadd.s32 $0xFFFFC000  }
.LBB2_3:
0x85: {  	[tilespmem:s22], [sflag:$0x2] =	stream.indirect.gather [hbm4b:s6+s20], $0x80, s31, s20, $0xb8;
	[tilespmem:$0x1E400] =	vst v63  }
0x86: {  	s0 =	smov.u32 s30  }
0x87: {  	p3 =	sne.s32 s30, $0x4800;
	s30 =	sadd.s32 $0x400, s30;
	_ =	swait.ge [sflag:s23], $0x4000  }
0x88: {  	s0 =	sshra.s32 s0, $0x2;
	[sflag:s23] =	ssyncset.done $0x0  }
0x89: {  	s31 =	sadd.s32 $0x1400, s0;
	[sflag:s23] =	ssyncadd.s32 $0xFFFFC000  }
0x8a: {  	[spmem:s1] =	stream.indirect.scatter.add.f32 [tilespmem:s21], [sflag:$0x3], $0x80, s31, s20, $0xb8;
	[tilespmem:$0x1E400] =	vst v63  }
0x8b: {  	_ =	swait.ge [sflag:s18], $0x4000  }
0x8c: {  	[sflag:s18] =	ssyncset.done $0x0  }
0x8d: {  	s31 =	sadd.s32 $0x100, s0;
	[sflag:s18] =	ssyncadd.s32 $0xFFFFC000  }
0x8e: {  	[tilespmem:s21], [sflag:$0x1] =	stream.indirect.gather [hbm4b:s6+s20], $0x80, s31, s20, $0xb8;
	[tilespmem:$0x1E400] =	vst v63  }
0x8f: {  	_ =	swait.ge [sflag:s24], $0x4000  }
0x90: {  	[sflag:s24] =	ssyncset.done $0x0  }
.Ltmp7:
0x91: {  	s31 =	sadd.s32 $0x1480, s0;
	[sflag:s24] =	ssyncadd.s32 $0xFFFFC000;
	(pc) =	sbr.rel @p3 .LBB2_3-.Ltmp7, $4  }
0x92: {  	[spmem:s1] =	stream.indirect.scatter.add.f32 [tilespmem:s22], [sflag:$0x3], $0x80, s31, s20, $0xb8;
	[tilespmem:$0x1E400] =	vst v63  }
0x93: {  	_ =	swait.ge [sflag:s18], $0x4000  }
0x94: {  	[sflag:s18] =	ssyncset.done $0x0  }
0x95: {  	s31 =	sadd.s32 $0x180, s0;
	[sflag:s18] =	ssyncadd.s32 $0xFFFFC000  }
0x96: {  	[tilespmem:s22], [sflag:$0x2] =	stream.indirect.gather [hbm4b:s6+s20], $0x80, s31, s20, $0xb8;
	[tilespmem:$0x1E400] =	vst v63  }
0x97: {  	_ =	swait.ge [sflag:s23], $0x4000  }
0x98: {  	[sflag:s23] =	ssyncset.done $0x0  }
0x99: {  	[sflag:s23] =	ssyncadd.s32 $0xFFFFC000  }
0x9a: {  	[spmem:s1] =	stream.indirect.scatter.add.f32 [tilespmem:s21], [sflag:$0x3], $0x80, s26, s20, $0xb8;
	[tilespmem:$0x1E400] =	vst v63  }
0x9b: {  	_ =	swait.ge [sflag:s18], $0x4000  }
0x9c: {  	[sflag:s18] =	ssyncset.done $0x0  }
0x9d: {  	[sflag:s18] =	ssyncadd.s32 $0xFFFFC000  }
0x9e: {  	s29 =	sadd.s32 $0x1, s29;
	_ =	swait.ge [sflag:s24], $0x4000  }
0x9f: {  	p3 =	sne.s32 s29, $0x4;
	[sflag:s24] =	ssyncset.done $0x0  }
.Ltmp8:
0xa0: {  	[sflag:s24] =	ssyncadd.s32 $0xFFFFC000;
	(pc) =	sbr.rel @p3 .LBB2_2-.Ltmp8, $4  }
0xa1: {  	[spmem:s1] =	stream.indirect.scatter.add.f32 [tilespmem:s22], [sflag:$0x3], $0x80, s28, s20, $0xb8;
	[tilespmem:$0x1E400] =	vst v63  }
0xa2: {  	_ =	swait.ge [sflag:s18], $0x4000  }
0xa3: {  	[sflag:s18] =	ssyncset.done $0x0  }
0xa4: {  	[sflag:s18] =	ssyncadd.s32 $0xFFFFC000  }
0xa5: {  	[bflag:$0x0] =	sbarrier.arrive $0xFFFF;
	s0 =	sshrl.u32 s13, $0x3  }
0xa6: {  	[hbm:s14], [sflag:s11] =	dma.local [spmem:s0], $0x2700  }
.Ltmp9:
0xa7: {  	_ = 	snop;
	(pc) =	sbr.rel @p2 .LBB2_10-.Ltmp9, $4  }
.Ltmp10:
0xa8: {  	_ = 	snop;
	(pc) =	sbr.rel @!p2 .LBB2_11-.Ltmp10, $4  }
0xa9: {  	_ =	swait.ge [sflag:s18], $0x2700  }
0xaa: {  	[sflag:s18] =	ssyncset.done $0x0  }
0xab: {  	s29 =	smov.u32 s9;
	[sflag:s18] =	ssyncadd.s32 $0xFFFFD900  }
0xac: {  	_ = 	snop  }
.LBB2_12:
0xad: {  	_ =	sfence.sel $0x180000  }
0xae: {  	[bflag:$0x0] =	sbarrier.arrive $0xFFFF  }
0xaf: {  	_ =	strace $0x9000004A  }
0xb0: {  	[bflag:$0x2] =	sbarrier.arrive $0xFFFF  }
0xb1: {  	p0 =	sne.s32 s4, $0x0;
	s0 =	rddreg [dreg:$0x2]  }
0xb2: {  	s0 =	sadd.s32 @!p0 $0x100000, s0  }
0xb3: {  	[sflag:s0] =	ssyncadd.tile.s32 @!p0 $0x1;
	_ =	shalt  }
.Lfunc_end2:
_tile_overlayer_lowered:
.L_overlay_start_2:
0xb4: {  	(tag) =	ssettag $0x2  }
0xb5: {  	s0 =	rddreg [dreg:$0x0];
	s2 =	stileid.u32  }
0xb6: {  	s1 =	rddreg [dreg:$0x1];
	p0 =	sne.s32 s2, $0x0  }
0xb7: {  	s3 =	rddreg [dreg:$0x2];
	[bflag:$0x3] =	sbarrier.arrive $0xFFFF;
	s2 =	simm.s32 @!p0 $0x1C03  }
0xb8: {  	[timem:s3], [sflag:s2] =	dma.local @!p0 [hbm:s0], s1  }
0xb9: {  	s0 =	simm.s32 @!p0 $0x3  }
0xba: {  	_ =	swait.ge @!p0 [sflag:s0], s1  }
0xbb: {  	s1 =	ssub.s32 @!p0 $0x0, s1;
	[sflag:s0] =	ssyncset.done @!p0 $0x0  }
0xbc: {  	[sflag:s0] =	ssyncadd.s32 @!p0 s1  }
0xbd: {  	[bflag:$0x3] =	sbarrier.arrive $0xFFFF  }
0xbe: {  	_ =	shalt  }

// kernel: kernel.16.cloned.1.call-start
scs
__scs_entry_jumppad:
0x0: {  	(pc) =	sbr.rel $0x88, $3  }
0x1: {  	(tag) =	ssettag $0x0;
	lr =	simm.s32 $0x1  }
0x2: {  	[smem:$0x3F93] =	sst lr;
	_ =	strace $0xD0000000  }
0x3: {  	_ = 	snop  }
0x4: {  	_ = 	snop  }
0x5: {  	_ = 	snop  }
0x6: {  	_ = 	snop  }
0x7: {  	_ = 	snop  }
__scs_overlays_trampoline_lowered:
0x8: {  	[smem:$0x3FA2] =	sst s0  }
0x9: {  	[smem:$0x3FA3] =	sst s1  }
0xa: {  	[smem:$0x3FA4] =	sst s2  }
0xb: {  	[smem:$0x3FA5] =	sst s3  }
0xc: {  	[smem:$0x3FA6] =	sst s4  }
0xd: {  	[smem:$0x3FA7] =	sst s5  }
0xe: {  	[smem:$0x3FA8] =	sst s6  }
0xf: {  	[smem:$0x3FA9] =	sst s7  }
0x10: {  	[smem:$0x3FAA] =	sst s8  }
0x11: {  	[smem:$0x3FAB] =	sst s9;
	s0 =	simm.s32 @!p0 $0x0  }
0x12: {  	s1 =	sld [smem:$0x3F91];
	s0 =	simm.s32 @p0 $0x1  }
0x13: {  	[smem:$0x3FAC] =	sst s0;
	s0 =	simm.s32 @!p1 $0x0  }
0x14: {  	s2 =	sld [smem:$0x3F90];
	s0 =	simm.s32 @p1 $0x1  }
0x15: {  	[smem:$0x3FAD] =	sst s0;
	s0 =	simm.s32 @!p2 $0x0  }
0x16: {  	s3 =	sld [smem:$0x3FDB];
	s0 =	simm.s32 @p2 $0x1  }
0x17: {  	s4 =	simm.s32 $0x1BF5;
	[smem:$0x3FAF] =	sst s0  }
0x18: {  	s0 =	sld [smem:$0x3F92];
	_ =	swait.ge [sflag:s4], $0x0  }
0x19: {  	s7 =	sld [smem:$0x3F93]  }
0x1a: {  	s8 =	sadd.s32 $0xFFFFE003, lr  }
0x1b: {  	s9 =	sadd.s32 $0xFFFFFEF7, lr;
	s5 =	simm.s32 $0xFFFFFFFF;
	p2 =	slt.u32 s8, $0xFFFFF086  }
0x1c: {  	p1 =	slt.u32 s9, $0xF7A;
	s5 =	simm.s32 @!p2 $0x0  }
0x1d: {  	s5 =	simm.s32 @p1 $0x1;
	p0 =	seq.s32 s7, s2  }
0x1e: {  	s7 =	smul.u32 @!p0 $0xF7A, s2;
	p2 =	seq.s32 @!p0 s5, $0x0  }
0x1f: {  	s9 =	smul.u32 $0xF7A, s1;
	s8 =	simm.s32 @!p0 $0x1BF5;
	p2 =	por !p2, p0  }
0x20: {  	[sflag:s8] =	ssyncset.s32 @!p0 $0xFFFFF086;
	s6 =	sadd.s32 @!p0 s3, s7;
	s7 =	simm.s32 @!p0 $0x108  }
0x21: {  	s3 =	sadd.s32 s3, s9;
	s6 =	sadd.s32 @!p0 $0x88, s6;
	s7 =	simm.s32 @p2 $0x1082  }
0x22: {  	[simem:s7], [sflag:s8] =	dma.local @!p0 [hbm:s6], $0xF7A  }
0x23: {  	s9 =	sor.u32 $0xD0000000, s2;
	s6 =	simm.s32 $0x108;
	_ =	swait.ge @!p0 [sflag:s8], $0x0  }
0x24: {  	s3 =	sadd.s32 $0x88, s3;
	s6 =	simm.s32 @!p1 $0x1082;
	[sflag:s4] =	ssyncset.s32 $0xFFFFF086  }
0x25: {  	[simem:s6], [sflag:s4] =	dma.local [hbm:s3], $0xF7A  }
0x26: {  	[smem:$0x3F93] =	sst s1;
	(tag) =	ssettag s2;
	_ =	strace s9  }
0x27: {  	s1 =	sld [smem:$0x3FA3]  }
0x28: {  	s2 =	sld [smem:$0x3FA4]  }
0x29: {  	s4 =	sld [smem:$0x3FA6]  }
0x2a: {  	p0 =	seq.s32 s5, $0x0;
	s5 =	sld [smem:$0x3FA7]  }
0x2b: {  	s6 =	sld [smem:$0x3FA8]  }
0x2c: {  	s7 =	sld [smem:$0x3FA9]  }
0x2d: {  	s3 =	simm.s32 $0x108;
	s8 =	sld [smem:$0x3FAA]  }
0x2e: {  	s3 =	simm.s32 @!p0 $0x1082;
	s9 =	sld [smem:$0x3FAB]  }
0x2f: {  	lr =	sadd.s32 s0, s3;
	s0 =	sld [smem:$0x3FA2]  }
0x30: {  	s3 =	sld [smem:$0x3FA5]  }
0x31: {  	[smem:$0x3FAE] =	sst s10  }
0x32: {  	s10 =	sld [smem:$0x3FAC];
	_ =	sdelay $0x3  }
0x33: {  	p0 =	seq.s32 s10, $0x1;
	s10 =	sld [smem:$0x3FAE];
	_ =	sdelay $0x3  }
0x34: {  	[smem:$0x3FAE] =	sst s10  }
0x35: {  	s10 =	sld [smem:$0x3FAD];
	_ =	sdelay $0x3  }
0x36: {  	p1 =	seq.s32 s10, $0x1;
	s10 =	sld [smem:$0x3FAE];
	_ =	sdelay $0x3  }
0x37: {  	[smem:$0x3FAE] =	sst s10  }
0x38: {  	s10 =	sld [smem:$0x3FAF]  }
0x39: {  	_ = 	snop;
	(pc) =	sbr.ind lr, $3  }
0x3a: {  	_ = 	snop  }
0x3b: {  	_ = 	snop  }
0x3c: {  	p2 =	seq.s32 s10, $0x1;
	s10 =	sld [smem:$0x3FAE]  }
0x3d: {  	_ =	shalt  }
0x3e: {  	_ =	shalt  }
0x3f: {  	_ =	shalt  }
0x40: {  	_ =	shalt  }
0x41: {  	_ =	shalt  }
0x42: {  	_ =	shalt  }
0x43: {  	_ =	shalt  }
0x44: {  	_ =	shalt  }
0x45: {  	_ =	shalt  }
0x46: {  	_ =	shalt  }
0x47: {  	_ =	shalt  }
0x48: {  	_ =	shalt  }
0x49: {  	_ =	shalt  }
0x4a: {  	_ =	shalt  }
0x4b: {  	_ =	shalt  }
0x4c: {  	_ =	shalt  }
0x4d: {  	_ =	shalt  }
0x4e: {  	_ =	shalt  }
0x4f: {  	_ =	shalt  }
0x50: {  	_ =	shalt  }
0x51: {  	_ =	shalt  }
0x52: {  	_ =	shalt  }
0x53: {  	_ =	shalt  }
0x54: {  	_ =	shalt  }
0x55: {  	_ =	shalt  }
0x56: {  	_ =	shalt  }
0x57: {  	_ =	shalt  }
0x58: {  	_ =	shalt  }
0x59: {  	_ =	shalt  }
0x5a: {  	_ =	shalt  }
0x5b: {  	_ =	shalt  }
0x5c: {  	_ =	shalt  }
0x5d: {  	_ =	shalt  }
0x5e: {  	_ =	shalt  }
0x5f: {  	_ =	shalt  }
0x60: {  	_ =	shalt  }
0x61: {  	_ =	shalt  }
0x62: {  	_ =	shalt  }
0x63: {  	_ =	shalt  }
0x64: {  	_ =	shalt  }
0x65: {  	_ =	shalt  }
0x66: {  	_ =	shalt  }
0x67: {  	_ =	shalt  }
0x68: {  	_ =	shalt  }
0x69: {  	_ =	shalt  }
0x6a: {  	_ =	shalt  }
0x6b: {  	_ =	shalt  }
0x6c: {  	_ =	shalt  }
0x6d: {  	_ =	shalt  }
0x6e: {  	_ =	shalt  }
0x6f: {  	_ =	shalt  }
0x70: {  	_ =	shalt  }
0x71: {  	_ =	shalt  }
0x72: {  	_ =	shalt  }
0x73: {  	_ =	shalt  }
0x74: {  	_ =	shalt  }
0x75: {  	_ =	shalt  }
0x76: {  	_ =	shalt  }
0x77: {  	_ =	shalt  }
0x78: {  	_ =	shalt  }
0x79: {  	_ =	shalt  }
0x7a: {  	_ =	shalt  }
0x7b: {  	_ =	shalt  }
0x7c: {  	_ =	shalt  }
0x7d: {  	_ =	shalt  }
0x7e: {  	_ =	shalt  }
0x7f: {  	_ =	shalt  }
0x80: {  	_ =	shalt  }
0x81: {  	_ =	shalt  }
0x82: {  	_ =	shalt  }
0x83: {  	_ =	shalt  }
0x84: {  	_ =	shalt  }
0x85: {  	_ =	shalt  }
0x86: {  	_ =	shalt  }
0x87: {  	_ =	shalt  }
.Lfunc_end0:
.L_simem_size_0:
called_computation.2_lowered:
.L_overlay_start_0:
0x88: {  	s2 =	sld [smem:$0x3FD9]  }
0x89: {  	s3 =	sld [smem:$0x3FFE];
	_ =	sdelay $0x1  }
0x8a: {  	s1 =	srdreg.scid  }
0x8b: {  	s0 =	sand.u32 $0x1, s1  }
0x8c: {  	s16 =	sshll.u32 s0, $0xA;
	s2 =	sadd.s32 s3, s2  }
0x8d: {  	s2 =	sadd.s32 s2, s16  }
0x8e: {  	[smem:$0x3FBA] =	sst s2  }
0x8f: {  	_ = 	snop  }
0x90: {  	(tm) =	ssettm $0x1  }
0x91: {  	s17 =	sld [smem:$0x3FFB];
	_ =	sdelay $0x3  }
0x92: {  	_ =	strace s17  }
0x93: {  	s2 =	sld [smem:$0x3FFC];
	_ =	sdelay $0x3  }
0x94: {  	_ =	strace s2  }
0x95: {  	s2 =	sld [smem:$0x3FFD];
	_ =	sdelay $0x3  }
0x96: {  	_ =	strace s2  }
0x97: {  	_ =	strace $0x8FFFFFFF  }
0x98: {  	s18 =	sld [smem:$0x3FDB];
	_ =	sdelay $0x1  }
0x99: {  	s19 =	simm.s32 $_scs_section_size  }
0x9a: {  	s4 =	simm.s32 $_size__tile_overlayer_lowered;
	s5 =	simm.s32 $_tile_overlayer_lowered  }
0x9b: {  	s22 =	simm.s32 $0x1BFF;
	s21 =	sshll.u32 s5, $0x1;
	s2 =	sadd.s32 s19, s18  }
0x9c: {  	s6 =	simm.s32 $0x0;
	s20 =	sshll.u32 s4, $0x1;
	s4 =	sadd.s32 s21, s2  }
0x9d: {  	[timem:s6], [sflag:s22] =	dma.local [hbm:s4], s20  }
0x9e: {  	_ =	swait.ge [sflag:s22], s20  }
0x9f: {  	s3 =	ssub.s32 $0x0, s20;
	[sflag:s22] =	ssyncset.done $0x0  }
0xa0: {  	[sflag:s22] =	ssyncadd.s32 s3;
	_ =	sdelay $0x1  }
0xa1: {  	s23 =	simm.s32 $0x1B8B  }
0xa2: {  	_ =	swait.ge [sflag:s23], $0x1  }
0xa3: {  	[sflag:s23] =	ssyncset.done $0x0  }
0xa4: {  	s25 =	simm.s32 $0x1B8E;
	s24 =	sld [smem:$0x3FFE];
	[sflag:s23] =	ssyncadd.s32 $0xFFFFFFFF  }
0xa5: {  	s26 =	simm.s32 $execute0_lowered;
	[smem:$0x3FD2] =	sst s25  }
0xa6: {  	s4 =	sshll.u32 s26, $0x1;
	_ =	strace $0x8000004C;
	[dreg:$0x1] =	wrdreg $0xFFFFFFFF  }
0xa7: {  	s28 =	simm.s32 $_size_execute0_lowered;
	s2 =	sadd.s32 s2, s4;
	[dreg:$0x0] =	wrdreg $0x0  }
0xa8: {  	s4 =	sshll.u32 s28, $0x1;
	[dreg:$0x2] =	wrdreg s2  }
0xa9: {  	[dreg:$0x3] =	wrdreg s4  }
0xaa: {  	[dreg:$0x4] =	wrdreg $0xC0  }
0xab: {  	_ =	task [dreg:s6], $0x5FFFF  }
0xac: {  	[dreg:$0x1] =	wrdreg $0xFFFFFFFF  }
0xad: {  	[dreg:$0x0] =	wrdreg $0x60  }
0xae: {  	[dreg:$0x2] =	wrdreg s24  }
0xaf: {  	[dreg:$0x3] =	wrdreg $0xA8000  }
0xb0: {  	[dreg:$0x4] =	wrdreg $0x9  }
0xb1: {  	_ =	task.clear_ibuf [dreg:s6], $0x5FFFF;
	_ =	strace $0x9000004C  }
0xb2: {  	s29 =	simm.s32 $0x9;
	_ =	strace $0x8000004E  }
0xb3: {  	_ =	swait.ge [sflag:s29], $0x1  }
0xb4: {  	[sflag:s29] =	ssyncadd.s32 $0xFFFFFFFF  }
0xb5: {  	_ =	strace $0x9000004E  }
0xb6: {  	_ =	sfence  }
0xb7: {  	s30 =	sld [smem:$0x0];
	_ =	sdelay $0x2  }
0xb8: {  	s31 =	sshll.u32 s1, $0xD;
	s1 =	sshrl.u32 s1, $0x2  }
0xb9: {  	s3 =	sand.u32 $0x4000, s31;
	s1 =	sadd.s32 s1, s30  }
0xba: {  	s0 =	sor.u32 s3, s0;
	s1 =	sshll.u32 s1, $0x11  }
0xbb: {  	s0 =	sor.u32 s1, s0  }
0xbc: {  	s0 =	sadd.s32 $0x8F2B, s0  }
0xbd: {  	[sflag:s0] =	ssyncadd.remote.s32 $0x1  }
0xbe: {  	_ =	sfence.sel $0xFFFF  }
0xbf: {  	[dreg:$0x0] =	wrdreg $0xFFFFFFFF;
	(pc) =	sbr.abs _section_cstart, $3  }
0xc0: {  	[dreg:$0x1] =	wrdreg $0xFFFFFFFF  }
0xc1: {  	_ =	task.clear_ibuf [dreg:s6], $0x2FFFF;
	_ =	strace $0x9FFFFFFF  }
0xc2: {  	(tm) =	ssettm $0x7FFFFFFF  }
0xc3: {  	_ =	shalt  }
tec
execute0_lowered:
.L_overlay_start_1:
0x0: {  	(tag) =	ssettag $0x1  }
0x1: {  	s10 =	rddreg [dreg:$0x0]  }
0x2: {  	s1 =	rddreg [dreg:$0x1]  }
0x3: {  	s2 =	simm.s32 $0x0;
	s4 =	srdreg.scid;
	s18 =	simm.s32 $0x3  }
0x4: {  	s19 =	simm.s32 $0x1400;
	s20 =	simm.s32 $0x80;
	s21 =	simm.s32 $0x2800  }
0x5: {  	s22 =	simm.s32 $0x6800;
	s23 =	simm.s32 $0x1;
	s24 =	simm.s32 $0x2  }
0x6: {  	s28 =	simm.s32 $0x2780;
	[smem:$0x7FF] =	sst s2;
	s3 =	sadd.s32 $0x39400, s10  }
0x7: {  	s5 =	sadd.s32 $0x5200, s10;
	s6 =	sadd.s32 $0x43400, s10;
	s12 =	sand.u32 $0x1, s4  }
0x8: {  	s7 =	sadd.s32 $0x6A600, s10;
	s4 =	stileid.u32;
	s8 =	sadd.s32 $0xFA00, s10  }
0x9: {  	s9 =	sadd.s32 $0xDFA00, s10;
	s10 =	sadd.s32 $0x106C00, s10;
	s14 =	smul.u32 $0x4F000, s4  }
0xa: {  	s25 =	sadd.s32 $0x138000, s1;
	_ =	strace $0x8000004D;
	s30 =	smul.u32 $0x4E000, s4  }
0xb: {  	s11 =	ssub.s32 $0x2, s12;
	s29 =	sshll.u32 s4, $0x6;
	s15 =	smul.u32 $0x2700, s4  }
0xc: {  	p0 =	seq.s32 s12, $0x1;
	s12 =	smul.u32 $0x5000, s4;
	p1 =	sne.s32 s4, $0xF  }
.Ltmp0:
0xd: {  	s25 =	sshrl.u32 s25, $0x3;
	s13 =	sshrl.u32 s11, $0x1;
	(pc) =	sbr.rel .LBB2_1-.Ltmp0, $4  }
0xe: {  	p2 =	seq.s32 s4, $0xF;
	s16 =	ssub.s32 s11, s13;
	s26 =	sshrl.u32 s14, $0x2  }
0xf: {  	s11 =	sor.u32 $0x1C03, s29;
	s31 =	sshrl.u32 s30, $0x2;
	s14 =	sadd.s32 s9, s15  }
0x10: {  	s15 =	sadd.s32 s10, s15;
	s17 =	sadd.s32 s26, s1;
	s13 =	sadd.s32 s31, s1  }
0x11: {  	s16 =	smax.u32 s16, $0x1;
	s26 =	simm.s32 $0x2700;
	s17 =	sshrl.u32 s17, $0x3  }
.LBB2_10:
0x12: {  	s0 =	sadd.s32 $0x27000, s29  }
0x13: {  	[hbm:s0], [sflag:s11] =	dma.local [spmem:s25], $0x100  }
0x14: {  	_ =	swait.ge [sflag:s18], $0x100  }
0x15: {  	[sflag:s18] =	ssyncset.done $0x0  }
0x16: {  	[sflag:s18] =	ssyncadd.s32 $0xFFFFFF00  }
.LBB2_11:
0x17: {  	s2 =	sadd.s32 $0x1, s2  }
0x18: {  	p3 =	sne.s32 s2, s16  }
.Ltmp1:
0x19: {  	_ = 	snop;
	(pc) =	sbr.rel @!p3 .LBB2_12-.Ltmp1, $1  }
0x1a: {  	_ =	sdelay $0x3  }
.LBB2_1:
0x1b: {  	[spmem:s17], [sflag:s11] =	dma.local [hbm:s8], $0x2780  }
.Ltmp2:
0x1c: {  	_ =	swait.ge [sflag:s18], $0x2780;
	(pc) =	sbr.rel @!p0 .LBB2_2-.Ltmp2, $4  }
0x1d: {  	[sflag:s18] =	ssyncset.done $0x0  }
0x1e: {  	[sflag:s18] =	ssyncadd.s32 $0xFFFFD880  }
0x1f: {  	[bflag:$0x0] =	sbarrier.arrive $0xFFFF  }
0x20: {  	s29 =	simm.s32 $0x0;
	s30 =	simm.s32 $0x0  }
.LBB2_6:
0x21: {  	s0 =	smul.u32 $0x1400, s30;
	_ =	sdelay $0x1  }
0x22: {  	s0 =	sadd.s32 s12, s0  }
0x23: {  	s0 =	sshrl.u32 s0, $0x3  }
0x24: {  	s31 =	simm.s32 $0x0;
	s29 =	sadd.s32 s3, s0  }
0x25: {  	[tilespmem:s31], [sflag:$0x3] =	stream.linear.gather [hbm4b:s29+s31], $0x1400, $0x38;
	[tilespmem:$0x1E400] =	vst v63  }
0x26: {  	_ =	swait.ge [sflag:s18], $0x1400  }
0x27: {  	[sflag:s18] =	ssyncset.done $0x0  }
0x28: {  	s0 =	sadd.s32 s5, s0;
	[sflag:s18] =	ssyncadd.s32 $0xFFFFEC00  }
0x29: {  	[tilespmem:s19], [sflag:$0x3] =	stream.linear.gather [hbm4b:s0+s31], $0x1400, $0x38;
	[tilespmem:$0x1E400] =	vst v63  }
0x2a: {  	_ =	swait.ge [sflag:s18], $0x1400  }
0x2b: {  	[sflag:s18] =	ssyncset.done $0x0  }
0x2c: {  	[sflag:s18] =	ssyncadd.s32 $0xFFFFEC00  }
0x2d: {  	[tilespmem:s21], [sflag:$0x1] =	stream.indirect.gather [hbm4b:s7+s20], $0x80, s31, s20, $0xb8;
	[tilespmem:$0x1E400] =	vst v63  }
0x2e: {  	_ = 	snop  }
0x2f: {  	[tilespmem:s22], [sflag:$0x2] =	stream.indirect.gather [hbm4b:s7+s20], $0x80, s20, s20, $0xb8;
	[tilespmem:$0x1E400] =	vst v63  }
0x30: {  	_ =	swait.ge [sflag:s23], $0x4000  }
0x31: {  	[sflag:s23] =	ssyncset.done $0x0  }
0x32: {  	s0 =	simm.s32 $0x1400;
	[sflag:s23] =	ssyncadd.s32 $0xFFFFC000  }
0x33: {  	[spmem:s1] =	stream.indirect.scatter.add.f32 [tilespmem:s21], [sflag:$0x3], $0x80, s0, s20, $0xb8;
	[tilespmem:$0x1E400] =	vst v63  }
0x34: {  	_ =	swait.ge [sflag:s18], $0x4000  }
0x35: {  	[sflag:s18] =	ssyncset.done $0x0  }
0x36: {  	s0 =	simm.s32 $0x100;
	[sflag:s18] =	ssyncadd.s32 $0xFFFFC000  }
0x37: {  	[tilespmem:s21], [sflag:$0x1] =	stream.indirect.gather [hbm4b:s7+s20], $0x80, s0, s20, $0xb8;
	[tilespmem:$0x1E400] =	vst v63  }
0x38: {  	_ =	swait.ge [sflag:s24], $0x4000  }
0x39: {  	[sflag:s24] =	ssyncset.done $0x0  }
0x3a: {  	s0 =	simm.s32 $0x1480;
	[sflag:s24] =	ssyncadd.s32 $0xFFFFC000  }
0x3b: {  	[spmem:s1] =	stream.indirect.scatter.add.f32 [tilespmem:s22], [sflag:$0x3], $0x80, s0, s20, $0xb8;
	[tilespmem:$0x1E400] =	vst v63  }
0x3c: {  	_ =	swait.ge [sflag:s18], $0x4000  }
0x3d: {  	[sflag:s18] =	ssyncset.done $0x0  }
0x3e: {  	s29 =	simm.s32 $0x400;
	s31 =	simm.s32 $0x180;
	[sflag:s18] =	ssyncadd.s32 $0xFFFFC000  }
.LBB2_7:
0x3f: {  	[tilespmem:s22], [sflag:$0x2] =	stream.indirect.gather [hbm4b:s7+s20], $0x80, s31, s20, $0xb8;
	[tilespmem:$0x1E400] =	vst v63  }
0x40: {  	s0 =	smov.u32 s29  }
0x41: {  	p3 =	sne.s32 s29, $0x4800;
	s29 =	sadd.s32 $0x400, s29;
	_ =	swait.ge [sflag:s23], $0x4000  }
0x42: {  	s0 =	sshra.s32 s0, $0x2;
	[sflag:s23] =	ssyncset.done $0x0  }
0x43: {  	s31 =	sadd.s32 $0x1400, s0;
	[sflag:s23] =	ssyncadd.s32 $0xFFFFC000  }
0x44: {  	[spmem:s1] =	stream.indirect.scatter.add.f32 [tilespmem:s21], [sflag:$0x3], $0x80, s31, s20, $0xb8;
	[tilespmem:$0x1E400] =	vst v63  }
0x45: {  	_ =	swait.ge [sflag:s18], $0x4000  }
0x46: {  	[sflag:s18] =	ssyncset.done $0x0  }
0x47: {  	s31 =	sadd.s32 $0x100, s0;
	[sflag:s18] =	ssyncadd.s32 $0xFFFFC000  }
0x48: {  	[tilespmem:s21], [sflag:$0x1] =	stream.indirect.gather [hbm4b:s7+s20], $0x80, s31, s20, $0xb8;
	[tilespmem:$0x1E400] =	vst v63  }
0x49: {  	_ =	swait.ge [sflag:s24], $0x4000  }
0x4a: {  	[sflag:s24] =	ssyncset.done $0x0  }
.Ltmp3:
0x4b: {  	s31 =	sadd.s32 $0x1480, s0;
	[sflag:s24] =	ssyncadd.s32 $0xFFFFC000;
	(pc) =	sbr.rel @p3 .LBB2_7-.Ltmp3, $4  }
0x4c: {  	[spmem:s1] =	stream.indirect.scatter.add.f32 [tilespmem:s22], [sflag:$0x3], $0x80, s31, s20, $0xb8;
	[tilespmem:$0x1E400] =	vst v63  }
0x4d: {  	_ =	swait.ge [sflag:s18], $0x4000  }
0x4e: {  	[sflag:s18] =	ssyncset.done $0x0  }
0x4f: {  	s31 =	sadd.s32 $0x180, s0;
	[sflag:s18] =	ssyncadd.s32 $0xFFFFC000  }
0x50: {  	[tilespmem:s22], [sflag:$0x2] =	stream.indirect.gather [hbm4b:s7+s20], $0x80, s31, s20, $0xb8;
	[tilespmem:$0x1E400] =	vst v63  }
0x51: {  	_ =	swait.ge [sflag:s23], $0x4000  }
0x52: {  	[sflag:s23] =	ssyncset.done $0x0  }
0x53: {  	[sflag:s23] =	ssyncadd.s32 $0xFFFFC000  }
0x54: {  	[spmem:s1] =	stream.indirect.scatter.add.f32 [tilespmem:s21], [sflag:$0x3], $0x80, s26, s20, $0xb8;
	[tilespmem:$0x1E400] =	vst v63  }
0x55: {  	_ =	swait.ge [sflag:s18], $0x4000  }
0x56: {  	[sflag:s18] =	ssyncset.done $0x0  }
0x57: {  	[sflag:s18] =	ssyncadd.s32 $0xFFFFC000  }
0x58: {  	s30 =	sadd.s32 $0x1, s30;
	_ =	swait.ge [sflag:s24], $0x4000  }
0x59: {  	p3 =	sne.s32 s30, $0x4;
	[sflag:s24] =	ssyncset.done $0x0  }
.Ltmp4:
0x5a: {  	[sflag:s24] =	ssyncadd.s32 $0xFFFFC000;
	(pc) =	sbr.rel @p3 .LBB2_6-.Ltmp4, $4  }
0x5b: {  	[spmem:s1] =	stream.indirect.scatter.add.f32 [tilespmem:s22], [sflag:$0x3], $0x80, s28, s20, $0xb8;
	[tilespmem:$0x1E400] =	vst v63  }
0x5c: {  	_ =	swait.ge [sflag:s18], $0x4000  }
0x5d: {  	[sflag:s18] =	ssyncset.done $0x0  }
0x5e: {  	[sflag:s18] =	ssyncadd.s32 $0xFFFFC000  }
0x5f: {  	[bflag:$0x0] =	sbarrier.arrive $0xFFFF;
	s0 =	sshrl.u32 s13, $0x3  }
0x60: {  	[hbm:s15], [sflag:s11] =	dma.local [spmem:s0], $0x2700  }
.Ltmp5:
0x61: {  	_ = 	snop;
	(pc) =	sbr.rel @p1 .LBB2_11-.Ltmp5, $4  }
.Ltmp6:
0x62: {  	_ = 	snop;
	(pc) =	sbr.rel @!p1 .LBB2_10-.Ltmp6, $4  }
0x63: {  	_ =	swait.ge [sflag:s18], $0x2700  }
0x64: {  	[sflag:s18] =	ssyncset.done $0x0  }
0x65: {  	s29 =	smov.u32 s10;
	[sflag:s18] =	ssyncadd.s32 $0xFFFFD900  }
0x66: {  	_ = 	snop  }
.LBB2_2:
0x67: {  	s30 =	smul.u32 $0x1400, s29;
	_ =	sdelay $0x1  }
0x68: {  	s30 =	sadd.s32 s12, s30  }
0x69: {  	s30 =	sshrl.u32 s30, $0x3  }
0x6a: {  	s0 =	simm.s32 $0x0;
	s31 =	sadd.s32 s3, s30  }
0x6b: {  	[tilespmem:s0], [sflag:$0x3] =	stream.linear.gather [hbm4b:s31+s0], $0x1400, $0x38;
	[tilespmem:$0x1E400] =	vst v63  }
0x6c: {  	_ =	swait.ge [sflag:s18], $0x1400  }
0x6d: {  	[sflag:s18] =	ssyncset.done $0x0  }
0x6e: {  	s30 =	sadd.s32 s5, s30;
	[sflag:s18] =	ssyncadd.s32 $0xFFFFEC00  }
0x6f: {  	[tilespmem:s19], [sflag:$0x3] =	stream.linear.gather [hbm4b:s30+s0], $0x1400, $0x38;
	[tilespmem:$0x1E400] =	vst v63  }
0x70: {  	_ =	swait.ge [sflag:s18], $0x1400  }
0x71: {  	[sflag:s18] =	ssyncset.done $0x0  }
0x72: {  	[sflag:s18] =	ssyncadd.s32 $0xFFFFEC00  }
0x73: {  	[tilespmem:s21], [sflag:$0x1] =	stream.indirect.gather [hbm4b:s6+s20], $0x80, s0, s20, $0xb8;
	[tilespmem:$0x1E400] =	vst v63  }
0x74: {  	_ = 	snop  }
0x75: {  	[tilespmem:s22], [sflag:$0x2] =	stream.indirect.gather [hbm4b:s6+s20], $0x80, s20, s20, $0xb8;
	[tilespmem:$0x1E400] =	vst v63  }
0x76: {  	_ =	swait.ge [sflag:s23], $0x4000  }
0x77: {  	[sflag:s23] =	ssyncset.done $0x0  }
0x78: {  	s0 =	simm.s32 $0x1400;
	[sflag:s23] =	ssyncadd.s32 $0xFFFFC000  }
0x79: {  	[spmem:s1] =	stream.indirect.scatter.add.f32 [tilespmem:s21], [sflag:$0x3], $0x80, s0, s20, $0xb8;
	[tilespmem:$0x1E400] =	vst v63  }
0x7a: {  	_ =	swait.ge [sflag:s18], $0x4000  }
0x7b: {  	[sflag:s18] =	ssyncset.done $0x0  }
0x7c: {  	s0 =	simm.s32 $0x100;
	[sflag:s18] =	ssyncadd.s32 $0xFFFFC000  }
0x7d: {  	[tilespmem:s21], [sflag:$0x1] =	stream.indirect.gather [hbm4b:s6+s20], $0x80, s0, s20, $0xb8;
	[tilespmem:$0x1E400] =	vst v63  }
0x7e: {  	_ =	swait.ge [sflag:s24], $0x4000  }
0x7f: {  	[sflag:s24] =	ssyncset.done $0x0  }
0x80: {  	s0 =	simm.s32 $0x1480;
	[sflag:s24] =	ssyncadd.s32 $0xFFFFC000  }
0x81: {  	[spmem:s1] =	stream.indirect.scatter.add.f32 [tilespmem:s22], [sflag:$0x3], $0x80, s0, s20, $0xb8;
	[tilespmem:$0x1E400] =	vst v63  }
0x82: {  	_ =	swait.ge [sflag:s18], $0x4000  }
0x83: {  	[sflag:s18] =	ssyncset.done $0x0  }
0x84: {  	s31 =	simm.s32 $0x180;
	s30 =	simm.s32 $0x400;
	[sflag:s18] =	ssyncadd.s32 $0xFFFFC000  }
.LBB2_3:
0x85: {  	[tilespmem:s22], [sflag:$0x2] =	stream.indirect.gather [hbm4b:s6+s20], $0x80, s31, s20, $0xb8;
	[tilespmem:$0x1E400] =	vst v63  }
0x86: {  	s0 =	smov.u32 s30  }
0x87: {  	p3 =	sne.s32 s30, $0x4800;
	s30 =	sadd.s32 $0x400, s30;
	_ =	swait.ge [sflag:s23], $0x4000  }
0x88: {  	s0 =	sshra.s32 s0, $0x2;
	[sflag:s23] =	ssyncset.done $0x0  }
0x89: {  	s31 =	sadd.s32 $0x1400, s0;
	[sflag:s23] =	ssyncadd.s32 $0xFFFFC000  }
0x8a: {  	[spmem:s1] =	stream.indirect.scatter.add.f32 [tilespmem:s21], [sflag:$0x3], $0x80, s31, s20, $0xb8;
	[tilespmem:$0x1E400] =	vst v63  }
0x8b: {  	_ =	swait.ge [sflag:s18], $0x4000  }
0x8c: {  	[sflag:s18] =	ssyncset.done $0x0  }
0x8d: {  	s31 =	sadd.s32 $0x100, s0;
	[sflag:s18] =	ssyncadd.s32 $0xFFFFC000  }
0x8e: {  	[tilespmem:s21], [sflag:$0x1] =	stream.indirect.gather [hbm4b:s6+s20], $0x80, s31, s20, $0xb8;
	[tilespmem:$0x1E400] =	vst v63  }
0x8f: {  	_ =	swait.ge [sflag:s24], $0x4000  }
0x90: {  	[sflag:s24] =	ssyncset.done $0x0  }
.Ltmp7:
0x91: {  	s31 =	sadd.s32 $0x1480, s0;
	[sflag:s24] =	ssyncadd.s32 $0xFFFFC000;
	(pc) =	sbr.rel @p3 .LBB2_3-.Ltmp7, $4  }
0x92: {  	[spmem:s1] =	stream.indirect.scatter.add.f32 [tilespmem:s22], [sflag:$0x3], $0x80, s31, s20, $0xb8;
	[tilespmem:$0x1E400] =	vst v63  }
0x93: {  	_ =	swait.ge [sflag:s18], $0x4000  }
0x94: {  	[sflag:s18] =	ssyncset.done $0x0  }
0x95: {  	s31 =	sadd.s32 $0x180, s0;
	[sflag:s18] =	ssyncadd.s32 $0xFFFFC000  }
0x96: {  	[tilespmem:s22], [sflag:$0x2] =	stream.indirect.gather [hbm4b:s6+s20], $0x80, s31, s20, $0xb8;
	[tilespmem:$0x1E400] =	vst v63  }
0x97: {  	_ =	swait.ge [sflag:s23], $0x4000  }
0x98: {  	[sflag:s23] =	ssyncset.done $0x0  }
0x99: {  	[sflag:s23] =	ssyncadd.s32 $0xFFFFC000  }
0x9a: {  	[spmem:s1] =	stream.indirect.scatter.add.f32 [tilespmem:s21], [sflag:$0x3], $0x80, s26, s20, $0xb8;
	[tilespmem:$0x1E400] =	vst v63  }
0x9b: {  	_ =	swait.ge [sflag:s18], $0x4000  }
0x9c: {  	[sflag:s18] =	ssyncset.done $0x0  }
0x9d: {  	[sflag:s18] =	ssyncadd.s32 $0xFFFFC000  }
0x9e: {  	s29 =	sadd.s32 $0x1, s29;
	_ =	swait.ge [sflag:s24], $0x4000  }
0x9f: {  	p3 =	sne.s32 s29, $0x4;
	[sflag:s24] =	ssyncset.done $0x0  }
.Ltmp8:
0xa0: {  	[sflag:s24] =	ssyncadd.s32 $0xFFFFC000;
	(pc) =	sbr.rel @p3 .LBB2_2-.Ltmp8, $4  }
0xa1: {  	[spmem:s1] =	stream.indirect.scatter.add.f32 [tilespmem:s22], [sflag:$0x3], $0x80, s28, s20, $0xb8;
	[tilespmem:$0x1E400] =	vst v63  }
0xa2: {  	_ =	swait.ge [sflag:s18], $0x4000  }
0xa3: {  	[sflag:s18] =	ssyncset.done $0x0  }
0xa4: {  	[sflag:s18] =	ssyncadd.s32 $0xFFFFC000  }
0xa5: {  	[bflag:$0x0] =	sbarrier.arrive $0xFFFF;
	s0 =	sshrl.u32 s13, $0x3  }
0xa6: {  	[hbm:s14], [sflag:s11] =	dma.local [spmem:s0], $0x2700  }
.Ltmp9:
0xa7: {  	_ = 	snop;
	(pc) =	sbr.rel @p2 .LBB2_10-.Ltmp9, $4  }
.Ltmp10:
0xa8: {  	_ = 	snop;
	(pc) =	sbr.rel @!p2 .LBB2_11-.Ltmp10, $4  }
0xa9: {  	_ =	swait.ge [sflag:s18], $0x2700  }
0xaa: {  	[sflag:s18] =	ssyncset.done $0x0  }
0xab: {  	s29 =	smov.u32 s9;
	[sflag:s18] =	ssyncadd.s32 $0xFFFFD900  }
0xac: {  	_ = 	snop  }
.LBB2_12:
0xad: {  	_ =	sfence.sel $0x180000  }
0xae: {  	[bflag:$0x0] =	sbarrier.arrive $0xFFFF  }
0xaf: {  	_ =	strace $0x9000004D  }
0xb0: {  	[bflag:$0x2] =	sbarrier.arrive $0xFFFF  }
0xb1: {  	p0 =	sne.s32 s4, $0x0;
	s0 =	rddreg [dreg:$0x2]  }
0xb2: {  	s0 =	sadd.s32 @!p0 $0x100000, s0  }
0xb3: {  	[sflag:s0] =	ssyncadd.tile.s32 @!p0 $0x1;
	_ =	shalt  }
.Lfunc_end2:
_tile_overlayer_lowered:
.L_overlay_start_2:
0xb4: {  	(tag) =	ssettag $0x2  }
0xb5: {  	s0 =	rddreg [dreg:$0x0];
	s2 =	stileid.u32  }
0xb6: {  	s1 =	rddreg [dreg:$0x1];
	p0 =	sne.s32 s2, $0x0  }
0xb7: {  	s3 =	rddreg [dreg:$0x2];
	[bflag:$0x3] =	sbarrier.arrive $0xFFFF;
	s2 =	simm.s32 @!p0 $0x1C03  }
0xb8: {  	[timem:s3], [sflag:s2] =	dma.local @!p0 [hbm:s0], s1  }
0xb9: {  	s0 =	simm.s32 @!p0 $0x3  }
0xba: {  	_ =	swait.ge @!p0 [sflag:s0], s1  }
0xbb: {  	s1 =	ssub.s32 @!p0 $0x0, s1;
	[sflag:s0] =	ssyncset.done @!p0 $0x0  }
0xbc: {  	[sflag:s0] =	ssyncadd.s32 @!p0 s1  }
0xbd: {  	[bflag:$0x3] =	sbarrier.arrive $0xFFFF  }
0xbe: {  	_ =	shalt  }

// kernel: kernel.19.cloned.1.call-start
scs
__scs_entry_jumppad:
0x0: {  	(pc) =	sbr.rel $0x88, $3  }
0x1: {  	(tag) =	ssettag $0x0;
	lr =	simm.s32 $0x1  }
0x2: {  	[smem:$0x3F93] =	sst lr;
	_ =	strace $0xD0000000  }
0x3: {  	_ = 	snop  }
0x4: {  	_ = 	snop  }
0x5: {  	_ = 	snop  }
0x6: {  	_ = 	snop  }
0x7: {  	_ = 	snop  }
__scs_overlays_trampoline_lowered:
0x8: {  	[smem:$0x3FA2] =	sst s0  }
0x9: {  	[smem:$0x3FA3] =	sst s1  }
0xa: {  	[smem:$0x3FA4] =	sst s2  }
0xb: {  	[smem:$0x3FA5] =	sst s3  }
0xc: {  	[smem:$0x3FA6] =	sst s4  }
0xd: {  	[smem:$0x3FA7] =	sst s5  }
0xe: {  	[smem:$0x3FA8] =	sst s6  }
0xf: {  	[smem:$0x3FA9] =	sst s7  }
0x10: {  	[smem:$0x3FAA] =	sst s8  }
0x11: {  	[smem:$0x3FAB] =	sst s9;
	s0 =	simm.s32 @!p0 $0x0  }
0x12: {  	s1 =	sld [smem:$0x3F91];
	s0 =	simm.s32 @p0 $0x1  }
0x13: {  	[smem:$0x3FAC] =	sst s0;
	s0 =	simm.s32 @!p1 $0x0  }
0x14: {  	s2 =	sld [smem:$0x3F90];
	s0 =	simm.s32 @p1 $0x1  }
0x15: {  	[smem:$0x3FAD] =	sst s0;
	s0 =	simm.s32 @!p2 $0x0  }
0x16: {  	s3 =	sld [smem:$0x3FDB];
	s0 =	simm.s32 @p2 $0x1  }
0x17: {  	s4 =	simm.s32 $0x1BF5;
	[smem:$0x3FAF] =	sst s0  }
0x18: {  	s0 =	sld [smem:$0x3F92];
	_ =	swait.ge [sflag:s4], $0x0  }
0x19: {  	s7 =	sld [smem:$0x3F93]  }
0x1a: {  	s8 =	sadd.s32 $0xFFFFE003, lr  }
0x1b: {  	s9 =	sadd.s32 $0xFFFFFEF7, lr;
	s5 =	simm.s32 $0xFFFFFFFF;
	p2 =	slt.u32 s8, $0xFFFFF086  }
0x1c: {  	p1 =	slt.u32 s9, $0xF7A;
	s5 =	simm.s32 @!p2 $0x0  }
0x1d: {  	s5 =	simm.s32 @p1 $0x1;
	p0 =	seq.s32 s7, s2  }
0x1e: {  	s7 =	smul.u32 @!p0 $0xF7A, s2;
	p2 =	seq.s32 @!p0 s5, $0x0  }
0x1f: {  	s9 =	smul.u32 $0xF7A, s1;
	s8 =	simm.s32 @!p0 $0x1BF5;
	p2 =	por !p2, p0  }
0x20: {  	[sflag:s8] =	ssyncset.s32 @!p0 $0xFFFFF086;
	s6 =	sadd.s32 @!p0 s3, s7;
	s7 =	simm.s32 @!p0 $0x108  }
0x21: {  	s3 =	sadd.s32 s3, s9;
	s6 =	sadd.s32 @!p0 $0x88, s6;
	s7 =	simm.s32 @p2 $0x1082  }
0x22: {  	[simem:s7], [sflag:s8] =	dma.local @!p0 [hbm:s6], $0xF7A  }
0x23: {  	s9 =	sor.u32 $0xD0000000, s2;
	s6 =	simm.s32 $0x108;
	_ =	swait.ge @!p0 [sflag:s8], $0x0  }
0x24: {  	s3 =	sadd.s32 $0x88, s3;
	s6 =	simm.s32 @!p1 $0x1082;
	[sflag:s4] =	ssyncset.s32 $0xFFFFF086  }
0x25: {  	[simem:s6], [sflag:s4] =	dma.local [hbm:s3], $0xF7A  }
0x26: {  	[smem:$0x3F93] =	sst s1;
	(tag) =	ssettag s2;
	_ =	strace s9  }
0x27: {  	s1 =	sld [smem:$0x3FA3]  }
0x28: {  	s2 =	sld [smem:$0x3FA4]  }
0x29: {  	s4 =	sld [smem:$0x3FA6]  }
0x2a: {  	p0 =	seq.s32 s5, $0x0;
	s5 =	sld [smem:$0x3FA7]  }
0x2b: {  	s6 =	sld [smem:$0x3FA8]  }
0x2c: {  	s7 =	sld [smem:$0x3FA9]  }
0x2d: {  	s3 =	simm.s32 $0x108;
	s8 =	sld [smem:$0x3FAA]  }
0x2e: {  	s3 =	simm.s32 @!p0 $0x1082;
	s9 =	sld [smem:$0x3FAB]  }
0x2f: {  	lr =	sadd.s32 s0, s3;
	s0 =	sld [smem:$0x3FA2]  }
0x30: {  	s3 =	sld [smem:$0x3FA5]  }
0x31: {  	[smem:$0x3FAE] =	sst s10  }
0x32: {  	s10 =	sld [smem:$0x3FAC];
	_ =	sdelay $0x3  }
0x33: {  	p0 =	seq.s32 s10, $0x1;
	s10 =	sld [smem:$0x3FAE];
	_ =	sdelay $0x3  }
0x34: {  	[smem:$0x3FAE] =	sst s10  }
0x35: {  	s10 =	sld [smem:$0x3FAD];
	_ =	sdelay $0x3  }
0x36: {  	p1 =	seq.s32 s10, $0x1;
	s10 =	sld [smem:$0x3FAE];
	_ =	sdelay $0x3  }
0x37: {  	[smem:$0x3FAE] =	sst s10  }
0x38: {  	s10 =	sld [smem:$0x3FAF]  }
0x39: {  	_ = 	snop;
	(pc) =	sbr.ind lr, $3  }
0x3a: {  	_ = 	snop  }
0x3b: {  	_ = 	snop  }
0x3c: {  	p2 =	seq.s32 s10, $0x1;
	s10 =	sld [smem:$0x3FAE]  }
0x3d: {  	_ =	shalt  }
0x3e: {  	_ =	shalt  }
0x3f: {  	_ =	shalt  }
0x40: {  	_ =	shalt  }
0x41: {  	_ =	shalt  }
0x42: {  	_ =	shalt  }
0x43: {  	_ =	shalt  }
0x44: {  	_ =	shalt  }
0x45: {  	_ =	shalt  }
0x46: {  	_ =	shalt  }
0x47: {  	_ =	shalt  }
0x48: {  	_ =	shalt  }
0x49: {  	_ =	shalt  }
0x4a: {  	_ =	shalt  }
0x4b: {  	_ =	shalt  }
0x4c: {  	_ =	shalt  }
0x4d: {  	_ =	shalt  }
0x4e: {  	_ =	shalt  }
0x4f: {  	_ =	shalt  }
0x50: {  	_ =	shalt  }
0x51: {  	_ =	shalt  }
0x52: {  	_ =	shalt  }
0x53: {  	_ =	shalt  }
0x54: {  	_ =	shalt  }
0x55: {  	_ =	shalt  }
0x56: {  	_ =	shalt  }
0x57: {  	_ =	shalt  }
0x58: {  	_ =	shalt  }
0x59: {  	_ =	shalt  }
0x5a: {  	_ =	shalt  }
0x5b: {  	_ =	shalt  }
0x5c: {  	_ =	shalt  }
0x5d: {  	_ =	shalt  }
0x5e: {  	_ =	shalt  }
0x5f: {  	_ =	shalt  }
0x60: {  	_ =	shalt  }
0x61: {  	_ =	shalt  }
0x62: {  	_ =	shalt  }
0x63: {  	_ =	shalt  }
0x64: {  	_ =	shalt  }
0x65: {  	_ =	shalt  }
0x66: {  	_ =	shalt  }
0x67: {  	_ =	shalt  }
0x68: {  	_ =	shalt  }
0x69: {  	_ =	shalt  }
0x6a: {  	_ =	shalt  }
0x6b: {  	_ =	shalt  }
0x6c: {  	_ =	shalt  }
0x6d: {  	_ =	shalt  }
0x6e: {  	_ =	shalt  }
0x6f: {  	_ =	shalt  }
0x70: {  	_ =	shalt  }
0x71: {  	_ =	shalt  }
0x72: {  	_ =	shalt  }
0x73: {  	_ =	shalt  }
0x74: {  	_ =	shalt  }
0x75: {  	_ =	shalt  }
0x76: {  	_ =	shalt  }
0x77: {  	_ =	shalt  }
0x78: {  	_ =	shalt  }
0x79: {  	_ =	shalt  }
0x7a: {  	_ =	shalt  }
0x7b: {  	_ =	shalt  }
0x7c: {  	_ =	shalt  }
0x7d: {  	_ =	shalt  }
0x7e: {  	_ =	shalt  }
0x7f: {  	_ =	shalt  }
0x80: {  	_ =	shalt  }
0x81: {  	_ =	shalt  }
0x82: {  	_ =	shalt  }
0x83: {  	_ =	shalt  }
0x84: {  	_ =	shalt  }
0x85: {  	_ =	shalt  }
0x86: {  	_ =	shalt  }
0x87: {  	_ =	shalt  }
.Lfunc_end0:
.L_simem_size_0:
called_computation.3_lowered:
.L_overlay_start_0:
0x88: {  	s2 =	sld [smem:$0x3FD9]  }
0x89: {  	s3 =	sld [smem:$0x3FFE];
	_ =	sdelay $0x1  }
0x8a: {  	s1 =	srdreg.scid  }
0x8b: {  	s0 =	sand.u32 $0x1, s1  }
0x8c: {  	s16 =	sshll.u32 s0, $0xA;
	s2 =	sadd.s32 s3, s2  }
0x8d: {  	s2 =	sadd.s32 s2, s16  }
0x8e: {  	[smem:$0x3FBA] =	sst s2  }
0x8f: {  	_ = 	snop  }
0x90: {  	(tm) =	ssettm $0x1  }
0x91: {  	s17 =	sld [smem:$0x3FFB];
	_ =	sdelay $0x3  }
0x92: {  	_ =	strace s17  }
0x93: {  	s2 =	sld [smem:$0x3FFC];
	_ =	sdelay $0x3  }
0x94: {  	_ =	strace s2  }
0x95: {  	s2 =	sld [smem:$0x3FFD];
	_ =	sdelay $0x3  }
0x96: {  	_ =	strace s2  }
0x97: {  	_ =	strace $0x8FFFFFFF  }
0x98: {  	s18 =	sld [smem:$0x3FDB];
	_ =	sdelay $0x1  }
0x99: {  	s19 =	simm.s32 $_scs_section_size  }
0x9a: {  	s4 =	simm.s32 $_size__tile_overlayer_lowered;
	s5 =	simm.s32 $_tile_overlayer_lowered  }
0x9b: {  	s22 =	simm.s32 $0x1BFF;
	s21 =	sshll.u32 s5, $0x1;
	s2 =	sadd.s32 s19, s18  }
0x9c: {  	s6 =	simm.s32 $0x0;
	s20 =	sshll.u32 s4, $0x1;
	s4 =	sadd.s32 s21, s2  }
0x9d: {  	[timem:s6], [sflag:s22] =	dma.local [hbm:s4], s20  }
0x9e: {  	_ =	swait.ge [sflag:s22], s20  }
0x9f: {  	s3 =	ssub.s32 $0x0, s20;
	[sflag:s22] =	ssyncset.done $0x0  }
0xa0: {  	[sflag:s22] =	ssyncadd.s32 s3;
	_ =	sdelay $0x1  }
0xa1: {  	s23 =	simm.s32 $0x1B8B  }
0xa2: {  	_ =	swait.ge [sflag:s23], $0x1  }
0xa3: {  	[sflag:s23] =	ssyncset.done $0x0  }
0xa4: {  	s25 =	simm.s32 $0x1B8E;
	s24 =	sld [smem:$0x3FFE];
	[sflag:s23] =	ssyncadd.s32 $0xFFFFFFFF  }
0xa5: {  	s26 =	simm.s32 $execute0_lowered;
	[smem:$0x3FD2] =	sst s25  }
0xa6: {  	s4 =	sshll.u32 s26, $0x1;
	_ =	strace $0x8000004F;
	[dreg:$0x1] =	wrdreg $0xFFFFFFFF  }
0xa7: {  	s28 =	simm.s32 $_size_execute0_lowered;
	s2 =	sadd.s32 s2, s4;
	[dreg:$0x0] =	wrdreg $0x0  }
0xa8: {  	s4 =	sshll.u32 s28, $0x1;
	[dreg:$0x2] =	wrdreg s2  }
0xa9: {  	[dreg:$0x3] =	wrdreg s4  }
0xaa: {  	[dreg:$0x4] =	wrdreg $0xC0  }
0xab: {  	_ =	task [dreg:s6], $0x5FFFF  }
0xac: {  	[dreg:$0x1] =	wrdreg $0xFFFFFFFF  }
0xad: {  	[dreg:$0x0] =	wrdreg $0x60  }
0xae: {  	[dreg:$0x2] =	wrdreg s24  }
0xaf: {  	[dreg:$0x3] =	wrdreg $0xA8000  }
0xb0: {  	[dreg:$0x4] =	wrdreg $0x9  }
0xb1: {  	_ =	task.clear_ibuf [dreg:s6], $0x5FFFF;
	_ =	strace $0x9000004F  }
0xb2: {  	s29 =	simm.s32 $0x9;
	_ =	strace $0x80000051  }
0xb3: {  	_ =	swait.ge [sflag:s29], $0x1  }
0xb4: {  	[sflag:s29] =	ssyncadd.s32 $0xFFFFFFFF  }
0xb5: {  	_ =	strace $0x90000051  }
0xb6: {  	_ =	sfence  }
0xb7: {  	s30 =	sld [smem:$0x0];
	_ =	sdelay $0x2  }
0xb8: {  	s31 =	sshll.u32 s1, $0xD;
	s1 =	sshrl.u32 s1, $0x2  }
0xb9: {  	s3 =	sand.u32 $0x4000, s31;
	s1 =	sadd.s32 s1, s30  }
0xba: {  	s0 =	sor.u32 s3, s0;
	s1 =	sshll.u32 s1, $0x11  }
0xbb: {  	s0 =	sor.u32 s1, s0  }
0xbc: {  	s0 =	sadd.s32 $0x8F2B, s0  }
0xbd: {  	[sflag:s0] =	ssyncadd.remote.s32 $0x1  }
0xbe: {  	_ =	sfence.sel $0xFFFF  }
0xbf: {  	[dreg:$0x0] =	wrdreg $0xFFFFFFFF;
	(pc) =	sbr.abs _section_cstart, $3  }
0xc0: {  	[dreg:$0x1] =	wrdreg $0xFFFFFFFF  }
0xc1: {  	_ =	task.clear_ibuf [dreg:s6], $0x2FFFF;
	_ =	strace $0x9FFFFFFF  }
0xc2: {  	(tm) =	ssettm $0x7FFFFFFF  }
0xc3: {  	_ =	shalt  }
tec
execute0_lowered:
.L_overlay_start_1:
0x0: {  	(tag) =	ssettag $0x1  }
0x1: {  	s10 =	rddreg [dreg:$0x0]  }
0x2: {  	s1 =	rddreg [dreg:$0x1]  }
0x3: {  	s2 =	simm.s32 $0x0;
	s4 =	srdreg.scid;
	s18 =	simm.s32 $0x3  }
0x4: {  	s19 =	simm.s32 $0x1400;
	s20 =	simm.s32 $0x80;
	s21 =	simm.s32 $0x2800  }
0x5: {  	s22 =	simm.s32 $0x6800;
	s23 =	simm.s32 $0x1;
	s24 =	simm.s32 $0x2  }
0x6: {  	s28 =	simm.s32 $0x2780;
	[smem:$0x7FF] =	sst s2;
	s3 =	sadd.s32 $0x39400, s10  }
0x7: {  	s5 =	sadd.s32 $0x5200, s10;
	s6 =	sadd.s32 $0x43400, s10;
	s12 =	sand.u32 $0x1, s4  }
0x8: {  	s7 =	sadd.s32 $0x6A600, s10;
	s4 =	stileid.u32;
	s8 =	sadd.s32 $0xFA00, s10  }
0x9: {  	s9 =	sadd.s32 $0x91800, s10;
	s10 =	sadd.s32 $0x12DC00, s10;
	s14 =	smul.u32 $0x4F000, s4  }
0xa: {  	s25 =	sadd.s32 $0x138000, s1;
	_ =	strace $0x80000050;
	s30 =	smul.u32 $0x4E000, s4  }
0xb: {  	s11 =	ssub.s32 $0x2, s12;
	s29 =	sshll.u32 s4, $0x6;
	s15 =	smul.u32 $0x2700, s4  }
0xc: {  	p0 =	seq.s32 s12, $0x1;
	s12 =	smul.u32 $0x5000, s4;
	p1 =	sne.s32 s4, $0xF  }
.Ltmp0:
0xd: {  	s25 =	sshrl.u32 s25, $0x3;
	s13 =	sshrl.u32 s11, $0x1;
	(pc) =	sbr.rel .LBB2_1-.Ltmp0, $4  }
0xe: {  	p2 =	seq.s32 s4, $0xF;
	s16 =	ssub.s32 s11, s13;
	s26 =	sshrl.u32 s14, $0x2  }
0xf: {  	s11 =	sor.u32 $0x1C03, s29;
	s31 =	sshrl.u32 s30, $0x2;
	s14 =	sadd.s32 s9, s15  }
0x10: {  	s15 =	sadd.s32 s10, s15;
	s17 =	sadd.s32 s26, s1;
	s13 =	sadd.s32 s31, s1  }
0x11: {  	s16 =	smax.u32 s16, $0x1;
	s26 =	simm.s32 $0x2700;
	s17 =	sshrl.u32 s17, $0x3  }
.LBB2_10:
0x12: {  	s0 =	sadd.s32 $0x27000, s29  }
0x13: {  	[hbm:s0], [sflag:s11] =	dma.local [spmem:s25], $0x100  }
0x14: {  	_ =	swait.ge [sflag:s18], $0x100  }
0x15: {  	[sflag:s18] =	ssyncset.done $0x0  }
0x16: {  	[sflag:s18] =	ssyncadd.s32 $0xFFFFFF00  }
.LBB2_11:
0x17: {  	s2 =	sadd.s32 $0x1, s2  }
0x18: {  	p3 =	sne.s32 s2, s16  }
.Ltmp1:
0x19: {  	_ = 	snop;
	(pc) =	sbr.rel @!p3 .LBB2_12-.Ltmp1, $1  }
0x1a: {  	_ =	sdelay $0x3  }
.LBB2_1:
0x1b: {  	[spmem:s17], [sflag:s11] =	dma.local [hbm:s8], $0x2780  }
.Ltmp2:
0x1c: {  	_ =	swait.ge [sflag:s18], $0x2780;
	(pc) =	sbr.rel @!p0 .LBB2_2-.Ltmp2, $4  }
0x1d: {  	[sflag:s18] =	ssyncset.done $0x0  }
0x1e: {  	[sflag:s18] =	ssyncadd.s32 $0xFFFFD880  }
0x1f: {  	[bflag:$0x0] =	sbarrier.arrive $0xFFFF  }
0x20: {  	s29 =	simm.s32 $0x0;
	s30 =	simm.s32 $0x0  }
.LBB2_6:
0x21: {  	s0 =	smul.u32 $0x1400, s30;
	_ =	sdelay $0x1  }
0x22: {  	s0 =	sadd.s32 s12, s0  }
0x23: {  	s0 =	sshrl.u32 s0, $0x3  }
0x24: {  	s31 =	simm.s32 $0x0;
	s29 =	sadd.s32 s3, s0  }
0x25: {  	[tilespmem:s31], [sflag:$0x3] =	stream.linear.gather [hbm4b:s29+s31], $0x1400, $0x38;
	[tilespmem:$0x1E400] =	vst v63  }
0x26: {  	_ =	swait.ge [sflag:s18], $0x1400  }
0x27: {  	[sflag:s18] =	ssyncset.done $0x0  }
0x28: {  	s0 =	sadd.s32 s5, s0;
	[sflag:s18] =	ssyncadd.s32 $0xFFFFEC00  }
0x29: {  	[tilespmem:s19], [sflag:$0x3] =	stream.linear.gather [hbm4b:s0+s31], $0x1400, $0x38;
	[tilespmem:$0x1E400] =	vst v63  }
0x2a: {  	_ =	swait.ge [sflag:s18], $0x1400  }
0x2b: {  	[sflag:s18] =	ssyncset.done $0x0  }
0x2c: {  	[sflag:s18] =	ssyncadd.s32 $0xFFFFEC00  }
0x2d: {  	[tilespmem:s21], [sflag:$0x1] =	stream.indirect.gather [hbm4b:s7+s20], $0x80, s31, s20, $0xb8;
	[tilespmem:$0x1E400] =	vst v63  }
0x2e: {  	_ = 	snop  }
0x2f: {  	[tilespmem:s22], [sflag:$0x2] =	stream.indirect.gather [hbm4b:s7+s20], $0x80, s20, s20, $0xb8;
	[tilespmem:$0x1E400] =	vst v63  }
0x30: {  	_ =	swait.ge [sflag:s23], $0x4000  }
0x31: {  	[sflag:s23] =	ssyncset.done $0x0  }
0x32: {  	s0 =	simm.s32 $0x1400;
	[sflag:s23] =	ssyncadd.s32 $0xFFFFC000  }
0x33: {  	[spmem:s1] =	stream.indirect.scatter.add.f32 [tilespmem:s21], [sflag:$0x3], $0x80, s0, s20, $0xb8;
	[tilespmem:$0x1E400] =	vst v63  }
0x34: {  	_ =	swait.ge [sflag:s18], $0x4000  }
0x35: {  	[sflag:s18] =	ssyncset.done $0x0  }
0x36: {  	s0 =	simm.s32 $0x100;
	[sflag:s18] =	ssyncadd.s32 $0xFFFFC000  }
0x37: {  	[tilespmem:s21], [sflag:$0x1] =	stream.indirect.gather [hbm4b:s7+s20], $0x80, s0, s20, $0xb8;
	[tilespmem:$0x1E400] =	vst v63  }
0x38: {  	_ =	swait.ge [sflag:s24], $0x4000  }
0x39: {  	[sflag:s24] =	ssyncset.done $0x0  }
0x3a: {  	s0 =	simm.s32 $0x1480;
	[sflag:s24] =	ssyncadd.s32 $0xFFFFC000  }
0x3b: {  	[spmem:s1] =	stream.indirect.scatter.add.f32 [tilespmem:s22], [sflag:$0x3], $0x80, s0, s20, $0xb8;
	[tilespmem:$0x1E400] =	vst v63  }
0x3c: {  	_ =	swait.ge [sflag:s18], $0x4000  }
0x3d: {  	[sflag:s18] =	ssyncset.done $0x0  }
0x3e: {  	s29 =	simm.s32 $0x400;
	s31 =	simm.s32 $0x180;
	[sflag:s18] =	ssyncadd.s32 $0xFFFFC000  }
.LBB2_7:
0x3f: {  	[tilespmem:s22], [sflag:$0x2] =	stream.indirect.gather [hbm4b:s7+s20], $0x80, s31, s20, $0xb8;
	[tilespmem:$0x1E400] =	vst v63  }
0x40: {  	s0 =	smov.u32 s29  }
0x41: {  	p3 =	sne.s32 s29, $0x4800;
	s29 =	sadd.s32 $0x400, s29;
	_ =	swait.ge [sflag:s23], $0x4000  }
0x42: {  	s0 =	sshra.s32 s0, $0x2;
	[sflag:s23] =	ssyncset.done $0x0  }
0x43: {  	s31 =	sadd.s32 $0x1400, s0;
	[sflag:s23] =	ssyncadd.s32 $0xFFFFC000  }
0x44: {  	[spmem:s1] =	stream.indirect.scatter.add.f32 [tilespmem:s21], [sflag:$0x3], $0x80, s31, s20, $0xb8;
	[tilespmem:$0x1E400] =	vst v63  }
0x45: {  	_ =	swait.ge [sflag:s18], $0x4000  }
0x46: {  	[sflag:s18] =	ssyncset.done $0x0  }
0x47: {  	s31 =	sadd.s32 $0x100, s0;
	[sflag:s18] =	ssyncadd.s32 $0xFFFFC000  }
0x48: {  	[tilespmem:s21], [sflag:$0x1] =	stream.indirect.gather [hbm4b:s7+s20], $0x80, s31, s20, $0xb8;
	[tilespmem:$0x1E400] =	vst v63  }
0x49: {  	_ =	swait.ge [sflag:s24], $0x4000  }
0x4a: {  	[sflag:s24] =	ssyncset.done $0x0  }
.Ltmp3:
0x4b: {  	s31 =	sadd.s32 $0x1480, s0;
	[sflag:s24] =	ssyncadd.s32 $0xFFFFC000;
	(pc) =	sbr.rel @p3 .LBB2_7-.Ltmp3, $4  }
0x4c: {  	[spmem:s1] =	stream.indirect.scatter.add.f32 [tilespmem:s22], [sflag:$0x3], $0x80, s31, s20, $0xb8;
	[tilespmem:$0x1E400] =	vst v63  }
0x4d: {  	_ =	swait.ge [sflag:s18], $0x4000  }
0x4e: {  	[sflag:s18] =	ssyncset.done $0x0  }
0x4f: {  	s31 =	sadd.s32 $0x180, s0;
	[sflag:s18] =	ssyncadd.s32 $0xFFFFC000  }
0x50: {  	[tilespmem:s22], [sflag:$0x2] =	stream.indirect.gather [hbm4b:s7+s20], $0x80, s31, s20, $0xb8;
	[tilespmem:$0x1E400] =	vst v63  }
0x51: {  	_ =	swait.ge [sflag:s23], $0x4000  }
0x52: {  	[sflag:s23] =	ssyncset.done $0x0  }
0x53: {  	[sflag:s23] =	ssyncadd.s32 $0xFFFFC000  }
0x54: {  	[spmem:s1] =	stream.indirect.scatter.add.f32 [tilespmem:s21], [sflag:$0x3], $0x80, s26, s20, $0xb8;
	[tilespmem:$0x1E400] =	vst v63  }
0x55: {  	_ =	swait.ge [sflag:s18], $0x4000  }
0x56: {  	[sflag:s18] =	ssyncset.done $0x0  }
0x57: {  	[sflag:s18] =	ssyncadd.s32 $0xFFFFC000  }
0x58: {  	s30 =	sadd.s32 $0x1, s30;
	_ =	swait.ge [sflag:s24], $0x4000  }
0x59: {  	p3 =	sne.s32 s30, $0x4;
	[sflag:s24] =	ssyncset.done $0x0  }
.Ltmp4:
0x5a: {  	[sflag:s24] =	ssyncadd.s32 $0xFFFFC000;
	(pc) =	sbr.rel @p3 .LBB2_6-.Ltmp4, $4  }
0x5b: {  	[spmem:s1] =	stream.indirect.scatter.add.f32 [tilespmem:s22], [sflag:$0x3], $0x80, s28, s20, $0xb8;
	[tilespmem:$0x1E400] =	vst v63  }
0x5c: {  	_ =	swait.ge [sflag:s18], $0x4000  }
0x5d: {  	[sflag:s18] =	ssyncset.done $0x0  }
0x5e: {  	[sflag:s18] =	ssyncadd.s32 $0xFFFFC000  }
0x5f: {  	[bflag:$0x0] =	sbarrier.arrive $0xFFFF;
	s0 =	sshrl.u32 s13, $0x3  }
0x60: {  	[hbm:s15], [sflag:s11] =	dma.local [spmem:s0], $0x2700  }
.Ltmp5:
0x61: {  	_ = 	snop;
	(pc) =	sbr.rel @p1 .LBB2_11-.Ltmp5, $4  }
.Ltmp6:
0x62: {  	_ = 	snop;
	(pc) =	sbr.rel @!p1 .LBB2_10-.Ltmp6, $4  }
0x63: {  	_ =	swait.ge [sflag:s18], $0x2700  }
0x64: {  	[sflag:s18] =	ssyncset.done $0x0  }
0x65: {  	s29 =	smov.u32 s10;
	[sflag:s18] =	ssyncadd.s32 $0xFFFFD900  }
0x66: {  	_ = 	snop  }
.LBB2_2:
0x67: {  	s30 =	smul.u32 $0x1400, s29;
	_ =	sdelay $0x1  }
0x68: {  	s30 =	sadd.s32 s12, s30  }
0x69: {  	s30 =	sshrl.u32 s30, $0x3  }
0x6a: {  	s0 =	simm.s32 $0x0;
	s31 =	sadd.s32 s3, s30  }
0x6b: {  	[tilespmem:s0], [sflag:$0x3] =	stream.linear.gather [hbm4b:s31+s0], $0x1400, $0x38;
	[tilespmem:$0x1E400] =	vst v63  }
0x6c: {  	_ =	swait.ge [sflag:s18], $0x1400  }
0x6d: {  	[sflag:s18] =	ssyncset.done $0x0  }
0x6e: {  	s30 =	sadd.s32 s5, s30;
	[sflag:s18] =	ssyncadd.s32 $0xFFFFEC00  }
0x6f: {  	[tilespmem:s19], [sflag:$0x3] =	stream.linear.gather [hbm4b:s30+s0], $0x1400, $0x38;
	[tilespmem:$0x1E400] =	vst v63  }
0x70: {  	_ =	swait.ge [sflag:s18], $0x1400  }
0x71: {  	[sflag:s18] =	ssyncset.done $0x0  }
0x72: {  	[sflag:s18] =	ssyncadd.s32 $0xFFFFEC00  }
0x73: {  	[tilespmem:s21], [sflag:$0x1] =	stream.indirect.gather [hbm4b:s6+s20], $0x80, s0, s20, $0xb8;
	[tilespmem:$0x1E400] =	vst v63  }
0x74: {  	_ = 	snop  }
0x75: {  	[tilespmem:s22], [sflag:$0x2] =	stream.indirect.gather [hbm4b:s6+s20], $0x80, s20, s20, $0xb8;
	[tilespmem:$0x1E400] =	vst v63  }
0x76: {  	_ =	swait.ge [sflag:s23], $0x4000  }
0x77: {  	[sflag:s23] =	ssyncset.done $0x0  }
0x78: {  	s0 =	simm.s32 $0x1400;
	[sflag:s23] =	ssyncadd.s32 $0xFFFFC000  }
0x79: {  	[spmem:s1] =	stream.indirect.scatter.add.f32 [tilespmem:s21], [sflag:$0x3], $0x80, s0, s20, $0xb8;
	[tilespmem:$0x1E400] =	vst v63  }
0x7a: {  	_ =	swait.ge [sflag:s18], $0x4000  }
0x7b: {  	[sflag:s18] =	ssyncset.done $0x0  }
0x7c: {  	s0 =	simm.s32 $0x100;
	[sflag:s18] =	ssyncadd.s32 $0xFFFFC000  }
0x7d: {  	[tilespmem:s21], [sflag:$0x1] =	stream.indirect.gather [hbm4b:s6+s20], $0x80, s0, s20, $0xb8;
	[tilespmem:$0x1E400] =	vst v63  }
0x7e: {  	_ =	swait.ge [sflag:s24], $0x4000  }
0x7f: {  	[sflag:s24] =	ssyncset.done $0x0  }
0x80: {  	s0 =	simm.s32 $0x1480;
	[sflag:s24] =	ssyncadd.s32 $0xFFFFC000  }
0x81: {  	[spmem:s1] =	stream.indirect.scatter.add.f32 [tilespmem:s22], [sflag:$0x3], $0x80, s0, s20, $0xb8;
	[tilespmem:$0x1E400] =	vst v63  }
0x82: {  	_ =	swait.ge [sflag:s18], $0x4000  }
0x83: {  	[sflag:s18] =	ssyncset.done $0x0  }
0x84: {  	s31 =	simm.s32 $0x180;
	s30 =	simm.s32 $0x400;
	[sflag:s18] =	ssyncadd.s32 $0xFFFFC000  }
.LBB2_3:
0x85: {  	[tilespmem:s22], [sflag:$0x2] =	stream.indirect.gather [hbm4b:s6+s20], $0x80, s31, s20, $0xb8;
	[tilespmem:$0x1E400] =	vst v63  }
0x86: {  	s0 =	smov.u32 s30  }
0x87: {  	p3 =	sne.s32 s30, $0x4800;
	s30 =	sadd.s32 $0x400, s30;
	_ =	swait.ge [sflag:s23], $0x4000  }
0x88: {  	s0 =	sshra.s32 s0, $0x2;
	[sflag:s23] =	ssyncset.done $0x0  }
0x89: {  	s31 =	sadd.s32 $0x1400, s0;
	[sflag:s23] =	ssyncadd.s32 $0xFFFFC000  }
0x8a: {  	[spmem:s1] =	stream.indirect.scatter.add.f32 [tilespmem:s21], [sflag:$0x3], $0x80, s31, s20, $0xb8;
	[tilespmem:$0x1E400] =	vst v63  }
0x8b: {  	_ =	swait.ge [sflag:s18], $0x4000  }
0x8c: {  	[sflag:s18] =	ssyncset.done $0x0  }
0x8d: {  	s31 =	sadd.s32 $0x100, s0;
	[sflag:s18] =	ssyncadd.s32 $0xFFFFC000  }
0x8e: {  	[tilespmem:s21], [sflag:$0x1] =	stream.indirect.gather [hbm4b:s6+s20], $0x80, s31, s20, $0xb8;
	[tilespmem:$0x1E400] =	vst v63  }
0x8f: {  	_ =	swait.ge [sflag:s24], $0x4000  }
0x90: {  	[sflag:s24] =	ssyncset.done $0x0  }
.Ltmp7:
0x91: {  	s31 =	sadd.s32 $0x1480, s0;
	[sflag:s24] =	ssyncadd.s32 $0xFFFFC000;
	(pc) =	sbr.rel @p3 .LBB2_3-.Ltmp7, $4  }
0x92: {  	[spmem:s1] =	stream.indirect.scatter.add.f32 [tilespmem:s22], [sflag:$0x3], $0x80, s31, s20, $0xb8;
	[tilespmem:$0x1E400] =	vst v63  }
0x93: {  	_ =	swait.ge [sflag:s18], $0x4000  }
0x94: {  	[sflag:s18] =	ssyncset.done $0x0  }
0x95: {  	s31 =	sadd.s32 $0x180, s0;
	[sflag:s18] =	ssyncadd.s32 $0xFFFFC000  }
0x96: {  	[tilespmem:s22], [sflag:$0x2] =	stream.indirect.gather [hbm4b:s6+s20], $0x80, s31, s20, $0xb8;
	[tilespmem:$0x1E400] =	vst v63  }
0x97: {  	_ =	swait.ge [sflag:s23], $0x4000  }
0x98: {  	[sflag:s23] =	ssyncset.done $0x0  }
0x99: {  	[sflag:s23] =	ssyncadd.s32 $0xFFFFC000  }
0x9a: {  	[spmem:s1] =	stream.indirect.scatter.add.f32 [tilespmem:s21], [sflag:$0x3], $0x80, s26, s20, $0xb8;
	[tilespmem:$0x1E400] =	vst v63  }
0x9b: {  	_ =	swait.ge [sflag:s18], $0x4000  }
0x9c: {  	[sflag:s18] =	ssyncset.done $0x0  }
0x9d: {  	[sflag:s18] =	ssyncadd.s32 $0xFFFFC000  }
0x9e: {  	s29 =	sadd.s32 $0x1, s29;
	_ =	swait.ge [sflag:s24], $0x4000  }
0x9f: {  	p3 =	sne.s32 s29, $0x4;
	[sflag:s24] =	ssyncset.done $0x0  }
.Ltmp8:
0xa0: {  	[sflag:s24] =	ssyncadd.s32 $0xFFFFC000;
	(pc) =	sbr.rel @p3 .LBB2_2-.Ltmp8, $4  }
0xa1: {  	[spmem:s1] =	stream.indirect.scatter.add.f32 [tilespmem:s22], [sflag:$0x3], $0x80, s28, s20, $0xb8;
	[tilespmem:$0x1E400] =	vst v63  }
0xa2: {  	_ =	swait.ge [sflag:s18], $0x4000  }
0xa3: {  	[sflag:s18] =	ssyncset.done $0x0  }
0xa4: {  	[sflag:s18] =	ssyncadd.s32 $0xFFFFC000  }
0xa5: {  	[bflag:$0x0] =	sbarrier.arrive $0xFFFF;
	s0 =	sshrl.u32 s13, $0x3  }
0xa6: {  	[hbm:s14], [sflag:s11] =	dma.local [spmem:s0], $0x2700  }
.Ltmp9:
0xa7: {  	_ = 	snop;
	(pc) =	sbr.rel @p2 .LBB2_10-.Ltmp9, $4  }
.Ltmp10:
0xa8: {  	_ = 	snop;
	(pc) =	sbr.rel @!p2 .LBB2_11-.Ltmp10, $4  }
0xa9: {  	_ =	swait.ge [sflag:s18], $0x2700  }
0xaa: {  	[sflag:s18] =	ssyncset.done $0x0  }
0xab: {  	s29 =	smov.u32 s9;
	[sflag:s18] =	ssyncadd.s32 $0xFFFFD900  }
0xac: {  	_ = 	snop  }
.LBB2_12:
0xad: {  	_ =	sfence.sel $0x180000  }
0xae: {  	[bflag:$0x0] =	sbarrier.arrive $0xFFFF  }
0xaf: {  	_ =	strace $0x90000050  }
0xb0: {  	[bflag:$0x2] =	sbarrier.arrive $0xFFFF  }
0xb1: {  	p0 =	sne.s32 s4, $0x0;
	s0 =	rddreg [dreg:$0x2]  }
0xb2: {  	s0 =	sadd.s32 @!p0 $0x100000, s0  }
0xb3: {  	[sflag:s0] =	ssyncadd.tile.s32 @!p0 $0x1;
	_ =	shalt  }
.Lfunc_end2:
_tile_overlayer_lowered:
.L_overlay_start_2:
0xb4: {  	(tag) =	ssettag $0x2  }
0xb5: {  	s0 =	rddreg [dreg:$0x0];
	s2 =	stileid.u32  }
0xb6: {  	s1 =	rddreg [dreg:$0x1];
	p0 =	sne.s32 s2, $0x0  }
0xb7: {  	s3 =	rddreg [dreg:$0x2];
	[bflag:$0x3] =	sbarrier.arrive $0xFFFF;
	s2 =	simm.s32 @!p0 $0x1C03  }
0xb8: {  	[timem:s3], [sflag:s2] =	dma.local @!p0 [hbm:s0], s1  }
0xb9: {  	s0 =	simm.s32 @!p0 $0x3  }
0xba: {  	_ =	swait.ge @!p0 [sflag:s0], s1  }
0xbb: {  	s1 =	ssub.s32 @!p0 $0x0, s1;
	[sflag:s0] =	ssyncset.done @!p0 $0x0  }
0xbc: {  	[sflag:s0] =	ssyncadd.s32 @!p0 s1  }
0xbd: {  	[bflag:$0x3] =	sbarrier.arrive $0xFFFF  }
0xbe: {  	_ =	shalt  }

</sc_bundles>
